<compile_context>
chip_gen: v7x
topology: tpu7x:2x2x1
jax: 0.10.2.dev20260603
libtpu: 0.0.44.dev20260713+nightly
codegen_flags: <defaults>
</compile_context>

<pallas_src>
import functools

import jax
import jax.numpy as jnp
from jax import lax
from jax.experimental import pallas as pl
from jax.experimental.pallas import tpu as pltpu
from jax.experimental.pallas import tpu_sc as plsc

NUM_CORES = 2
NUM_SUBCORES = 16
NUM_WORKERS = NUM_CORES * NUM_SUBCORES
LANES = 16
ILIST = 128
SUB = 2
GROUP = SUB * ILIST
NBUF = 2
FGROUP = 128
SLOT_START = 49

SC_TOKENS = 180224
TB = 2048


def _sc_build(num_tokens, dim, pad_rows):
  tok_per_tile = num_tokens // NUM_WORKERS
  num_groups = tok_per_tile // GROUP
  num_fgroups = tok_per_tile // FGROUP
  assert tok_per_tile * NUM_WORKERS == num_tokens
  assert num_groups * GROUP == tok_per_tile
  assert num_fgroups * FGROUP == tok_per_tile
  assert num_groups % NBUF == 0 and num_groups // NBUF >= 2
  assert dim % LANES == 0

  mesh = plsc.VectorSubcoreMesh(
      core_axis_name="c", subcore_axis_name="s",
      num_cores=NUM_CORES, num_subcores=NUM_SUBCORES)

  @functools.partial(
      pl.kernel,
      out_type=jax.ShapeDtypeStruct((num_tokens + pad_rows, dim), jnp.float32),
      mesh=mesh,
      scratch_types=[
          pltpu.VMEM((tok_per_tile,), jnp.int32),
          pltpu.VMEM((NBUF, GROUP, dim), jnp.float32),
          pltpu.VMEM((NBUF, SUB, ILIST), jnp.int32),
          pltpu.VMEM((FGROUP,), jnp.int32),
          pltpu.VMEM((FGROUP,), jnp.int32),
          pltpu.VMEM((FGROUP, dim), jnp.float32),
          [pltpu.SemaphoreType.DMA] * NBUF,
          [pltpu.SemaphoreType.DMA] * NBUF,
      ],
      compiler_params=pltpu.CompilerParams(needs_layout_passes=False),
  )
  def gather_kernel(emb, slot, idx_hbm, out, idx_v, rows, idxs, sidx, spos,
                    frows, sem_g, sem_w):
    wid = lax.axis_index("s") * NUM_CORES + lax.axis_index("c")
    base = wid * tok_per_tile
    dump_row = num_tokens + wid
    lane = lax.broadcasted_iota(jnp.int32, (LANES,), 0)

    pltpu.sync_copy(idx_hbm.at[pl.ds(base, tok_per_tile)], idx_v)

    def start_gather(g, b):
      for s in range(SUB):
        for k in range(ILIST // LANES):
          idxs[b, s, pl.ds(k * LANES, LANES)] = idx_v[
              pl.ds(g * GROUP + s * ILIST + k * LANES, LANES)]
      for s in range(SUB):
        pltpu.async_copy(
            emb.at[idxs.at[b].at[s]],
            rows.at[b].at[pl.ds(s * ILIST, ILIST)], sem_g[b])

    def wait_gather(b):
      for s in range(SUB):
        pltpu.make_async_copy(
            emb.at[pl.ds(0, ILIST)],
            rows.at[b].at[pl.ds(s * ILIST, ILIST)], sem_g[b]).wait()

    def start_write(g, b):
      pltpu.async_copy(
          rows.at[b], out.at[pl.ds(base + g * GROUP, GROUP)], sem_w[b])

    def wait_write(b):
      pltpu.make_async_copy(
          rows.at[b], out.at[pl.ds(base, GROUP)], sem_w[b]).wait()

    for g in range(NBUF - 1):
      start_gather(g, g)

    wait_gather(0)
    start_write(0, 0)
    start_gather(NBUF - 1, NBUF - 1)

    def ring_block(k, first, last):
      def step(g, b):
        wait_gather(b)
        start_write(g, b)
        bp = (b - 1) % NBUF
        wait_write(bp)
        if not last or b == 0:
          start_gather(g + NBUF - 1, bp)

      for b in range(NBUF):
        g = k * NBUF + b
        if first and b == 0:
          continue
        if last and b > 0:
          wait_gather(b)
          start_write(g, b)
          wait_write(b - 1)
        else:
          step(g, b)

    ring_block(0, True, False)
    lax.fori_loop(
        1, num_groups // NBUF - 1,
        lambda k, _: (ring_block(k, False, False), ())[1], (), unroll=False)
    ring_block(num_groups // NBUF - 1, False, True)
    wait_write(NBUF - 1)

    def fixup_body(fg, _):
      loff = fg * FGROUP
      m_any = idx_v[pl.ds(loff, LANES)] <= SLOT_START
      for j in range(1, FGROUP // LANES):
        m_any = m_any | (idx_v[pl.ds(loff + j * LANES, LANES)] <= SLOT_START)

      @pl.when(jnp.any(m_any))
      def _fixup():
        for j in range(FGROUP // LANES):
          v = idx_v[pl.ds(loff + j * LANES, LANES)]
          m = v <= SLOT_START
          sidx[pl.ds(j * LANES, LANES)] = jnp.where(m, SLOT_START - v, 0)
          spos[pl.ds(j * LANES, LANES)] = jnp.where(
              m, base + loff + j * LANES + lane, dump_row)
        pltpu.sync_copy(slot.at[sidx], frows)
        pltpu.sync_copy(frows, out.at[spos])

      return ()

    lax.fori_loop(0, num_fgroups, fixup_body, (), unroll=False)

  return gather_kernel


def _tc_build(num_words, num_slots, dim, num_tokens, tc_start, tc_tokens):
  assert tc_tokens % TB == 0 and tc_start % TB == 0
  nblk = tc_tokens // TB
  blk0 = tc_start // TB

  def body(idx_ref, emb_ref, slot_ref, out_ref, table, sem):
    @pl.when(pl.program_id(0) == 0)
    def _init():
      pltpu.make_async_copy(emb_ref, table, sem).start()
      pltpu.make_async_copy(emb_ref, table, sem).wait()
      for k in range(num_slots):
        table[pl.ds(k, 1), :] = slot_ref[pl.ds(SLOT_START - k, 1), :]

    def row(i, _):
      s = idx_ref[0, 0, i]
      out_ref[pl.ds(i, 1), :] = table[pl.ds(s, 1), :]
      return ()

    lax.fori_loop(0, TB, row, (), unroll=32)

  return pl.pallas_call(
      body,
      grid=(nblk,),
      in_specs=[
          pl.BlockSpec((1, 1, TB), lambda i: (i, 0, 0),
                       memory_space=pltpu.SMEM),
          pl.BlockSpec(memory_space=pl.ANY),
          pl.BlockSpec((num_slots, dim), lambda i: (0, 0)),
      ],
      out_specs=pl.BlockSpec((TB, dim), lambda i: (blk0 + i, 0)),
      out_shape=jax.ShapeDtypeStruct((num_tokens, dim), jnp.float32),
      scratch_shapes=[
          pltpu.VMEM((num_words, dim), jnp.float32),
          pltpu.SemaphoreType.DMA,
      ],
      compiler_params=pltpu.CompilerParams(
          dimension_semantics=("arbitrary",),
          vmem_limit_bytes=100 * 1024 * 1024,
          disable_bounds_checks=True,
      ),
  )


def kernel(embeddings, slot_embeddings, _input):
  batch, seq = _input.shape
  num_words, dim = embeddings.shape
  num_slots = slot_embeddings.shape[0]
  num_tokens = batch * seq
  idx = _input.reshape(num_tokens)

  sc_tokens = SC_TOKENS
  tc_tokens = num_tokens - sc_tokens

  sc_out = _sc_build(sc_tokens, dim, NUM_WORKERS)(
      embeddings, slot_embeddings, idx[:sc_tokens])

  idx_tc = idx[sc_tokens:].reshape(tc_tokens // TB, 1, TB)
  full = _tc_build(num_words, num_slots, dim, num_tokens, sc_tokens,
                   tc_tokens)(idx_tc, embeddings, slot_embeddings)

  full = lax.dynamic_update_slice(full, sc_out[:sc_tokens], (0, 0))
  return full.reshape(batch, seq, dim)

# --- scband reference (transcript-rebuilt; emitter-appended) ---
"""Pipeline reference for scband-embedding-module-3289944949532 (READ-ONLY COPY).

The authoritative reference and input builder live on the scoring server;
editing this copy changes nothing except your own understanding.
"""

import jax, jax.numpy as jnp
import numpy as np

NUM_WORDS = 100000
EMBED_DIM = 128
NUM_SLOTS = 50
SLOT_START_INDEX = 49
BATCH = 4096
SEQ = 200


def setup_inputs(seed: int = 0) -> dict:
    key = jax.random.key(seed)
    k1, k2, k3 = jax.random.split(key, 3)
    _input = jax.random.randint(k1, (BATCH, SEQ), 0, NUM_WORDS, dtype=jnp.int32)
    embeddings = jax.random.normal(k2, (NUM_WORDS, EMBED_DIM), dtype=jnp.float32) * 0.02
    slot_embeddings = jax.random.normal(k3, (NUM_SLOTS, EMBED_DIM), dtype=jnp.float32) * 0.02
    return {"embeddings": embeddings, "slot_embeddings": slot_embeddings, "_input": _input}


def reference(embeddings, slot_embeddings, _input):
    # EmbeddingModule.forward with use_pos_encods=False, skip_slots=False,
    # slot_mask/slot_vals/slot_lengths=None, use_slot_value_embeddings=False,
    # embed_dropout=0.0 (RNNDropout is identity at p=0 / eval mode).
    embed_input = jnp.clip(_input, 0, NUM_WORDS - 1)
    embeds = jnp.take(embeddings, embed_input, axis=0)
    # slot embedding branch (use_slot_embeddings=True)
    slot_input = jnp.clip(SLOT_START_INDEX - _input, 0, NUM_SLOTS - 1)
    slot_embeds = jnp.take(slot_embeddings, slot_input, axis=0)
    is_slot_embed = (_input <= SLOT_START_INDEX).astype(jnp.float32)
    is_slot_embed = is_slot_embed.reshape(_input.shape + (1,))
    out = (1.0 - is_slot_embed) * embeds + is_slot_embed * slot_embeds
    return out

if __name__ == "__main__":
    import jax
    _d = setup_inputs()
    print(jax.jit(kernel)(*tuple(_d.values())))

</pallas_src>

<mosaic_0001>
#map = affine_map<(d0, d1) -> (0, 0)>
#map1 = affine_map<(d0, d1) -> (0)>
module attributes {stable_mosaic.version = 14 : i64} {
  func.func @gather_kernel(%arg0: i32, %arg1: i32, %arg2: memref<100000x128xf32, #tpu.memory_space<hbm>>, %arg3: memref<50x128xf32, #tpu.memory_space<hbm>>, %arg4: memref<180224xi32, #tpu.memory_space<hbm>>, %arg5: memref<180256x128xf32, #tpu.memory_space<hbm>>, %arg6: memref<5632xi32, #tpu.memory_space<vmem>>, %arg7: memref<2x256x128xf32, #tpu.memory_space<vmem>>, %arg8: memref<2x2x128xi32, #tpu.memory_space<vmem>>, %arg9: memref<128xi32, #tpu.memory_space<vmem>>, %arg10: memref<128xi32, #tpu.memory_space<vmem>>, %arg11: memref<128x128xf32, #tpu.memory_space<vmem>>, %arg12: memref<!tpu.dma_semaphore, #tpu.memory_space<semaphore_mem>>, %arg13: memref<!tpu.dma_semaphore, #tpu.memory_space<semaphore_mem>>, %arg14: memref<!tpu.dma_semaphore, #tpu.memory_space<semaphore_mem>>, %arg15: memref<!tpu.dma_semaphore, #tpu.memory_space<semaphore_mem>>) attributes {dimension_semantics = [#tpu.dimension_semantics<core_parallel>, #tpu.dimension_semantics<subcore_parallel>], iteration_bounds = array<i64: 2, 16>, scalar_prefetch = 0 : i64, scratch_operands = 10 : i64, tpu.core_type = #tpu.core_type<sc_vector_subcore>, window_params = [{transform_indices = #map}, {transform_indices = #map}, {transform_indices = #map1}, {transform_indices = #map}]} {
    %mul3A = arith.constant 2 : i32
    %mul3A_0 = arith.muli %arg1, %mul3A : i32
    %add3A = arith.addi %mul3A_0, %arg0 : i32
    %mul3A_1 = arith.constant 5632 : i32
    %mul3A_2 = arith.muli %add3A, %mul3A_1 : i32
    %add3A_3 = arith.constant 180224 : i32
    %add3A_4 = arith.addi %add3A_3, %add3A : i32
    %iota3A = tpu.iota {dimensions = array<i32: 0>} : vector<16xi32>
    "tpu.region"() ({
      %run_scoped3A = tpu.sem_alloc : memref<!tpu.dma_semaphore, #tpu.memory_space<semaphore_mem>>
      %dma_start3A_962 = tpu.memref_slice %arg4[%mul3A_2] : memref<180224xi32, #tpu.memory_space<hbm>> -> memref<5632xi32, #tpu.memory_space<hbm>>
      %dma_start3A_963 = tpu.memref_slice %arg4[%mul3A_2] : memref<180224xi32, #tpu.memory_space<hbm>> -> memref<5632xi32, #tpu.memory_space<hbm>>
      tpu.enqueue_dma source(%dma_start3A_963 : memref<5632xi32, #tpu.memory_space<hbm>>) target(%arg6 : memref<5632xi32, #tpu.memory_space<vmem>>) target_semaphore(%run_scoped3A : memref<!tpu.dma_semaphore, #tpu.memory_space<semaphore_mem>>)
      %dma_wait3A_964 = tpu.memref_slice %arg4[%mul3A_2] : memref<180224xi32, #tpu.memory_space<hbm>> -> memref<5632xi32, #tpu.memory_space<hbm>>
      %dma_wait3A_965 = tpu.memref_slice %arg4[%mul3A_2] : memref<180224xi32, #tpu.memory_space<hbm>> -> memref<5632xi32, #tpu.memory_space<hbm>>
      tpu.wait_dma2 semaphore(%run_scoped3A : memref<!tpu.dma_semaphore, #tpu.memory_space<semaphore_mem>>) src(%dma_wait3A_965 : memref<5632xi32, #tpu.memory_space<hbm>>) dst(%arg6 : memref<5632xi32, #tpu.memory_space<vmem>>)
      tpu.yield
    }) : () -> ()
    %get3A = arith.constant 0 : index
    %get3A_5 = tpu.vector_load %arg6[%get3A] {strides = array<i32>} : memref<5632xi32, #tpu.memory_space<vmem>>, vector<16xi32>,
    %swap3A = arith.constant 0 : i32
    %swap3A_6 = arith.constant 0 : i32
    %swap3A_7 = arith.index_cast %swap3A : i32 to index
    %swap3A_8 = arith.index_cast %swap3A_6 : i32 to index
    %swap3A_9 = arith.constant 0 : index
    %swap3A_10 = tpu.vector_load %arg8[%swap3A_7, %swap3A_8, %swap3A_9] {strides = array<i32>} : memref<2x2x128xi32, #tpu.memory_space<vmem>>, vector<16xi32>,
    tpu.vector_store %arg8[%swap3A_7, %swap3A_8, %swap3A_9], %get3A_5 {strides = array<i32>} : memref<2x2x128xi32, #tpu.memory_space<vmem>>, vector<16xi32>,
    %get3A_11 = arith.constant 16 : index
    %get3A_12 = tpu.vector_load %arg6[%get3A_11] {strides = array<i32>} : memref<5632xi32, #tpu.memory_space<vmem>>, vector<16xi32>,
    %swap3A_13 = arith.constant 0 : i32
    %swap3A_14 = arith.constant 0 : i32
    %swap3A_15 = arith.index_cast %swap3A_13 : i32 to index
    %swap3A_16 = arith.index_cast %swap3A_14 : i32 to index
    %swap3A_17 = arith.constant 16 : index
    %swap3A_18 = tpu.vector_load %arg8[%swap3A_15, %swap3A_16, %swap3A_17] {strides = array<i32>} : memref<2x2x128xi32, #tpu.memory_space<vmem>>, vector<16xi32>,
    tpu.vector_store %arg8[%swap3A_15, %swap3A_16, %swap3A_17], %get3A_12 {strides = array<i32>} : memref<2x2x128xi32, #tpu.memory_space<vmem>>, vector<16xi32>,
    %get3A_19 = arith.constant 32 : index
    %get3A_20 = tpu.vector_load %arg6[%get3A_19] {strides = array<i32>} : memref<5632xi32, #tpu.memory_space<vmem>>, vector<16xi32>,
    %swap3A_21 = arith.constant 0 : i32
    %swap3A_22 = arith.constant 0 : i32
    %swap3A_23 = arith.index_cast %swap3A_21 : i32 to index
    %swap3A_24 = arith.index_cast %swap3A_22 : i32 to index
    %swap3A_25 = arith.constant 32 : index
    %swap3A_26 = tpu.vector_load %arg8[%swap3A_23, %swap3A_24, %swap3A_25] {strides = array<i32>} : memref<2x2x128xi32, #tpu.memory_space<vmem>>, vector<16xi32>,
    tpu.vector_store %arg8[%swap3A_23, %swap3A_24, %swap3A_25], %get3A_20 {strides = array<i32>} : memref<2x2x128xi32, #tpu.memory_space<vmem>>, vector<16xi32>,
    %get3A_27 = arith.constant 48 : index
    %get3A_28 = tpu.vector_load %arg6[%get3A_27] {strides = array<i32>} : memref<5632xi32, #tpu.memory_space<vmem>>, vector<16xi32>,
    %swap3A_29 = arith.constant 0 : i32
    %swap3A_30 = arith.constant 0 : i32
    %swap3A_31 = arith.index_cast %swap3A_29 : i32 to index
    %swap3A_32 = arith.index_cast %swap3A_30 : i32 to index
    %swap3A_33 = arith.constant 48 : index
    %swap3A_34 = tpu.vector_load %arg8[%swap3A_31, %swap3A_32, %swap3A_33] {strides = array<i32>} : memref<2x2x128xi32, #tpu.memory_space<vmem>>, vector<16xi32>,
    tpu.vector_store %arg8[%swap3A_31, %swap3A_32, %swap3A_33], %get3A_28 {strides = array<i32>} : memref<2x2x128xi32, #tpu.memory_space<vmem>>, vector<16xi32>,
    %get3A_35 = arith.constant 64 : index
    %get3A_36 = tpu.vector_load %arg6[%get3A_35] {strides = array<i32>} : memref<5632xi32, #tpu.memory_space<vmem>>, vector<16xi32>,
    %swap3A_37 = arith.constant 0 : i32
    %swap3A_38 = arith.constant 0 : i32
    %swap3A_39 = arith.index_cast %swap3A_37 : i32 to index
    %swap3A_40 = arith.index_cast %swap3A_38 : i32 to index
    %swap3A_41 = arith.constant 64 : index
    %swap3A_42 = tpu.vector_load %arg8[%swap3A_39, %swap3A_40, %swap3A_41] {strides = array<i32>} : memref<2x2x128xi32, #tpu.memory_space<vmem>>, vector<16xi32>,
    tpu.vector_store %arg8[%swap3A_39, %swap3A_40, %swap3A_41], %get3A_36 {strides = array<i32>} : memref<2x2x128xi32, #tpu.memory_space<vmem>>, vector<16xi32>,
    %get3A_43 = arith.constant 80 : index
    %get3A_44 = tpu.vector_load %arg6[%get3A_43] {strides = array<i32>} : memref<5632xi32, #tpu.memory_space<vmem>>, vector<16xi32>,
    %swap3A_45 = arith.constant 0 : i32
    %swap3A_46 = arith.constant 0 : i32
    %swap3A_47 = arith.index_cast %swap3A_45 : i32 to index
    %swap3A_48 = arith.index_cast %swap3A_46 : i32 to index
    %swap3A_49 = arith.constant 80 : index
    %swap3A_50 = tpu.vector_load %arg8[%swap3A_47, %swap3A_48, %swap3A_49] {strides = array<i32>} : memref<2x2x128xi32, #tpu.memory_space<vmem>>, vector<16xi32>,
    tpu.vector_store %arg8[%swap3A_47, %swap3A_48, %swap3A_49], %get3A_44 {strides = array<i32>} : memref<2x2x128xi32, #tpu.memory_space<vmem>>, vector<16xi32>,
    %get3A_51 = arith.constant 96 : index
    %get3A_52 = tpu.vector_load %arg6[%get3A_51] {strides = array<i32>} : memref<5632xi32, #tpu.memory_space<vmem>>, vector<16xi32>,
    %swap3A_53 = arith.constant 0 : i32
    %swap3A_54 = arith.constant 0 : i32
    %swap3A_55 = arith.index_cast %swap3A_53 : i32 to index
    %swap3A_56 = arith.index_cast %swap3A_54 : i32 to index
    %swap3A_57 = arith.constant 96 : index
    %swap3A_58 = tpu.vector_load %arg8[%swap3A_55, %swap3A_56, %swap3A_57] {strides = array<i32>} : memref<2x2x128xi32, #tpu.memory_space<vmem>>, vector<16xi32>,
    tpu.vector_store %arg8[%swap3A_55, %swap3A_56, %swap3A_57], %get3A_52 {strides = array<i32>} : memref<2x2x128xi32, #tpu.memory_space<vmem>>, vector<16xi32>,
    %get3A_59 = arith.constant 112 : index
    %get3A_60 = tpu.vector_load %arg6[%get3A_59] {strides = array<i32>} : memref<5632xi32, #tpu.memory_space<vmem>>, vector<16xi32>,
    %swap3A_61 = arith.constant 0 : i32
    %swap3A_62 = arith.constant 0 : i32
    %swap3A_63 = arith.index_cast %swap3A_61 : i32 to index
    %swap3A_64 = arith.index_cast %swap3A_62 : i32 to index
    %swap3A_65 = arith.constant 112 : index
    %swap3A_66 = tpu.vector_load %arg8[%swap3A_63, %swap3A_64, %swap3A_65] {strides = array<i32>} : memref<2x2x128xi32, #tpu.memory_space<vmem>>, vector<16xi32>,
    tpu.vector_store %arg8[%swap3A_63, %swap3A_64, %swap3A_65], %get3A_60 {strides = array<i32>} : memref<2x2x128xi32, #tpu.memory_space<vmem>>, vector<16xi32>,
    %get3A_67 = arith.constant 128 : index
    %get3A_68 = tpu.vector_load %arg6[%get3A_67] {strides = array<i32>} : memref<5632xi32, #tpu.memory_space<vmem>>, vector<16xi32>,
    %swap3A_69 = arith.constant 0 : i32
    %swap3A_70 = arith.constant 1 : i32
    %swap3A_71 = arith.index_cast %swap3A_69 : i32 to index
    %swap3A_72 = arith.index_cast %swap3A_70 : i32 to index
    %swap3A_73 = arith.constant 0 : index
    %swap3A_74 = tpu.vector_load %arg8[%swap3A_71, %swap3A_72, %swap3A_73] {strides = array<i32>} : memref<2x2x128xi32, #tpu.memory_space<vmem>>, vector<16xi32>,
    tpu.vector_store %arg8[%swap3A_71, %swap3A_72, %swap3A_73], %get3A_68 {strides = array<i32>} : memref<2x2x128xi32, #tpu.memory_space<vmem>>, vector<16xi32>,
    %get3A_75 = arith.constant 144 : index
    %get3A_76 = tpu.vector_load %arg6[%get3A_75] {strides = array<i32>} : memref<5632xi32, #tpu.memory_space<vmem>>, vector<16xi32>,
    %swap3A_77 = arith.constant 0 : i32
    %swap3A_78 = arith.constant 1 : i32
    %swap3A_79 = arith.index_cast %swap3A_77 : i32 to index
    %swap3A_80 = arith.index_cast %swap3A_78 : i32 to index
    %swap3A_81 = arith.constant 16 : index
    %swap3A_82 = tpu.vector_load %arg8[%swap3A_79, %swap3A_80, %swap3A_81] {strides = array<i32>} : memref<2x2x128xi32, #tpu.memory_space<vmem>>, vector<16xi32>,
    tpu.vector_store %arg8[%swap3A_79, %swap3A_80, %swap3A_81], %get3A_76 {strides = array<i32>} : memref<2x2x128xi32, #tpu.memory_space<vmem>>, vector<16xi32>,
    %get3A_83 = arith.constant 160 : index
    %get3A_84 = tpu.vector_load %arg6[%get3A_83] {strides = array<i32>} : memref<5632xi32, #tpu.memory_space<vmem>>, vector<16xi32>,
    %swap3A_85 = arith.constant 0 : i32
    %swap3A_86 = arith.constant 1 : i32
    %swap3A_87 = arith.index_cast %swap3A_85 : i32 to index
    %swap3A_88 = arith.index_cast %swap3A_86 : i32 to index
    %swap3A_89 = arith.constant 32 : index
    %swap3A_90 = tpu.vector_load %arg8[%swap3A_87, %swap3A_88, %swap3A_89] {strides = array<i32>} : memref<2x2x128xi32, #tpu.memory_space<vmem>>, vector<16xi32>,
    tpu.vector_store %arg8[%swap3A_87, %swap3A_88, %swap3A_89], %get3A_84 {strides = array<i32>} : memref<2x2x128xi32, #tpu.memory_space<vmem>>, vector<16xi32>,
    %get3A_91 = arith.constant 176 : index
    %get3A_92 = tpu.vector_load %arg6[%get3A_91] {strides = array<i32>} : memref<5632xi32, #tpu.memory_space<vmem>>, vector<16xi32>,
    %swap3A_93 = arith.constant 0 : i32
    %swap3A_94 = arith.constant 1 : i32
    %swap3A_95 = arith.index_cast %swap3A_93 : i32 to index
    %swap3A_96 = arith.index_cast %swap3A_94 : i32 to index
    %swap3A_97 = arith.constant 48 : index
    %swap3A_98 = tpu.vector_load %arg8[%swap3A_95, %swap3A_96, %swap3A_97] {strides = array<i32>} : memref<2x2x128xi32, #tpu.memory_space<vmem>>, vector<16xi32>,
    tpu.vector_store %arg8[%swap3A_95, %swap3A_96, %swap3A_97], %get3A_92 {strides = array<i32>} : memref<2x2x128xi32, #tpu.memory_space<vmem>>, vector<16xi32>,
    %get3A_99 = arith.constant 192 : index
    %get3A_100 = tpu.vector_load %arg6[%get3A_99] {strides = array<i32>} : memref<5632xi32, #tpu.memory_space<vmem>>, vector<16xi32>,
    %swap3A_101 = arith.constant 0 : i32
    %swap3A_102 = arith.constant 1 : i32
    %swap3A_103 = arith.index_cast %swap3A_101 : i32 to index
    %swap3A_104 = arith.index_cast %swap3A_102 : i32 to index
    %swap3A_105 = arith.constant 64 : index
    %swap3A_106 = tpu.vector_load %arg8[%swap3A_103, %swap3A_104, %swap3A_105] {strides = array<i32>} : memref<2x2x128xi32, #tpu.memory_space<vmem>>, vector<16xi32>,
    tpu.vector_store %arg8[%swap3A_103, %swap3A_104, %swap3A_105], %get3A_100 {strides = array<i32>} : memref<2x2x128xi32, #tpu.memory_space<vmem>>, vector<16xi32>,
    %get3A_107 = arith.constant 208 : index
    %get3A_108 = tpu.vector_load %arg6[%get3A_107] {strides = array<i32>} : memref<5632xi32, #tpu.memory_space<vmem>>, vector<16xi32>,
    %swap3A_109 = arith.constant 0 : i32
    %swap3A_110 = arith.constant 1 : i32
    %swap3A_111 = arith.index_cast %swap3A_109 : i32 to index
    %swap3A_112 = arith.index_cast %swap3A_110 : i32 to index
    %swap3A_113 = arith.constant 80 : index
    %swap3A_114 = tpu.vector_load %arg8[%swap3A_111, %swap3A_112, %swap3A_113] {strides = array<i32>} : memref<2x2x128xi32, #tpu.memory_space<vmem>>, vector<16xi32>,
    tpu.vector_store %arg8[%swap3A_111, %swap3A_112, %swap3A_113], %get3A_108 {strides = array<i32>} : memref<2x2x128xi32, #tpu.memory_space<vmem>>, vector<16xi32>,
    %get3A_115 = arith.constant 224 : index
    %get3A_116 = tpu.vector_load %arg6[%get3A_115] {strides = array<i32>} : memref<5632xi32, #tpu.memory_space<vmem>>, vector<16xi32>,
    %swap3A_117 = arith.constant 0 : i32
    %swap3A_118 = arith.constant 1 : i32
    %swap3A_119 = arith.index_cast %swap3A_117 : i32 to index
    %swap3A_120 = arith.index_cast %swap3A_118 : i32 to index
    %swap3A_121 = arith.constant 96 : index
    %swap3A_122 = tpu.vector_load %arg8[%swap3A_119, %swap3A_120, %swap3A_121] {strides = array<i32>} : memref<2x2x128xi32, #tpu.memory_space<vmem>>, vector<16xi32>,
    tpu.vector_store %arg8[%swap3A_119, %swap3A_120, %swap3A_121], %get3A_116 {strides = array<i32>} : memref<2x2x128xi32, #tpu.memory_space<vmem>>, vector<16xi32>,
    %get3A_123 = arith.constant 240 : index
    %get3A_124 = tpu.vector_load %arg6[%get3A_123] {strides = array<i32>} : memref<5632xi32, #tpu.memory_space<vmem>>, vector<16xi32>,
    %swap3A_125 = arith.constant 0 : i32
    %swap3A_126 = arith.constant 1 : i32
    %swap3A_127 = arith.index_cast %swap3A_125 : i32 to index
    %swap3A_128 = arith.index_cast %swap3A_126 : i32 to index
    %swap3A_129 = arith.constant 112 : index
    %swap3A_130 = tpu.vector_load %arg8[%swap3A_127, %swap3A_128, %swap3A_129] {strides = array<i32>} : memref<2x2x128xi32, #tpu.memory_space<vmem>>, vector<16xi32>,
    tpu.vector_store %arg8[%swap3A_127, %swap3A_128, %swap3A_129], %get3A_124 {strides = array<i32>} : memref<2x2x128xi32, #tpu.memory_space<vmem>>, vector<16xi32>,
    %dma_start3A = arith.constant 0 : i32
    %dma_start3A_131 = arith.constant 0 : i32
    %dma_start3A_132 = arith.constant 0 : i32
    %dma_start3A_133 = arith.constant 0 : i32
    %dma_start3A_134 = arith.constant 0 : i32
    %dma_start3A_135 = tpu.memref_slice %arg7[%dma_start3A_132, %dma_start3A_133, %dma_start3A_134] : memref<2x256x128xf32, #tpu.memory_space<vmem>> -> memref<1x256x128xf32, #tpu.memory_space<vmem>>
    %dma_start3A_136 = tpu.memref_squeeze %dma_start3A_135 : memref<1x256x128xf32, #tpu.memory_space<vmem>> -> memref<256x128xf32, #tpu.memory_space<vmem>>
    %dma_start3A_137 = arith.constant 0 : i32
    %dma_start3A_138 = arith.constant 0 : i32
    %dma_start3A_139 = tpu.memref_slice %dma_start3A_136[%dma_start3A_137, %dma_start3A_138] : memref<256x128xf32, #tpu.memory_space<vmem>> -> memref<128x128xf32, #tpu.memory_space<vmem>>
    %dma_start3A_140 = arith.constant 0 : i32
    %dma_start3A_141 = arith.constant 0 : i32
    %dma_start3A_142 = tpu.memref_slice %arg8[%dma_start3A, %dma_start3A_140, %dma_start3A_141] : memref<2x2x128xi32, #tpu.memory_space<vmem>> -> memref<1x2x128xi32, #tpu.memory_space<vmem>>
    %dma_start3A_143 = tpu.memref_squeeze %dma_start3A_142 : memref<1x2x128xi32, #tpu.memory_space<vmem>> -> memref<2x128xi32, #tpu.memory_space<vmem>>
    %dma_start3A_144 = arith.constant 0 : i32
    %dma_start3A_145 = tpu.memref_slice %dma_start3A_143[%dma_start3A_131, %dma_start3A_144] : memref<2x128xi32, #tpu.memory_space<vmem>> -> memref<1x128xi32, #tpu.memory_space<vmem>>
    %dma_start3A_146 = tpu.memref_squeeze %dma_start3A_145 : memref<1x128xi32, #tpu.memory_space<vmem>> -> memref<128xi32, #tpu.memory_space<vmem>>
    %dma_start3A_147 = arith.constant 0 : i32
    %dma_start3A_148 = arith.constant 0 : i32
    %dma_start3A_149 = tpu.memref_slice %arg2[%dma_start3A_147, %dma_start3A_148] : memref<100000x128xf32, #tpu.memory_space<hbm>> -> memref<100000x128xf32, #tpu.memory_space<hbm>>
    tpu.enqueue_indirect_dma source(%dma_start3A_149 : memref<100000x128xf32, #tpu.memory_space<hbm>>) target(%dma_start3A_139 : memref<128x128xf32, #tpu.memory_space<vmem>>) offsets(%dma_start3A_146 : memref<128xi32, #tpu.memory_space<vmem>>) semaphore(%arg12 : memref<!tpu.dma_semaphore, #tpu.memory_space<semaphore_mem>>)
    %dma_start3A_150 = arith.constant 0 : i32
    %dma_start3A_151 = arith.constant 1 : i32
    %dma_start3A_152 = arith.constant 0 : i32
    %dma_start3A_153 = arith.constant 0 : i32
    %dma_start3A_154 = arith.constant 0 : i32
    %dma_start3A_155 = tpu.memref_slice %arg7[%dma_start3A_152, %dma_start3A_153, %dma_start3A_154] : memref<2x256x128xf32, #tpu.memory_space<vmem>> -> memref<1x256x128xf32, #tpu.memory_space<vmem>>
    %dma_start3A_156 = tpu.memref_squeeze %dma_start3A_155 : memref<1x256x128xf32, #tpu.memory_space<vmem>> -> memref<256x128xf32, #tpu.memory_space<vmem>>
    %dma_start3A_157 = arith.constant 128 : i32
    %dma_start3A_158 = arith.constant 0 : i32
    %dma_start3A_159 = tpu.memref_slice %dma_start3A_156[%dma_start3A_157, %dma_start3A_158] : memref<256x128xf32, #tpu.memory_space<vmem>> -> memref<128x128xf32, #tpu.memory_space<vmem>>
    %dma_start3A_160 = arith.constant 0 : i32
    %dma_start3A_161 = arith.constant 0 : i32
    %dma_start3A_162 = tpu.memref_slice %arg8[%dma_start3A_150, %dma_start3A_160, %dma_start3A_161] : memref<2x2x128xi32, #tpu.memory_space<vmem>> -> memref<1x2x128xi32, #tpu.memory_space<vmem>>
    %dma_start3A_163 = tpu.memref_squeeze %dma_start3A_162 : memref<1x2x128xi32, #tpu.memory_space<vmem>> -> memref<2x128xi32, #tpu.memory_space<vmem>>
    %dma_start3A_164 = arith.constant 0 : i32
    %dma_start3A_165 = tpu.memref_slice %dma_start3A_163[%dma_start3A_151, %dma_start3A_164] : memref<2x128xi32, #tpu.memory_space<vmem>> -> memref<1x128xi32, #tpu.memory_space<vmem>>
    %dma_start3A_166 = tpu.memref_squeeze %dma_start3A_165 : memref<1x128xi32, #tpu.memory_space<vmem>> -> memref<128xi32, #tpu.memory_space<vmem>>
    %dma_start3A_167 = arith.constant 0 : i32
    %dma_start3A_168 = arith.constant 0 : i32
    %dma_start3A_169 = tpu.memref_slice %arg2[%dma_start3A_167, %dma_start3A_168] : memref<100000x128xf32, #tpu.memory_space<hbm>> -> memref<100000x128xf32, #tpu.memory_space<hbm>>
    tpu.enqueue_indirect_dma source(%dma_start3A_169 : memref<100000x128xf32, #tpu.memory_space<hbm>>) target(%dma_start3A_159 : memref<128x128xf32, #tpu.memory_space<vmem>>) offsets(%dma_start3A_166 : memref<128xi32, #tpu.memory_space<vmem>>) semaphore(%arg12 : memref<!tpu.dma_semaphore, #tpu.memory_space<semaphore_mem>>)
    %dma_wait3A = arith.constant 0 : i32
    %dma_wait3A_170 = arith.constant 0 : i32
    %dma_wait3A_171 = arith.constant 0 : i32
    %dma_wait3A_172 = tpu.memref_slice %arg7[%dma_wait3A, %dma_wait3A_170, %dma_wait3A_171] : memref<2x256x128xf32, #tpu.memory_space<vmem>> -> memref<1x256x128xf32, #tpu.memory_space<vmem>>
    %dma_wait3A_173 = tpu.memref_squeeze %dma_wait3A_172 : memref<1x256x128xf32, #tpu.memory_space<vmem>> -> memref<256x128xf32, #tpu.memory_space<vmem>>
    %dma_wait3A_174 = arith.constant 0 : i32
    %dma_wait3A_175 = arith.constant 0 : i32
    %dma_wait3A_176 = tpu.memref_slice %dma_wait3A_173[%dma_wait3A_174, %dma_wait3A_175] : memref<256x128xf32, #tpu.memory_space<vmem>> -> memref<128x128xf32, #tpu.memory_space<vmem>>
    %dma_wait3A_177 = arith.constant 0 : i32
    %dma_wait3A_178 = arith.constant 0 : i32
    %dma_wait3A_179 = tpu.memref_slice %arg2[%dma_wait3A_177, %dma_wait3A_178] : memref<100000x128xf32, #tpu.memory_space<hbm>> -> memref<128x128xf32, #tpu.memory_space<hbm>>
    %dma_wait3A_180 = arith.constant 0 : i32
    %dma_wait3A_181 = arith.constant 0 : i32
    %dma_wait3A_182 = tpu.memref_slice %arg7[%dma_wait3A, %dma_wait3A_180, %dma_wait3A_181] : memref<2x256x128xf32, #tpu.memory_space<vmem>> -> memref<1x256x128xf32, #tpu.memory_space<vmem>>
    %dma_wait3A_183 = tpu.memref_squeeze %dma_wait3A_182 : memref<1x256x128xf32, #tpu.memory_space<vmem>> -> memref<256x128xf32, #tpu.memory_space<vmem>>
    %dma_wait3A_184 = arith.constant 0 : i32
    %dma_wait3A_185 = arith.constant 0 : i32
    %dma_wait3A_186 = tpu.memref_slice %dma_wait3A_183[%dma_wait3A_184, %dma_wait3A_185] : memref<256x128xf32, #tpu.memory_space<vmem>> -> memref<128x128xf32, #tpu.memory_space<vmem>>
    %dma_wait3A_187 = arith.constant 0 : i32
    %dma_wait3A_188 = arith.constant 0 : i32
    %dma_wait3A_189 = tpu.memref_slice %arg2[%dma_wait3A_187, %dma_wait3A_188] : memref<100000x128xf32, #tpu.memory_space<hbm>> -> memref<128x128xf32, #tpu.memory_space<hbm>>
    tpu.wait_dma2 semaphore(%arg12 : memref<!tpu.dma_semaphore, #tpu.memory_space<semaphore_mem>>) src(%dma_wait3A_189 : memref<128x128xf32, #tpu.memory_space<hbm>>) dst(%dma_wait3A_186 : memref<128x128xf32, #tpu.memory_space<vmem>>)
    %dma_wait3A_190 = arith.constant 0 : i32
    %dma_wait3A_191 = arith.constant 0 : i32
    %dma_wait3A_192 = arith.constant 0 : i32
    %dma_wait3A_193 = tpu.memref_slice %arg7[%dma_wait3A_190, %dma_wait3A_191, %dma_wait3A_192] : memref<2x256x128xf32, #tpu.memory_space<vmem>> -> memref<1x256x128xf32, #tpu.memory_space<vmem>>
    %dma_wait3A_194 = tpu.memref_squeeze %dma_wait3A_193 : memref<1x256x128xf32, #tpu.memory_space<vmem>> -> memref<256x128xf32, #tpu.memory_space<vmem>>
    %dma_wait3A_195 = arith.constant 128 : i32
    %dma_wait3A_196 = arith.constant 0 : i32
    %dma_wait3A_197 = tpu.memref_slice %dma_wait3A_194[%dma_wait3A_195, %dma_wait3A_196] : memref<256x128xf32, #tpu.memory_space<vmem>> -> memref<128x128xf32, #tpu.memory_space<vmem>>
    %dma_wait3A_198 = arith.constant 0 : i32
    %dma_wait3A_199 = arith.constant 0 : i32
    %dma_wait3A_200 = tpu.memref_slice %arg2[%dma_wait3A_198, %dma_wait3A_199] : memref<100000x128xf32, #tpu.memory_space<hbm>> -> memref<128x128xf32, #tpu.memory_space<hbm>>
    %dma_wait3A_201 = arith.constant 0 : i32
    %dma_wait3A_202 = arith.constant 0 : i32
    %dma_wait3A_203 = tpu.memref_slice %arg7[%dma_wait3A_190, %dma_wait3A_201, %dma_wait3A_202] : memref<2x256x128xf32, #tpu.memory_space<vmem>> -> memref<1x256x128xf32, #tpu.memory_space<vmem>>
    %dma_wait3A_204 = tpu.memref_squeeze %dma_wait3A_203 : memref<1x256x128xf32, #tpu.memory_space<vmem>> -> memref<256x128xf32, #tpu.memory_space<vmem>>
    %dma_wait3A_205 = arith.constant 128 : i32
    %dma_wait3A_206 = arith.constant 0 : i32
    %dma_wait3A_207 = tpu.memref_slice %dma_wait3A_204[%dma_wait3A_205, %dma_wait3A_206] : memref<256x128xf32, #tpu.memory_space<vmem>> -> memref<128x128xf32, #tpu.memory_space<vmem>>
    %dma_wait3A_208 = arith.constant 0 : i32
    %dma_wait3A_209 = arith.constant 0 : i32
    %dma_wait3A_210 = tpu.memref_slice %arg2[%dma_wait3A_208, %dma_wait3A_209] : memref<100000x128xf32, #tpu.memory_space<hbm>> -> memref<128x128xf32, #tpu.memory_space<hbm>>
    tpu.wait_dma2 semaphore(%arg12 : memref<!tpu.dma_semaphore, #tpu.memory_space<semaphore_mem>>) src(%dma_wait3A_210 : memref<128x128xf32, #tpu.memory_space<hbm>>) dst(%dma_wait3A_207 : memref<128x128xf32, #tpu.memory_space<vmem>>)
    %add3A_211 = arith.constant 0 : i32
    %add3A_212 = arith.addi %mul3A_2, %add3A_211 : i32
    %dma_start3A_213 = arith.constant 0 : i32
    %dma_start3A_214 = arith.constant 0 : i32
    %dma_start3A_215 = arith.constant 0 : i32
    %dma_start3A_216 = tpu.memref_slice %arg7[%dma_start3A_213, %dma_start3A_214, %dma_start3A_215] : memref<2x256x128xf32, #tpu.memory_space<vmem>> -> memref<1x256x128xf32, #tpu.memory_space<vmem>>
    %dma_start3A_217 = tpu.memref_squeeze %dma_start3A_216 : memref<1x256x128xf32, #tpu.memory_space<vmem>> -> memref<256x128xf32, #tpu.memory_space<vmem>>
    %dma_start3A_218 = arith.constant 0 : i32
    %dma_start3A_219 = tpu.memref_slice %arg5[%add3A_212, %dma_start3A_218] : memref<180256x128xf32, #tpu.memory_space<hbm>> -> memref<256x128xf32, #tpu.memory_space<hbm>>
    %dma_start3A_220 = arith.constant 0 : i32
    %dma_start3A_221 = tpu.memref_slice %arg5[%add3A_212, %dma_start3A_220] : memref<180256x128xf32, #tpu.memory_space<hbm>> -> memref<256x128xf32, #tpu.memory_space<hbm>>
    %dma_start3A_222 = arith.constant 0 : i32
    %dma_start3A_223 = arith.constant 0 : i32
    %dma_start3A_224 = tpu.memref_slice %arg7[%dma_start3A_213, %dma_start3A_222, %dma_start3A_223] : memref<2x256x128xf32, #tpu.memory_space<vmem>> -> memref<1x256x128xf32, #tpu.memory_space<vmem>>
    %dma_start3A_225 = tpu.memref_squeeze %dma_start3A_224 : memref<1x256x128xf32, #tpu.memory_space<vmem>> -> memref<256x128xf32, #tpu.memory_space<vmem>>
    tpu.enqueue_dma source(%dma_start3A_225 : memref<256x128xf32, #tpu.memory_space<vmem>>) target(%dma_start3A_221 : memref<256x128xf32, #tpu.memory_space<hbm>>) target_semaphore(%arg14 : memref<!tpu.dma_semaphore, #tpu.memory_space<semaphore_mem>>)
    %get3A_226 = arith.constant 256 : index
    %get3A_227 = tpu.vector_load %arg6[%get3A_226] {strides = array<i32>} : memref<5632xi32, #tpu.memory_space<vmem>>, vector<16xi32>,
    %swap3A_228 = arith.constant 1 : i32
    %swap3A_229 = arith.constant 0 : i32
    %swap3A_230 = arith.index_cast %swap3A_228 : i32 to index
    %swap3A_231 = arith.index_cast %swap3A_229 : i32 to index
    %swap3A_232 = arith.constant 0 : index
    %swap3A_233 = tpu.vector_load %arg8[%swap3A_230, %swap3A_231, %swap3A_232] {strides = array<i32>} : memref<2x2x128xi32, #tpu.memory_space<vmem>>, vector<16xi32>,
    tpu.vector_store %arg8[%swap3A_230, %swap3A_231, %swap3A_232], %get3A_227 {strides = array<i32>} : memref<2x2x128xi32, #tpu.memory_space<vmem>>, vector<16xi32>,
    %get3A_234 = arith.constant 272 : index
    %get3A_235 = tpu.vector_load %arg6[%get3A_234] {strides = array<i32>} : memref<5632xi32, #tpu.memory_space<vmem>>, vector<16xi32>,
    %swap3A_236 = arith.constant 1 : i32
    %swap3A_237 = arith.constant 0 : i32
    %swap3A_238 = arith.index_cast %swap3A_236 : i32 to index
    %swap3A_239 = arith.index_cast %swap3A_237 : i32 to index
    %swap3A_240 = arith.constant 16 : index
    %swap3A_241 = tpu.vector_load %arg8[%swap3A_238, %swap3A_239, %swap3A_240] {strides = array<i32>} : memref<2x2x128xi32, #tpu.memory_space<vmem>>, vector<16xi32>,
    tpu.vector_store %arg8[%swap3A_238, %swap3A_239, %swap3A_240], %get3A_235 {strides = array<i32>} : memref<2x2x128xi32, #tpu.memory_space<vmem>>, vector<16xi32>,
    %get3A_242 = arith.constant 288 : index
    %get3A_243 = tpu.vector_load %arg6[%get3A_242] {strides = array<i32>} : memref<5632xi32, #tpu.memory_space<vmem>>, vector<16xi32>,
    %swap3A_244 = arith.constant 1 : i32
    %swap3A_245 = arith.constant 0 : i32
    %swap3A_246 = arith.index_cast %swap3A_244 : i32 to index
    %swap3A_247 = arith.index_cast %swap3A_245 : i32 to index
    %swap3A_248 = arith.constant 32 : index
    %swap3A_249 = tpu.vector_load %arg8[%swap3A_246, %swap3A_247, %swap3A_248] {strides = array<i32>} : memref<2x2x128xi32, #tpu.memory_space<vmem>>, vector<16xi32>,
    tpu.vector_store %arg8[%swap3A_246, %swap3A_247, %swap3A_248], %get3A_243 {strides = array<i32>} : memref<2x2x128xi32, #tpu.memory_space<vmem>>, vector<16xi32>,
    %get3A_250 = arith.constant 304 : index
    %get3A_251 = tpu.vector_load %arg6[%get3A_250] {strides = array<i32>} : memref<5632xi32, #tpu.memory_space<vmem>>, vector<16xi32>,
    %swap3A_252 = arith.constant 1 : i32
    %swap3A_253 = arith.constant 0 : i32
    %swap3A_254 = arith.index_cast %swap3A_252 : i32 to index
    %swap3A_255 = arith.index_cast %swap3A_253 : i32 to index
    %swap3A_256 = arith.constant 48 : index
    %swap3A_257 = tpu.vector_load %arg8[%swap3A_254, %swap3A_255, %swap3A_256] {strides = array<i32>} : memref<2x2x128xi32, #tpu.memory_space<vmem>>, vector<16xi32>,
    tpu.vector_store %arg8[%swap3A_254, %swap3A_255, %swap3A_256], %get3A_251 {strides = array<i32>} : memref<2x2x128xi32, #tpu.memory_space<vmem>>, vector<16xi32>,
    %get3A_258 = arith.constant 320 : index
    %get3A_259 = tpu.vector_load %arg6[%get3A_258] {strides = array<i32>} : memref<5632xi32, #tpu.memory_space<vmem>>, vector<16xi32>,
    %swap3A_260 = arith.constant 1 : i32
    %swap3A_261 = arith.constant 0 : i32
    %swap3A_262 = arith.index_cast %swap3A_260 : i32 to index
    %swap3A_263 = arith.index_cast %swap3A_261 : i32 to index
    %swap3A_264 = arith.constant 64 : index
    %swap3A_265 = tpu.vector_load %arg8[%swap3A_262, %swap3A_263, %swap3A_264] {strides = array<i32>} : memref<2x2x128xi32, #tpu.memory_space<vmem>>, vector<16xi32>,
    tpu.vector_store %arg8[%swap3A_262, %swap3A_263, %swap3A_264], %get3A_259 {strides = array<i32>} : memref<2x2x128xi32, #tpu.memory_space<vmem>>, vector<16xi32>,
    %get3A_266 = arith.constant 336 : index
    %get3A_267 = tpu.vector_load %arg6[%get3A_266] {strides = array<i32>} : memref<5632xi32, #tpu.memory_space<vmem>>, vector<16xi32>,
    %swap3A_268 = arith.constant 1 : i32
    %swap3A_269 = arith.constant 0 : i32
    %swap3A_270 = arith.index_cast %swap3A_268 : i32 to index
    %swap3A_271 = arith.index_cast %swap3A_269 : i32 to index
    %swap3A_272 = arith.constant 80 : index
    %swap3A_273 = tpu.vector_load %arg8[%swap3A_270, %swap3A_271, %swap3A_272] {strides = array<i32>} : memref<2x2x128xi32, #tpu.memory_space<vmem>>, vector<16xi32>,
    tpu.vector_store %arg8[%swap3A_270, %swap3A_271, %swap3A_272], %get3A_267 {strides = array<i32>} : memref<2x2x128xi32, #tpu.memory_space<vmem>>, vector<16xi32>,
    %get3A_274 = arith.constant 352 : index
    %get3A_275 = tpu.vector_load %arg6[%get3A_274] {strides = array<i32>} : memref<5632xi32, #tpu.memory_space<vmem>>, vector<16xi32>,
    %swap3A_276 = arith.constant 1 : i32
    %swap3A_277 = arith.constant 0 : i32
    %swap3A_278 = arith.index_cast %swap3A_276 : i32 to index
    %swap3A_279 = arith.index_cast %swap3A_277 : i32 to index
    %swap3A_280 = arith.constant 96 : index
    %swap3A_281 = tpu.vector_load %arg8[%swap3A_278, %swap3A_279, %swap3A_280] {strides = array<i32>} : memref<2x2x128xi32, #tpu.memory_space<vmem>>, vector<16xi32>,
    tpu.vector_store %arg8[%swap3A_278, %swap3A_279, %swap3A_280], %get3A_275 {strides = array<i32>} : memref<2x2x128xi32, #tpu.memory_space<vmem>>, vector<16xi32>,
    %get3A_282 = arith.constant 368 : index
    %get3A_283 = tpu.vector_load %arg6[%get3A_282] {strides = array<i32>} : memref<5632xi32, #tpu.memory_space<vmem>>, vector<16xi32>,
    %swap3A_284 = arith.constant 1 : i32
    %swap3A_285 = arith.constant 0 : i32
    %swap3A_286 = arith.index_cast %swap3A_284 : i32 to index
    %swap3A_287 = arith.index_cast %swap3A_285 : i32 to index
    %swap3A_288 = arith.constant 112 : index
    %swap3A_289 = tpu.vector_load %arg8[%swap3A_286, %swap3A_287, %swap3A_288] {strides = array<i32>} : memref<2x2x128xi32, #tpu.memory_space<vmem>>, vector<16xi32>,
    tpu.vector_store %arg8[%swap3A_286, %swap3A_287, %swap3A_288], %get3A_283 {strides = array<i32>} : memref<2x2x128xi32, #tpu.memory_space<vmem>>, vector<16xi32>,
    %get3A_290 = arith.constant 384 : index
    %get3A_291 = tpu.vector_load %arg6[%get3A_290] {strides = array<i32>} : memref<5632xi32, #tpu.memory_space<vmem>>, vector<16xi32>,
    %swap3A_292 = arith.constant 1 : i32
    %swap3A_293 = arith.constant 1 : i32
    %swap3A_294 = arith.index_cast %swap3A_292 : i32 to index
    %swap3A_295 = arith.index_cast %swap3A_293 : i32 to index
    %swap3A_296 = arith.constant 0 : index
    %swap3A_297 = tpu.vector_load %arg8[%swap3A_294, %swap3A_295, %swap3A_296] {strides = array<i32>} : memref<2x2x128xi32, #tpu.memory_space<vmem>>, vector<16xi32>,
    tpu.vector_store %arg8[%swap3A_294, %swap3A_295, %swap3A_296], %get3A_291 {strides = array<i32>} : memref<2x2x128xi32, #tpu.memory_space<vmem>>, vector<16xi32>,
    %get3A_298 = arith.constant 400 : index
    %get3A_299 = tpu.vector_load %arg6[%get3A_298] {strides = array<i32>} : memref<5632xi32, #tpu.memory_space<vmem>>, vector<16xi32>,
    %swap3A_300 = arith.constant 1 : i32
    %swap3A_301 = arith.constant 1 : i32
    %swap3A_302 = arith.index_cast %swap3A_300 : i32 to index
    %swap3A_303 = arith.index_cast %swap3A_301 : i32 to index
    %swap3A_304 = arith.constant 16 : index
    %swap3A_305 = tpu.vector_load %arg8[%swap3A_302, %swap3A_303, %swap3A_304] {strides = array<i32>} : memref<2x2x128xi32, #tpu.memory_space<vmem>>, vector<16xi32>,
    tpu.vector_store %arg8[%swap3A_302, %swap3A_303, %swap3A_304], %get3A_299 {strides = array<i32>} : memref<2x2x128xi32, #tpu.memory_space<vmem>>, vector<16xi32>,
    %get3A_306 = arith.constant 416 : index
    %get3A_307 = tpu.vector_load %arg6[%get3A_306] {strides = array<i32>} : memref<5632xi32, #tpu.memory_space<vmem>>, vector<16xi32>,
    %swap3A_308 = arith.constant 1 : i32
    %swap3A_309 = arith.constant 1 : i32
    %swap3A_310 = arith.index_cast %swap3A_308 : i32 to index
    %swap3A_311 = arith.index_cast %swap3A_309 : i32 to index
    %swap3A_312 = arith.constant 32 : index
    %swap3A_313 = tpu.vector_load %arg8[%swap3A_310, %swap3A_311, %swap3A_312] {strides = array<i32>} : memref<2x2x128xi32, #tpu.memory_space<vmem>>, vector<16xi32>,
    tpu.vector_store %arg8[%swap3A_310, %swap3A_311, %swap3A_312], %get3A_307 {strides = array<i32>} : memref<2x2x128xi32, #tpu.memory_space<vmem>>, vector<16xi32>,
    %get3A_314 = arith.constant 432 : index
    %get3A_315 = tpu.vector_load %arg6[%get3A_314] {strides = array<i32>} : memref<5632xi32, #tpu.memory_space<vmem>>, vector<16xi32>,
    %swap3A_316 = arith.constant 1 : i32
    %swap3A_317 = arith.constant 1 : i32
    %swap3A_318 = arith.index_cast %swap3A_316 : i32 to index
    %swap3A_319 = arith.index_cast %swap3A_317 : i32 to index
    %swap3A_320 = arith.constant 48 : index
    %swap3A_321 = tpu.vector_load %arg8[%swap3A_318, %swap3A_319, %swap3A_320] {strides = array<i32>} : memref<2x2x128xi32, #tpu.memory_space<vmem>>, vector<16xi32>,
    tpu.vector_store %arg8[%swap3A_318, %swap3A_319, %swap3A_320], %get3A_315 {strides = array<i32>} : memref<2x2x128xi32, #tpu.memory_space<vmem>>, vector<16xi32>,
    %get3A_322 = arith.constant 448 : index
    %get3A_323 = tpu.vector_load %arg6[%get3A_322] {strides = array<i32>} : memref<5632xi32, #tpu.memory_space<vmem>>, vector<16xi32>,
    %swap3A_324 = arith.constant 1 : i32
    %swap3A_325 = arith.constant 1 : i32
    %swap3A_326 = arith.index_cast %swap3A_324 : i32 to index
    %swap3A_327 = arith.index_cast %swap3A_325 : i32 to index
    %swap3A_328 = arith.constant 64 : index
    %swap3A_329 = tpu.vector_load %arg8[%swap3A_326, %swap3A_327, %swap3A_328] {strides = array<i32>} : memref<2x2x128xi32, #tpu.memory_space<vmem>>, vector<16xi32>,
    tpu.vector_store %arg8[%swap3A_326, %swap3A_327, %swap3A_328], %get3A_323 {strides = array<i32>} : memref<2x2x128xi32, #tpu.memory_space<vmem>>, vector<16xi32>,
    %get3A_330 = arith.constant 464 : index
    %get3A_331 = tpu.vector_load %arg6[%get3A_330] {strides = array<i32>} : memref<5632xi32, #tpu.memory_space<vmem>>, vector<16xi32>,
    %swap3A_332 = arith.constant 1 : i32
    %swap3A_333 = arith.constant 1 : i32
    %swap3A_334 = arith.index_cast %swap3A_332 : i32 to index
    %swap3A_335 = arith.index_cast %swap3A_333 : i32 to index
    %swap3A_336 = arith.constant 80 : index
    %swap3A_337 = tpu.vector_load %arg8[%swap3A_334, %swap3A_335, %swap3A_336] {strides = array<i32>} : memref<2x2x128xi32, #tpu.memory_space<vmem>>, vector<16xi32>,
    tpu.vector_store %arg8[%swap3A_334, %swap3A_335, %swap3A_336], %get3A_331 {strides = array<i32>} : memref<2x2x128xi32, #tpu.memory_space<vmem>>, vector<16xi32>,
    %get3A_338 = arith.constant 480 : index
    %get3A_339 = tpu.vector_load %arg6[%get3A_338] {strides = array<i32>} : memref<5632xi32, #tpu.memory_space<vmem>>, vector<16xi32>,
    %swap3A_340 = arith.constant 1 : i32
    %swap3A_341 = arith.constant 1 : i32
    %swap3A_342 = arith.index_cast %swap3A_340 : i32 to index
    %swap3A_343 = arith.index_cast %swap3A_341 : i32 to index
    %swap3A_344 = arith.constant 96 : index
    %swap3A_345 = tpu.vector_load %arg8[%swap3A_342, %swap3A_343, %swap3A_344] {strides = array<i32>} : memref<2x2x128xi32, #tpu.memory_space<vmem>>, vector<16xi32>,
    tpu.vector_store %arg8[%swap3A_342, %swap3A_343, %swap3A_344], %get3A_339 {strides = array<i32>} : memref<2x2x128xi32, #tpu.memory_space<vmem>>, vector<16xi32>,
    %get3A_346 = arith.constant 496 : index
    %get3A_347 = tpu.vector_load %arg6[%get3A_346] {strides = array<i32>} : memref<5632xi32, #tpu.memory_space<vmem>>, vector<16xi32>,
    %swap3A_348 = arith.constant 1 : i32
    %swap3A_349 = arith.constant 1 : i32
    %swap3A_350 = arith.index_cast %swap3A_348 : i32 to index
    %swap3A_351 = arith.index_cast %swap3A_349 : i32 to index
    %swap3A_352 = arith.constant 112 : index
    %swap3A_353 = tpu.vector_load %arg8[%swap3A_350, %swap3A_351, %swap3A_352] {strides = array<i32>} : memref<2x2x128xi32, #tpu.memory_space<vmem>>, vector<16xi32>,
    tpu.vector_store %arg8[%swap3A_350, %swap3A_351, %swap3A_352], %get3A_347 {strides = array<i32>} : memref<2x2x128xi32, #tpu.memory_space<vmem>>, vector<16xi32>,
    %dma_start3A_354 = arith.constant 1 : i32
    %dma_start3A_355 = arith.constant 0 : i32
    %dma_start3A_356 = arith.constant 1 : i32
    %dma_start3A_357 = arith.constant 0 : i32
    %dma_start3A_358 = arith.constant 0 : i32
    %dma_start3A_359 = tpu.memref_slice %arg7[%dma_start3A_356, %dma_start3A_357, %dma_start3A_358] : memref<2x256x128xf32, #tpu.memory_space<vmem>> -> memref<1x256x128xf32, #tpu.memory_space<vmem>>
    %dma_start3A_360 = tpu.memref_squeeze %dma_start3A_359 : memref<1x256x128xf32, #tpu.memory_space<vmem>> -> memref<256x128xf32, #tpu.memory_space<vmem>>
    %dma_start3A_361 = arith.constant 0 : i32
    %dma_start3A_362 = arith.constant 0 : i32
    %dma_start3A_363 = tpu.memref_slice %dma_start3A_360[%dma_start3A_361, %dma_start3A_362] : memref<256x128xf32, #tpu.memory_space<vmem>> -> memref<128x128xf32, #tpu.memory_space<vmem>>
    %dma_start3A_364 = arith.constant 0 : i32
    %dma_start3A_365 = arith.constant 0 : i32
    %dma_start3A_366 = tpu.memref_slice %arg8[%dma_start3A_354, %dma_start3A_364, %dma_start3A_365] : memref<2x2x128xi32, #tpu.memory_space<vmem>> -> memref<1x2x128xi32, #tpu.memory_space<vmem>>
    %dma_start3A_367 = tpu.memref_squeeze %dma_start3A_366 : memref<1x2x128xi32, #tpu.memory_space<vmem>> -> memref<2x128xi32, #tpu.memory_space<vmem>>
    %dma_start3A_368 = arith.constant 0 : i32
    %dma_start3A_369 = tpu.memref_slice %dma_start3A_367[%dma_start3A_355, %dma_start3A_368] : memref<2x128xi32, #tpu.memory_space<vmem>> -> memref<1x128xi32, #tpu.memory_space<vmem>>
    %dma_start3A_370 = tpu.memref_squeeze %dma_start3A_369 : memref<1x128xi32, #tpu.memory_space<vmem>> -> memref<128xi32, #tpu.memory_space<vmem>>
    %dma_start3A_371 = arith.constant 0 : i32
    %dma_start3A_372 = arith.constant 0 : i32
    %dma_start3A_373 = tpu.memref_slice %arg2[%dma_start3A_371, %dma_start3A_372] : memref<100000x128xf32, #tpu.memory_space<hbm>> -> memref<100000x128xf32, #tpu.memory_space<hbm>>
    tpu.enqueue_indirect_dma source(%dma_start3A_373 : memref<100000x128xf32, #tpu.memory_space<hbm>>) target(%dma_start3A_363 : memref<128x128xf32, #tpu.memory_space<vmem>>) offsets(%dma_start3A_370 : memref<128xi32, #tpu.memory_space<vmem>>) semaphore(%arg13 : memref<!tpu.dma_semaphore, #tpu.memory_space<semaphore_mem>>)
    %dma_start3A_374 = arith.constant 1 : i32
    %dma_start3A_375 = arith.constant 1 : i32
    %dma_start3A_376 = arith.constant 1 : i32
    %dma_start3A_377 = arith.constant 0 : i32
    %dma_start3A_378 = arith.constant 0 : i32
    %dma_start3A_379 = tpu.memref_slice %arg7[%dma_start3A_376, %dma_start3A_377, %dma_start3A_378] : memref<2x256x128xf32, #tpu.memory_space<vmem>> -> memref<1x256x128xf32, #tpu.memory_space<vmem>>
    %dma_start3A_380 = tpu.memref_squeeze %dma_start3A_379 : memref<1x256x128xf32, #tpu.memory_space<vmem>> -> memref<256x128xf32, #tpu.memory_space<vmem>>
    %dma_start3A_381 = arith.constant 128 : i32
    %dma_start3A_382 = arith.constant 0 : i32
    %dma_start3A_383 = tpu.memref_slice %dma_start3A_380[%dma_start3A_381, %dma_start3A_382] : memref<256x128xf32, #tpu.memory_space<vmem>> -> memref<128x128xf32, #tpu.memory_space<vmem>>
    %dma_start3A_384 = arith.constant 0 : i32
    %dma_start3A_385 = arith.constant 0 : i32
    %dma_start3A_386 = tpu.memref_slice %arg8[%dma_start3A_374, %dma_start3A_384, %dma_start3A_385] : memref<2x2x128xi32, #tpu.memory_space<vmem>> -> memref<1x2x128xi32, #tpu.memory_space<vmem>>
    %dma_start3A_387 = tpu.memref_squeeze %dma_start3A_386 : memref<1x2x128xi32, #tpu.memory_space<vmem>> -> memref<2x128xi32, #tpu.memory_space<vmem>>
    %dma_start3A_388 = arith.constant 0 : i32
    %dma_start3A_389 = tpu.memref_slice %dma_start3A_387[%dma_start3A_375, %dma_start3A_388] : memref<2x128xi32, #tpu.memory_space<vmem>> -> memref<1x128xi32, #tpu.memory_space<vmem>>
    %dma_start3A_390 = tpu.memref_squeeze %dma_start3A_389 : memref<1x128xi32, #tpu.memory_space<vmem>> -> memref<128xi32, #tpu.memory_space<vmem>>
    %dma_start3A_391 = arith.constant 0 : i32
    %dma_start3A_392 = arith.constant 0 : i32
    %dma_start3A_393 = tpu.memref_slice %arg2[%dma_start3A_391, %dma_start3A_392] : memref<100000x128xf32, #tpu.memory_space<hbm>> -> memref<100000x128xf32, #tpu.memory_space<hbm>>
    tpu.enqueue_indirect_dma source(%dma_start3A_393 : memref<100000x128xf32, #tpu.memory_space<hbm>>) target(%dma_start3A_383 : memref<128x128xf32, #tpu.memory_space<vmem>>) offsets(%dma_start3A_390 : memref<128xi32, #tpu.memory_space<vmem>>) semaphore(%arg13 : memref<!tpu.dma_semaphore, #tpu.memory_space<semaphore_mem>>)
    %dma_wait3A_394 = arith.constant 1 : i32
    %dma_wait3A_395 = arith.constant 0 : i32
    %dma_wait3A_396 = arith.constant 0 : i32
    %dma_wait3A_397 = tpu.memref_slice %arg7[%dma_wait3A_394, %dma_wait3A_395, %dma_wait3A_396] : memref<2x256x128xf32, #tpu.memory_space<vmem>> -> memref<1x256x128xf32, #tpu.memory_space<vmem>>
    %dma_wait3A_398 = tpu.memref_squeeze %dma_wait3A_397 : memref<1x256x128xf32, #tpu.memory_space<vmem>> -> memref<256x128xf32, #tpu.memory_space<vmem>>
    %dma_wait3A_399 = arith.constant 0 : i32
    %dma_wait3A_400 = arith.constant 0 : i32
    %dma_wait3A_401 = tpu.memref_slice %dma_wait3A_398[%dma_wait3A_399, %dma_wait3A_400] : memref<256x128xf32, #tpu.memory_space<vmem>> -> memref<128x128xf32, #tpu.memory_space<vmem>>
    %dma_wait3A_402 = arith.constant 0 : i32
    %dma_wait3A_403 = arith.constant 0 : i32
    %dma_wait3A_404 = tpu.memref_slice %arg2[%dma_wait3A_402, %dma_wait3A_403] : memref<100000x128xf32, #tpu.memory_space<hbm>> -> memref<128x128xf32, #tpu.memory_space<hbm>>
    %dma_wait3A_405 = arith.constant 0 : i32
    %dma_wait3A_406 = arith.constant 0 : i32
    %dma_wait3A_407 = tpu.memref_slice %arg7[%dma_wait3A_394, %dma_wait3A_405, %dma_wait3A_406] : memref<2x256x128xf32, #tpu.memory_space<vmem>> -> memref<1x256x128xf32, #tpu.memory_space<vmem>>
    %dma_wait3A_408 = tpu.memref_squeeze %dma_wait3A_407 : memref<1x256x128xf32, #tpu.memory_space<vmem>> -> memref<256x128xf32, #tpu.memory_space<vmem>>
    %dma_wait3A_409 = arith.constant 0 : i32
    %dma_wait3A_410 = arith.constant 0 : i32
    %dma_wait3A_411 = tpu.memref_slice %dma_wait3A_408[%dma_wait3A_409, %dma_wait3A_410] : memref<256x128xf32, #tpu.memory_space<vmem>> -> memref<128x128xf32, #tpu.memory_space<vmem>>
    %dma_wait3A_412 = arith.constant 0 : i32
    %dma_wait3A_413 = arith.constant 0 : i32
    %dma_wait3A_414 = tpu.memref_slice %arg2[%dma_wait3A_412, %dma_wait3A_413] : memref<100000x128xf32, #tpu.memory_space<hbm>> -> memref<128x128xf32, #tpu.memory_space<hbm>>
    tpu.wait_dma2 semaphore(%arg13 : memref<!tpu.dma_semaphore, #tpu.memory_space<semaphore_mem>>) src(%dma_wait3A_414 : memref<128x128xf32, #tpu.memory_space<hbm>>) dst(%dma_wait3A_411 : memref<128x128xf32, #tpu.memory_space<vmem>>)
    %dma_wait3A_415 = arith.constant 1 : i32
    %dma_wait3A_416 = arith.constant 0 : i32
    %dma_wait3A_417 = arith.constant 0 : i32
    %dma_wait3A_418 = tpu.memref_slice %arg7[%dma_wait3A_415, %dma_wait3A_416, %dma_wait3A_417] : memref<2x256x128xf32, #tpu.memory_space<vmem>> -> memref<1x256x128xf32, #tpu.memory_space<vmem>>
    %dma_wait3A_419 = tpu.memref_squeeze %dma_wait3A_418 : memref<1x256x128xf32, #tpu.memory_space<vmem>> -> memref<256x128xf32, #tpu.memory_space<vmem>>
    %dma_wait3A_420 = arith.constant 128 : i32
    %dma_wait3A_421 = arith.constant 0 : i32
    %dma_wait3A_422 = tpu.memref_slice %dma_wait3A_419[%dma_wait3A_420, %dma_wait3A_421] : memref<256x128xf32, #tpu.memory_space<vmem>> -> memref<128x128xf32, #tpu.memory_space<vmem>>
    %dma_wait3A_423 = arith.constant 0 : i32
    %dma_wait3A_424 = arith.constant 0 : i32
    %dma_wait3A_425 = tpu.memref_slice %arg2[%dma_wait3A_423, %dma_wait3A_424] : memref<100000x128xf32, #tpu.memory_space<hbm>> -> memref<128x128xf32, #tpu.memory_space<hbm>>
    %dma_wait3A_426 = arith.constant 0 : i32
    %dma_wait3A_427 = arith.constant 0 : i32
    %dma_wait3A_428 = tpu.memref_slice %arg7[%dma_wait3A_415, %dma_wait3A_426, %dma_wait3A_427] : memref<2x256x128xf32, #tpu.memory_space<vmem>> -> memref<1x256x128xf32, #tpu.memory_space<vmem>>
    %dma_wait3A_429 = tpu.memref_squeeze %dma_wait3A_428 : memref<1x256x128xf32, #tpu.memory_space<vmem>> -> memref<256x128xf32, #tpu.memory_space<vmem>>
    %dma_wait3A_430 = arith.constant 128 : i32
    %dma_wait3A_431 = arith.constant 0 : i32
    %dma_wait3A_432 = tpu.memref_slice %dma_wait3A_429[%dma_wait3A_430, %dma_wait3A_431] : memref<256x128xf32, #tpu.memory_space<vmem>> -> memref<128x128xf32, #tpu.memory_space<vmem>>
    %dma_wait3A_433 = arith.constant 0 : i32
    %dma_wait3A_434 = arith.constant 0 : i32
    %dma_wait3A_435 = tpu.memref_slice %arg2[%dma_wait3A_433, %dma_wait3A_434] : memref<100000x128xf32, #tpu.memory_space<hbm>> -> memref<128x128xf32, #tpu.memory_space<hbm>>
    tpu.wait_dma2 semaphore(%arg13 : memref<!tpu.dma_semaphore, #tpu.memory_space<semaphore_mem>>) src(%dma_wait3A_435 : memref<128x128xf32, #tpu.memory_space<hbm>>) dst(%dma_wait3A_432 : memref<128x128xf32, #tpu.memory_space<vmem>>)
    %add3A_436 = arith.constant 256 : i32
    %add3A_437 = arith.addi %mul3A_2, %add3A_436 : i32
    %dma_start3A_438 = arith.constant 1 : i32
    %dma_start3A_439 = arith.constant 0 : i32
    %dma_start3A_440 = arith.constant 0 : i32
    %dma_start3A_441 = tpu.memref_slice %arg7[%dma_start3A_438, %dma_start3A_439, %dma_start3A_440] : memref<2x256x128xf32, #tpu.memory_space<vmem>> -> memref<1x256x128xf32, #tpu.memory_space<vmem>>
    %dma_start3A_442 = tpu.memref_squeeze %dma_start3A_441 : memref<1x256x128xf32, #tpu.memory_space<vmem>> -> memref<256x128xf32, #tpu.memory_space<vmem>>
    %dma_start3A_443 = arith.constant 0 : i32
    %dma_start3A_444 = tpu.memref_slice %arg5[%add3A_437, %dma_start3A_443] : memref<180256x128xf32, #tpu.memory_space<hbm>> -> memref<256x128xf32, #tpu.memory_space<hbm>>
    %dma_start3A_445 = arith.constant 0 : i32
    %dma_start3A_446 = tpu.memref_slice %arg5[%add3A_437, %dma_start3A_445] : memref<180256x128xf32, #tpu.memory_space<hbm>> -> memref<256x128xf32, #tpu.memory_space<hbm>>
    %dma_start3A_447 = arith.constant 0 : i32
    %dma_start3A_448 = arith.constant 0 : i32
    %dma_start3A_449 = tpu.memref_slice %arg7[%dma_start3A_438, %dma_start3A_447, %dma_start3A_448] : memref<2x256x128xf32, #tpu.memory_space<vmem>> -> memref<1x256x128xf32, #tpu.memory_space<vmem>>
    %dma_start3A_450 = tpu.memref_squeeze %dma_start3A_449 : memref<1x256x128xf32, #tpu.memory_space<vmem>> -> memref<256x128xf32, #tpu.memory_space<vmem>>
    tpu.enqueue_dma source(%dma_start3A_450 : memref<256x128xf32, #tpu.memory_space<vmem>>) target(%dma_start3A_446 : memref<256x128xf32, #tpu.memory_space<hbm>>) target_semaphore(%arg15 : memref<!tpu.dma_semaphore, #tpu.memory_space<semaphore_mem>>)
    %dma_wait3A_451 = arith.constant 0 : i32
    %dma_wait3A_452 = arith.constant 0 : i32
    %dma_wait3A_453 = arith.constant 0 : i32
    %dma_wait3A_454 = tpu.memref_slice %arg7[%dma_wait3A_451, %dma_wait3A_452, %dma_wait3A_453] : memref<2x256x128xf32, #tpu.memory_space<vmem>> -> memref<1x256x128xf32, #tpu.memory_space<vmem>>
    %dma_wait3A_455 = tpu.memref_squeeze %dma_wait3A_454 : memref<1x256x128xf32, #tpu.memory_space<vmem>> -> memref<256x128xf32, #tpu.memory_space<vmem>>
    %dma_wait3A_456 = arith.constant 0 : i32
    %dma_wait3A_457 = tpu.memref_slice %arg5[%mul3A_2, %dma_wait3A_456] : memref<180256x128xf32, #tpu.memory_space<hbm>> -> memref<256x128xf32, #tpu.memory_space<hbm>>
    %dma_wait3A_458 = arith.constant 0 : i32
    %dma_wait3A_459 = tpu.memref_slice %arg5[%mul3A_2, %dma_wait3A_458] : memref<180256x128xf32, #tpu.memory_space<hbm>> -> memref<256x128xf32, #tpu.memory_space<hbm>>
    %dma_wait3A_460 = arith.constant 0 : i32
    %dma_wait3A_461 = arith.constant 0 : i32
    %dma_wait3A_462 = tpu.memref_slice %arg7[%dma_wait3A_451, %dma_wait3A_460, %dma_wait3A_461] : memref<2x256x128xf32, #tpu.memory_space<vmem>> -> memref<1x256x128xf32, #tpu.memory_space<vmem>>
    %dma_wait3A_463 = tpu.memref_squeeze %dma_wait3A_462 : memref<1x256x128xf32, #tpu.memory_space<vmem>> -> memref<256x128xf32, #tpu.memory_space<vmem>>
    tpu.wait_dma2 semaphore(%arg14 : memref<!tpu.dma_semaphore, #tpu.memory_space<semaphore_mem>>) src(%dma_wait3A_463 : memref<256x128xf32, #tpu.memory_space<vmem>>) dst(%dma_wait3A_459 : memref<256x128xf32, #tpu.memory_space<hbm>>)
    %get3A_464 = arith.constant 512 : index
    %get3A_465 = tpu.vector_load %arg6[%get3A_464] {strides = array<i32>} : memref<5632xi32, #tpu.memory_space<vmem>>, vector<16xi32>,
    %swap3A_466 = arith.constant 0 : i32
    %swap3A_467 = arith.constant 0 : i32
    %swap3A_468 = arith.index_cast %swap3A_466 : i32 to index
    %swap3A_469 = arith.index_cast %swap3A_467 : i32 to index
    %swap3A_470 = arith.constant 0 : index
    %swap3A_471 = tpu.vector_load %arg8[%swap3A_468, %swap3A_469, %swap3A_470] {strides = array<i32>} : memref<2x2x128xi32, #tpu.memory_space<vmem>>, vector<16xi32>,
    tpu.vector_store %arg8[%swap3A_468, %swap3A_469, %swap3A_470], %get3A_465 {strides = array<i32>} : memref<2x2x128xi32, #tpu.memory_space<vmem>>, vector<16xi32>,
    %get3A_472 = arith.constant 528 : index
    %get3A_473 = tpu.vector_load %arg6[%get3A_472] {strides = array<i32>} : memref<5632xi32, #tpu.memory_space<vmem>>, vector<16xi32>,
    %swap3A_474 = arith.constant 0 : i32
    %swap3A_475 = arith.constant 0 : i32
    %swap3A_476 = arith.index_cast %swap3A_474 : i32 to index
    %swap3A_477 = arith.index_cast %swap3A_475 : i32 to index
    %swap3A_478 = arith.constant 16 : index
    %swap3A_479 = tpu.vector_load %arg8[%swap3A_476, %swap3A_477, %swap3A_478] {strides = array<i32>} : memref<2x2x128xi32, #tpu.memory_space<vmem>>, vector<16xi32>,
    tpu.vector_store %arg8[%swap3A_476, %swap3A_477, %swap3A_478], %get3A_473 {strides = array<i32>} : memref<2x2x128xi32, #tpu.memory_space<vmem>>, vector<16xi32>,
    %get3A_480 = arith.constant 544 : index
    %get3A_481 = tpu.vector_load %arg6[%get3A_480] {strides = array<i32>} : memref<5632xi32, #tpu.memory_space<vmem>>, vector<16xi32>,
    %swap3A_482 = arith.constant 0 : i32
    %swap3A_483 = arith.constant 0 : i32
    %swap3A_484 = arith.index_cast %swap3A_482 : i32 to index
    %swap3A_485 = arith.index_cast %swap3A_483 : i32 to index
    %swap3A_486 = arith.constant 32 : index
    %swap3A_487 = tpu.vector_load %arg8[%swap3A_484, %swap3A_485, %swap3A_486] {strides = array<i32>} : memref<2x2x128xi32, #tpu.memory_space<vmem>>, vector<16xi32>,
    tpu.vector_store %arg8[%swap3A_484, %swap3A_485, %swap3A_486], %get3A_481 {strides = array<i32>} : memref<2x2x128xi32, #tpu.memory_space<vmem>>, vector<16xi32>,
    %get3A_488 = arith.constant 560 : index
    %get3A_489 = tpu.vector_load %arg6[%get3A_488] {strides = array<i32>} : memref<5632xi32, #tpu.memory_space<vmem>>, vector<16xi32>,
    %swap3A_490 = arith.constant 0 : i32
    %swap3A_491 = arith.constant 0 : i32
    %swap3A_492 = arith.index_cast %swap3A_490 : i32 to index
    %swap3A_493 = arith.index_cast %swap3A_491 : i32 to index
    %swap3A_494 = arith.constant 48 : index
    %swap3A_495 = tpu.vector_load %arg8[%swap3A_492, %swap3A_493, %swap3A_494] {strides = array<i32>} : memref<2x2x128xi32, #tpu.memory_space<vmem>>, vector<16xi32>,
    tpu.vector_store %arg8[%swap3A_492, %swap3A_493, %swap3A_494], %get3A_489 {strides = array<i32>} : memref<2x2x128xi32, #tpu.memory_space<vmem>>, vector<16xi32>,
    %get3A_496 = arith.constant 576 : index
    %get3A_497 = tpu.vector_load %arg6[%get3A_496] {strides = array<i32>} : memref<5632xi32, #tpu.memory_space<vmem>>, vector<16xi32>,
    %swap3A_498 = arith.constant 0 : i32
    %swap3A_499 = arith.constant 0 : i32
    %swap3A_500 = arith.index_cast %swap3A_498 : i32 to index
    %swap3A_501 = arith.index_cast %swap3A_499 : i32 to index
    %swap3A_502 = arith.constant 64 : index
    %swap3A_503 = tpu.vector_load %arg8[%swap3A_500, %swap3A_501, %swap3A_502] {strides = array<i32>} : memref<2x2x128xi32, #tpu.memory_space<vmem>>, vector<16xi32>,
    tpu.vector_store %arg8[%swap3A_500, %swap3A_501, %swap3A_502], %get3A_497 {strides = array<i32>} : memref<2x2x128xi32, #tpu.memory_space<vmem>>, vector<16xi32>,
    %get3A_504 = arith.constant 592 : index
    %get3A_505 = tpu.vector_load %arg6[%get3A_504] {strides = array<i32>} : memref<5632xi32, #tpu.memory_space<vmem>>, vector<16xi32>,
    %swap3A_506 = arith.constant 0 : i32
    %swap3A_507 = arith.constant 0 : i32
    %swap3A_508 = arith.index_cast %swap3A_506 : i32 to index
    %swap3A_509 = arith.index_cast %swap3A_507 : i32 to index
    %swap3A_510 = arith.constant 80 : index
    %swap3A_511 = tpu.vector_load %arg8[%swap3A_508, %swap3A_509, %swap3A_510] {strides = array<i32>} : memref<2x2x128xi32, #tpu.memory_space<vmem>>, vector<16xi32>,
    tpu.vector_store %arg8[%swap3A_508, %swap3A_509, %swap3A_510], %get3A_505 {strides = array<i32>} : memref<2x2x128xi32, #tpu.memory_space<vmem>>, vector<16xi32>,
    %get3A_512 = arith.constant 608 : index
    %get3A_513 = tpu.vector_load %arg6[%get3A_512] {strides = array<i32>} : memref<5632xi32, #tpu.memory_space<vmem>>, vector<16xi32>,
    %swap3A_514 = arith.constant 0 : i32
    %swap3A_515 = arith.constant 0 : i32
    %swap3A_516 = arith.index_cast %swap3A_514 : i32 to index
    %swap3A_517 = arith.index_cast %swap3A_515 : i32 to index
    %swap3A_518 = arith.constant 96 : index
    %swap3A_519 = tpu.vector_load %arg8[%swap3A_516, %swap3A_517, %swap3A_518] {strides = array<i32>} : memref<2x2x128xi32, #tpu.memory_space<vmem>>, vector<16xi32>,
    tpu.vector_store %arg8[%swap3A_516, %swap3A_517, %swap3A_518], %get3A_513 {strides = array<i32>} : memref<2x2x128xi32, #tpu.memory_space<vmem>>, vector<16xi32>,
    %get3A_520 = arith.constant 624 : index
    %get3A_521 = tpu.vector_load %arg6[%get3A_520] {strides = array<i32>} : memref<5632xi32, #tpu.memory_space<vmem>>, vector<16xi32>,
    %swap3A_522 = arith.constant 0 : i32
    %swap3A_523 = arith.constant 0 : i32
    %swap3A_524 = arith.index_cast %swap3A_522 : i32 to index
    %swap3A_525 = arith.index_cast %swap3A_523 : i32 to index
    %swap3A_526 = arith.constant 112 : index
    %swap3A_527 = tpu.vector_load %arg8[%swap3A_524, %swap3A_525, %swap3A_526] {strides = array<i32>} : memref<2x2x128xi32, #tpu.memory_space<vmem>>, vector<16xi32>,
    tpu.vector_store %arg8[%swap3A_524, %swap3A_525, %swap3A_526], %get3A_521 {strides = array<i32>} : memref<2x2x128xi32, #tpu.memory_space<vmem>>, vector<16xi32>,
    %get3A_528 = arith.constant 640 : index
    %get3A_529 = tpu.vector_load %arg6[%get3A_528] {strides = array<i32>} : memref<5632xi32, #tpu.memory_space<vmem>>, vector<16xi32>,
    %swap3A_530 = arith.constant 0 : i32
    %swap3A_531 = arith.constant 1 : i32
    %swap3A_532 = arith.index_cast %swap3A_530 : i32 to index
    %swap3A_533 = arith.index_cast %swap3A_531 : i32 to index
    %swap3A_534 = arith.constant 0 : index
    %swap3A_535 = tpu.vector_load %arg8[%swap3A_532, %swap3A_533, %swap3A_534] {strides = array<i32>} : memref<2x2x128xi32, #tpu.memory_space<vmem>>, vector<16xi32>,
    tpu.vector_store %arg8[%swap3A_532, %swap3A_533, %swap3A_534], %get3A_529 {strides = array<i32>} : memref<2x2x128xi32, #tpu.memory_space<vmem>>, vector<16xi32>,
    %get3A_536 = arith.constant 656 : index
    %get3A_537 = tpu.vector_load %arg6[%get3A_536] {strides = array<i32>} : memref<5632xi32, #tpu.memory_space<vmem>>, vector<16xi32>,
    %swap3A_538 = arith.constant 0 : i32
    %swap3A_539 = arith.constant 1 : i32
    %swap3A_540 = arith.index_cast %swap3A_538 : i32 to index
    %swap3A_541 = arith.index_cast %swap3A_539 : i32 to index
    %swap3A_542 = arith.constant 16 : index
    %swap3A_543 = tpu.vector_load %arg8[%swap3A_540, %swap3A_541, %swap3A_542] {strides = array<i32>} : memref<2x2x128xi32, #tpu.memory_space<vmem>>, vector<16xi32>,
    tpu.vector_store %arg8[%swap3A_540, %swap3A_541, %swap3A_542], %get3A_537 {strides = array<i32>} : memref<2x2x128xi32, #tpu.memory_space<vmem>>, vector<16xi32>,
    %get3A_544 = arith.constant 672 : index
    %get3A_545 = tpu.vector_load %arg6[%get3A_544] {strides = array<i32>} : memref<5632xi32, #tpu.memory_space<vmem>>, vector<16xi32>,
    %swap3A_546 = arith.constant 0 : i32
    %swap3A_547 = arith.constant 1 : i32
    %swap3A_548 = arith.index_cast %swap3A_546 : i32 to index
    %swap3A_549 = arith.index_cast %swap3A_547 : i32 to index
    %swap3A_550 = arith.constant 32 : index
    %swap3A_551 = tpu.vector_load %arg8[%swap3A_548, %swap3A_549, %swap3A_550] {strides = array<i32>} : memref<2x2x128xi32, #tpu.memory_space<vmem>>, vector<16xi32>,
    tpu.vector_store %arg8[%swap3A_548, %swap3A_549, %swap3A_550], %get3A_545 {strides = array<i32>} : memref<2x2x128xi32, #tpu.memory_space<vmem>>, vector<16xi32>,
    %get3A_552 = arith.constant 688 : index
    %get3A_553 = tpu.vector_load %arg6[%get3A_552] {strides = array<i32>} : memref<5632xi32, #tpu.memory_space<vmem>>, vector<16xi32>,
    %swap3A_554 = arith.constant 0 : i32
    %swap3A_555 = arith.constant 1 : i32
    %swap3A_556 = arith.index_cast %swap3A_554 : i32 to index
    %swap3A_557 = arith.index_cast %swap3A_555 : i32 to index
    %swap3A_558 = arith.constant 48 : index
    %swap3A_559 = tpu.vector_load %arg8[%swap3A_556, %swap3A_557, %swap3A_558] {strides = array<i32>} : memref<2x2x128xi32, #tpu.memory_space<vmem>>, vector<16xi32>,
    tpu.vector_store %arg8[%swap3A_556, %swap3A_557, %swap3A_558], %get3A_553 {strides = array<i32>} : memref<2x2x128xi32, #tpu.memory_space<vmem>>, vector<16xi32>,
    %get3A_560 = arith.constant 704 : index
    %get3A_561 = tpu.vector_load %arg6[%get3A_560] {strides = array<i32>} : memref<5632xi32, #tpu.memory_space<vmem>>, vector<16xi32>,
    %swap3A_562 = arith.constant 0 : i32
    %swap3A_563 = arith.constant 1 : i32
    %swap3A_564 = arith.index_cast %swap3A_562 : i32 to index
    %swap3A_565 = arith.index_cast %swap3A_563 : i32 to index
    %swap3A_566 = arith.constant 64 : index
    %swap3A_567 = tpu.vector_load %arg8[%swap3A_564, %swap3A_565, %swap3A_566] {strides = array<i32>} : memref<2x2x128xi32, #tpu.memory_space<vmem>>, vector<16xi32>,
    tpu.vector_store %arg8[%swap3A_564, %swap3A_565, %swap3A_566], %get3A_561 {strides = array<i32>} : memref<2x2x128xi32, #tpu.memory_space<vmem>>, vector<16xi32>,
    %get3A_568 = arith.constant 720 : index
    %get3A_569 = tpu.vector_load %arg6[%get3A_568] {strides = array<i32>} : memref<5632xi32, #tpu.memory_space<vmem>>, vector<16xi32>,
    %swap3A_570 = arith.constant 0 : i32
    %swap3A_571 = arith.constant 1 : i32
    %swap3A_572 = arith.index_cast %swap3A_570 : i32 to index
    %swap3A_573 = arith.index_cast %swap3A_571 : i32 to index
    %swap3A_574 = arith.constant 80 : index
    %swap3A_575 = tpu.vector_load %arg8[%swap3A_572, %swap3A_573, %swap3A_574] {strides = array<i32>} : memref<2x2x128xi32, #tpu.memory_space<vmem>>, vector<16xi32>,
    tpu.vector_store %arg8[%swap3A_572, %swap3A_573, %swap3A_574], %get3A_569 {strides = array<i32>} : memref<2x2x128xi32, #tpu.memory_space<vmem>>, vector<16xi32>,
    %get3A_576 = arith.constant 736 : index
    %get3A_577 = tpu.vector_load %arg6[%get3A_576] {strides = array<i32>} : memref<5632xi32, #tpu.memory_space<vmem>>, vector<16xi32>,
    %swap3A_578 = arith.constant 0 : i32
    %swap3A_579 = arith.constant 1 : i32
    %swap3A_580 = arith.index_cast %swap3A_578 : i32 to index
    %swap3A_581 = arith.index_cast %swap3A_579 : i32 to index
    %swap3A_582 = arith.constant 96 : index
    %swap3A_583 = tpu.vector_load %arg8[%swap3A_580, %swap3A_581, %swap3A_582] {strides = array<i32>} : memref<2x2x128xi32, #tpu.memory_space<vmem>>, vector<16xi32>,
    tpu.vector_store %arg8[%swap3A_580, %swap3A_581, %swap3A_582], %get3A_577 {strides = array<i32>} : memref<2x2x128xi32, #tpu.memory_space<vmem>>, vector<16xi32>,
    %get3A_584 = arith.constant 752 : index
    %get3A_585 = tpu.vector_load %arg6[%get3A_584] {strides = array<i32>} : memref<5632xi32, #tpu.memory_space<vmem>>, vector<16xi32>,
    %swap3A_586 = arith.constant 0 : i32
    %swap3A_587 = arith.constant 1 : i32
    %swap3A_588 = arith.index_cast %swap3A_586 : i32 to index
    %swap3A_589 = arith.index_cast %swap3A_587 : i32 to index
    %swap3A_590 = arith.constant 112 : index
    %swap3A_591 = tpu.vector_load %arg8[%swap3A_588, %swap3A_589, %swap3A_590] {strides = array<i32>} : memref<2x2x128xi32, #tpu.memory_space<vmem>>, vector<16xi32>,
    tpu.vector_store %arg8[%swap3A_588, %swap3A_589, %swap3A_590], %get3A_585 {strides = array<i32>} : memref<2x2x128xi32, #tpu.memory_space<vmem>>, vector<16xi32>,
    %dma_start3A_592 = arith.constant 0 : i32
    %dma_start3A_593 = arith.constant 0 : i32
    %dma_start3A_594 = arith.constant 0 : i32
    %dma_start3A_595 = arith.constant 0 : i32
    %dma_start3A_596 = arith.constant 0 : i32
    %dma_start3A_597 = tpu.memref_slice %arg7[%dma_start3A_594, %dma_start3A_595, %dma_start3A_596] : memref<2x256x128xf32, #tpu.memory_space<vmem>> -> memref<1x256x128xf32, #tpu.memory_space<vmem>>
    %dma_start3A_598 = tpu.memref_squeeze %dma_start3A_597 : memref<1x256x128xf32, #tpu.memory_space<vmem>> -> memref<256x128xf32, #tpu.memory_space<vmem>>
    %dma_start3A_599 = arith.constant 0 : i32
    %dma_start3A_600 = arith.constant 0 : i32
    %dma_start3A_601 = tpu.memref_slice %dma_start3A_598[%dma_start3A_599, %dma_start3A_600] : memref<256x128xf32, #tpu.memory_space<vmem>> -> memref<128x128xf32, #tpu.memory_space<vmem>>
    %dma_start3A_602 = arith.constant 0 : i32
    %dma_start3A_603 = arith.constant 0 : i32
    %dma_start3A_604 = tpu.memref_slice %arg8[%dma_start3A_592, %dma_start3A_602, %dma_start3A_603] : memref<2x2x128xi32, #tpu.memory_space<vmem>> -> memref<1x2x128xi32, #tpu.memory_space<vmem>>
    %dma_start3A_605 = tpu.memref_squeeze %dma_start3A_604 : memref<1x2x128xi32, #tpu.memory_space<vmem>> -> memref<2x128xi32, #tpu.memory_space<vmem>>
    %dma_start3A_606 = arith.constant 0 : i32
    %dma_start3A_607 = tpu.memref_slice %dma_start3A_605[%dma_start3A_593, %dma_start3A_606] : memref<2x128xi32, #tpu.memory_space<vmem>> -> memref<1x128xi32, #tpu.memory_space<vmem>>
    %dma_start3A_608 = tpu.memref_squeeze %dma_start3A_607 : memref<1x128xi32, #tpu.memory_space<vmem>> -> memref<128xi32, #tpu.memory_space<vmem>>
    %dma_start3A_609 = arith.constant 0 : i32
    %dma_start3A_610 = arith.constant 0 : i32
    %dma_start3A_611 = tpu.memref_slice %arg2[%dma_start3A_609, %dma_start3A_610] : memref<100000x128xf32, #tpu.memory_space<hbm>> -> memref<100000x128xf32, #tpu.memory_space<hbm>>
    tpu.enqueue_indirect_dma source(%dma_start3A_611 : memref<100000x128xf32, #tpu.memory_space<hbm>>) target(%dma_start3A_601 : memref<128x128xf32, #tpu.memory_space<vmem>>) offsets(%dma_start3A_608 : memref<128xi32, #tpu.memory_space<vmem>>) semaphore(%arg12 : memref<!tpu.dma_semaphore, #tpu.memory_space<semaphore_mem>>)
    %dma_start3A_612 = arith.constant 0 : i32
    %dma_start3A_613 = arith.constant 1 : i32
    %dma_start3A_614 = arith.constant 0 : i32
    %dma_start3A_615 = arith.constant 0 : i32
    %dma_start3A_616 = arith.constant 0 : i32
    %dma_start3A_617 = tpu.memref_slice %arg7[%dma_start3A_614, %dma_start3A_615, %dma_start3A_616] : memref<2x256x128xf32, #tpu.memory_space<vmem>> -> memref<1x256x128xf32, #tpu.memory_space<vmem>>
    %dma_start3A_618 = tpu.memref_squeeze %dma_start3A_617 : memref<1x256x128xf32, #tpu.memory_space<vmem>> -> memref<256x128xf32, #tpu.memory_space<vmem>>
    %dma_start3A_619 = arith.constant 128 : i32
    %dma_start3A_620 = arith.constant 0 : i32
    %dma_start3A_621 = tpu.memref_slice %dma_start3A_618[%dma_start3A_619, %dma_start3A_620] : memref<256x128xf32, #tpu.memory_space<vmem>> -> memref<128x128xf32, #tpu.memory_space<vmem>>
    %dma_start3A_622 = arith.constant 0 : i32
    %dma_start3A_623 = arith.constant 0 : i32
    %dma_start3A_624 = tpu.memref_slice %arg8[%dma_start3A_612, %dma_start3A_622, %dma_start3A_623] : memref<2x2x128xi32, #tpu.memory_space<vmem>> -> memref<1x2x128xi32, #tpu.memory_space<vmem>>
    %dma_start3A_625 = tpu.memref_squeeze %dma_start3A_624 : memref<1x2x128xi32, #tpu.memory_space<vmem>> -> memref<2x128xi32, #tpu.memory_space<vmem>>
    %dma_start3A_626 = arith.constant 0 : i32
    %dma_start3A_627 = tpu.memref_slice %dma_start3A_625[%dma_start3A_613, %dma_start3A_626] : memref<2x128xi32, #tpu.memory_space<vmem>> -> memref<1x128xi32, #tpu.memory_space<vmem>>
    %dma_start3A_628 = tpu.memref_squeeze %dma_start3A_627 : memref<1x128xi32, #tpu.memory_space<vmem>> -> memref<128xi32, #tpu.memory_space<vmem>>
    %dma_start3A_629 = arith.constant 0 : i32
    %dma_start3A_630 = arith.constant 0 : i32
    %dma_start3A_631 = tpu.memref_slice %arg2[%dma_start3A_629, %dma_start3A_630] : memref<100000x128xf32, #tpu.memory_space<hbm>> -> memref<100000x128xf32, #tpu.memory_space<hbm>>
    tpu.enqueue_indirect_dma source(%dma_start3A_631 : memref<100000x128xf32, #tpu.memory_space<hbm>>) target(%dma_start3A_621 : memref<128x128xf32, #tpu.memory_space<vmem>>) offsets(%dma_start3A_628 : memref<128xi32, #tpu.memory_space<vmem>>) semaphore(%arg12 : memref<!tpu.dma_semaphore, #tpu.memory_space<semaphore_mem>>)
    %scan3A = arith.constant 1 : i32
    %scan3A_632 = arith.constant 9 : i32
    %scan3A_633 = arith.addi %scan3A, %scan3A_632 : i32
    %scan3A_634 = arith.constant 1 : i32
    scf.for %scan3A_962 = %scan3A to %scan3A_633 step %scan3A_634  : i32 {
      %mul3A_963 = arith.constant 2 : i32
      %mul3A_964 = arith.muli %scan3A_962, %mul3A_963 : i32
      %add3A_965 = arith.constant 0 : i32
      %add3A_966 = arith.addi %mul3A_964, %add3A_965 : i32
      %dma_wait3A_967 = arith.constant 0 : i32
      %dma_wait3A_968 = arith.constant 0 : i32
      %dma_wait3A_969 = arith.constant 0 : i32
      %dma_wait3A_970 = tpu.memref_slice %arg7[%dma_wait3A_967, %dma_wait3A_968, %dma_wait3A_969] : memref<2x256x128xf32, #tpu.memory_space<vmem>> -> memref<1x256x128xf32, #tpu.memory_space<vmem>>
      %dma_wait3A_971 = tpu.memref_squeeze %dma_wait3A_970 : memref<1x256x128xf32, #tpu.memory_space<vmem>> -> memref<256x128xf32, #tpu.memory_space<vmem>>
      %dma_wait3A_972 = arith.constant 0 : i32
      %dma_wait3A_973 = arith.constant 0 : i32
      %dma_wait3A_974 = tpu.memref_slice %dma_wait3A_971[%dma_wait3A_972, %dma_wait3A_973] : memref<256x128xf32, #tpu.memory_space<vmem>> -> memref<128x128xf32, #tpu.memory_space<vmem>>
      %dma_wait3A_975 = arith.constant 0 : i32
      %dma_wait3A_976 = arith.constant 0 : i32
      %dma_wait3A_977 = tpu.memref_slice %arg2[%dma_wait3A_975, %dma_wait3A_976] : memref<100000x128xf32, #tpu.memory_space<hbm>> -> memref<128x128xf32, #tpu.memory_space<hbm>>
      %dma_wait3A_978 = arith.constant 0 : i32
      %dma_wait3A_979 = arith.constant 0 : i32
      %dma_wait3A_980 = tpu.memref_slice %arg7[%dma_wait3A_967, %dma_wait3A_978, %dma_wait3A_979] : memref<2x256x128xf32, #tpu.memory_space<vmem>> -> memref<1x256x128xf32, #tpu.memory_space<vmem>>
      %dma_wait3A_981 = tpu.memref_squeeze %dma_wait3A_980 : memref<1x256x128xf32, #tpu.memory_space<vmem>> -> memref<256x128xf32, #tpu.memory_space<vmem>>
      %dma_wait3A_982 = arith.constant 0 : i32
      %dma_wait3A_983 = arith.constant 0 : i32
      %dma_wait3A_984 = tpu.memref_slice %dma_wait3A_981[%dma_wait3A_982, %dma_wait3A_983] : memref<256x128xf32, #tpu.memory_space<vmem>> -> memref<128x128xf32, #tpu.memory_space<vmem>>
      %dma_wait3A_985 = arith.constant 0 : i32
      %dma_wait3A_986 = arith.constant 0 : i32
      %dma_wait3A_987 = tpu.memref_slice %arg2[%dma_wait3A_985, %dma_wait3A_986] : memref<100000x128xf32, #tpu.memory_space<hbm>> -> memref<128x128xf32, #tpu.memory_space<hbm>>
      tpu.wait_dma2 semaphore(%arg12 : memref<!tpu.dma_semaphore, #tpu.memory_space<semaphore_mem>>) src(%dma_wait3A_987 : memref<128x128xf32, #tpu.memory_space<hbm>>) dst(%dma_wait3A_984 : memref<128x128xf32, #tpu.memory_space<vmem>>)
      %dma_wait3A_988 = arith.constant 0 : i32
      %dma_wait3A_989 = arith.constant 0 : i32
      %dma_wait3A_990 = arith.constant 0 : i32
      %dma_wait3A_991 = tpu.memref_slice %arg7[%dma_wait3A_988, %dma_wait3A_989, %dma_wait3A_990] : memref<2x256x128xf32, #tpu.memory_space<vmem>> -> memref<1x256x128xf32, #tpu.memory_space<vmem>>
      %dma_wait3A_992 = tpu.memref_squeeze %dma_wait3A_991 : memref<1x256x128xf32, #tpu.memory_space<vmem>> -> memref<256x128xf32, #tpu.memory_space<vmem>>
      %dma_wait3A_993 = arith.constant 128 : i32
      %dma_wait3A_994 = arith.constant 0 : i32
      %dma_wait3A_995 = tpu.memref_slice %dma_wait3A_992[%dma_wait3A_993, %dma_wait3A_994] : memref<256x128xf32, #tpu.memory_space<vmem>> -> memref<128x128xf32, #tpu.memory_space<vmem>>
      %dma_wait3A_996 = arith.constant 0 : i32
      %dma_wait3A_997 = arith.constant 0 : i32
      %dma_wait3A_998 = tpu.memref_slice %arg2[%dma_wait3A_996, %dma_wait3A_997] : memref<100000x128xf32, #tpu.memory_space<hbm>> -> memref<128x128xf32, #tpu.memory_space<hbm>>
      %dma_wait3A_999 = arith.constant 0 : i32
      %dma_wait3A_1000 = arith.constant 0 : i32
      %dma_wait3A_1001 = tpu.memref_slice %arg7[%dma_wait3A_988, %dma_wait3A_999, %dma_wait3A_1000] : memref<2x256x128xf32, #tpu.memory_space<vmem>> -> memref<1x256x128xf32, #tpu.memory_space<vmem>>
      %dma_wait3A_1002 = tpu.memref_squeeze %dma_wait3A_1001 : memref<1x256x128xf32, #tpu.memory_space<vmem>> -> memref<256x128xf32, #tpu.memory_space<vmem>>
      %dma_wait3A_1003 = arith.constant 128 : i32
      %dma_wait3A_1004 = arith.constant 0 : i32
      %dma_wait3A_1005 = tpu.memref_slice %dma_wait3A_1002[%dma_wait3A_1003, %dma_wait3A_1004] : memref<256x128xf32, #tpu.memory_space<vmem>> -> memref<128x128xf32, #tpu.memory_space<vmem>>
      %dma_wait3A_1006 = arith.constant 0 : i32
      %dma_wait3A_1007 = arith.constant 0 : i32
      %dma_wait3A_1008 = tpu.memref_slice %arg2[%dma_wait3A_1006, %dma_wait3A_1007] : memref<100000x128xf32, #tpu.memory_space<hbm>> -> memref<128x128xf32, #tpu.memory_space<hbm>>
      tpu.wait_dma2 semaphore(%arg12 : memref<!tpu.dma_semaphore, #tpu.memory_space<semaphore_mem>>) src(%dma_wait3A_1008 : memref<128x128xf32, #tpu.memory_space<hbm>>) dst(%dma_wait3A_1005 : memref<128x128xf32, #tpu.memory_space<vmem>>)
      %mul3A_1009 = arith.constant 256 : i32
      %mul3A_1010 = arith.muli %add3A_966, %mul3A_1009 : i32
      %add3A_1011 = arith.addi %mul3A_2, %mul3A_1010 : i32
      %dma_start3A_1012 = arith.constant 0 : i32
      %dma_start3A_1013 = arith.constant 0 : i32
      %dma_start3A_1014 = arith.constant 0 : i32
      %dma_start3A_1015 = tpu.memref_slice %arg7[%dma_start3A_1012, %dma_start3A_1013, %dma_start3A_1014] : memref<2x256x128xf32, #tpu.memory_space<vmem>> -> memref<1x256x128xf32, #tpu.memory_space<vmem>>
      %dma_start3A_1016 = tpu.memref_squeeze %dma_start3A_1015 : memref<1x256x128xf32, #tpu.memory_space<vmem>> -> memref<256x128xf32, #tpu.memory_space<vmem>>
      %dma_start3A_1017 = arith.constant 0 : i32
      %dma_start3A_1018 = tpu.memref_slice %arg5[%add3A_1011, %dma_start3A_1017] : memref<180256x128xf32, #tpu.memory_space<hbm>> -> memref<256x128xf32, #tpu.memory_space<hbm>>
      %dma_start3A_1019 = arith.constant 0 : i32
      %dma_start3A_1020 = tpu.memref_slice %arg5[%add3A_1011, %dma_start3A_1019] : memref<180256x128xf32, #tpu.memory_space<hbm>> -> memref<256x128xf32, #tpu.memory_space<hbm>>
      %dma_start3A_1021 = arith.constant 0 : i32
      %dma_start3A_1022 = arith.constant 0 : i32
      %dma_start3A_1023 = tpu.memref_slice %arg7[%dma_start3A_1012, %dma_start3A_1021, %dma_start3A_1022] : memref<2x256x128xf32, #tpu.memory_space<vmem>> -> memref<1x256x128xf32, #tpu.memory_space<vmem>>
      %dma_start3A_1024 = tpu.memref_squeeze %dma_start3A_1023 : memref<1x256x128xf32, #tpu.memory_space<vmem>> -> memref<256x128xf32, #tpu.memory_space<vmem>>
      tpu.enqueue_dma source(%dma_start3A_1024 : memref<256x128xf32, #tpu.memory_space<vmem>>) target(%dma_start3A_1020 : memref<256x128xf32, #tpu.memory_space<hbm>>) target_semaphore(%arg14 : memref<!tpu.dma_semaphore, #tpu.memory_space<semaphore_mem>>)
      %dma_wait3A_1025 = arith.constant 1 : i32
      %dma_wait3A_1026 = arith.constant 0 : i32
      %dma_wait3A_1027 = arith.constant 0 : i32
      %dma_wait3A_1028 = tpu.memref_slice %arg7[%dma_wait3A_1025, %dma_wait3A_1026, %dma_wait3A_1027] : memref<2x256x128xf32, #tpu.memory_space<vmem>> -> memref<1x256x128xf32, #tpu.memory_space<vmem>>
      %dma_wait3A_1029 = tpu.memref_squeeze %dma_wait3A_1028 : memref<1x256x128xf32, #tpu.memory_space<vmem>> -> memref<256x128xf32, #tpu.memory_space<vmem>>
      %dma_wait3A_1030 = arith.constant 0 : i32
      %dma_wait3A_1031 = tpu.memref_slice %arg5[%mul3A_2, %dma_wait3A_1030] : memref<180256x128xf32, #tpu.memory_space<hbm>> -> memref<256x128xf32, #tpu.memory_space<hbm>>
      %dma_wait3A_1032 = arith.constant 0 : i32
      %dma_wait3A_1033 = tpu.memref_slice %arg5[%mul3A_2, %dma_wait3A_1032] : memref<180256x128xf32, #tpu.memory_space<hbm>> -> memref<256x128xf32, #tpu.memory_space<hbm>>
      %dma_wait3A_1034 = arith.constant 0 : i32
      %dma_wait3A_1035 = arith.constant 0 : i32
      %dma_wait3A_1036 = tpu.memref_slice %arg7[%dma_wait3A_1025, %dma_wait3A_1034, %dma_wait3A_1035] : memref<2x256x128xf32, #tpu.memory_space<vmem>> -> memref<1x256x128xf32, #tpu.memory_space<vmem>>
      %dma_wait3A_1037 = tpu.memref_squeeze %dma_wait3A_1036 : memref<1x256x128xf32, #tpu.memory_space<vmem>> -> memref<256x128xf32, #tpu.memory_space<vmem>>
      tpu.wait_dma2 semaphore(%arg15 : memref<!tpu.dma_semaphore, #tpu.memory_space<semaphore_mem>>) src(%dma_wait3A_1037 : memref<256x128xf32, #tpu.memory_space<vmem>>) dst(%dma_wait3A_1033 : memref<256x128xf32, #tpu.memory_space<hbm>>)
      %add3A_1038 = arith.constant 2 : i32
      %add3A_1039 = arith.addi %add3A_966, %add3A_1038 : i32
      %sub3A = arith.constant 1 : i32
      %sub3A_1040 = arith.subi %add3A_1039, %sub3A : i32
      %mul3A_1041 = arith.constant 256 : i32
      %mul3A_1042 = arith.muli %sub3A_1040, %mul3A_1041 : i32
      %add3A_1043 = arith.constant 0 : i32
      %add3A_1044 = arith.addi %mul3A_1042, %add3A_1043 : i32
      %add3A_1045 = arith.constant 0 : i32
      %add3A_1046 = arith.addi %add3A_1044, %add3A_1045 : i32
      %get3A_1047 = arith.index_cast %add3A_1046 : i32 to index
      %get3A_1048 = tpu.vector_load %arg6[%get3A_1047] {strides = array<i32>} : memref<5632xi32, #tpu.memory_space<vmem>>, vector<16xi32>,
      %swap3A_1049 = arith.constant 1 : i32
      %swap3A_1050 = arith.constant 0 : i32
      %swap3A_1051 = arith.index_cast %swap3A_1049 : i32 to index
      %swap3A_1052 = arith.index_cast %swap3A_1050 : i32 to index
      %swap3A_1053 = arith.constant 0 : index
      %swap3A_1054 = tpu.vector_load %arg8[%swap3A_1051, %swap3A_1052, %swap3A_1053] {strides = array<i32>} : memref<2x2x128xi32, #tpu.memory_space<vmem>>, vector<16xi32>,
      tpu.vector_store %arg8[%swap3A_1051, %swap3A_1052, %swap3A_1053], %get3A_1048 {strides = array<i32>} : memref<2x2x128xi32, #tpu.memory_space<vmem>>, vector<16xi32>,
      %mul3A_1055 = arith.constant 256 : i32
      %mul3A_1056 = arith.muli %sub3A_1040, %mul3A_1055 : i32
      %add3A_1057 = arith.constant 0 : i32
      %add3A_1058 = arith.addi %mul3A_1056, %add3A_1057 : i32
      %add3A_1059 = arith.constant 16 : i32
      %add3A_1060 = arith.addi %add3A_1058, %add3A_1059 : i32
      %get3A_1061 = arith.index_cast %add3A_1060 : i32 to index
      %get3A_1062 = tpu.vector_load %arg6[%get3A_1061] {strides = array<i32>} : memref<5632xi32, #tpu.memory_space<vmem>>, vector<16xi32>,
      %swap3A_1063 = arith.constant 1 : i32
      %swap3A_1064 = arith.constant 0 : i32
      %swap3A_1065 = arith.index_cast %swap3A_1063 : i32 to index
      %swap3A_1066 = arith.index_cast %swap3A_1064 : i32 to index
      %swap3A_1067 = arith.constant 16 : index
      %swap3A_1068 = tpu.vector_load %arg8[%swap3A_1065, %swap3A_1066, %swap3A_1067] {strides = array<i32>} : memref<2x2x128xi32, #tpu.memory_space<vmem>>, vector<16xi32>,
      tpu.vector_store %arg8[%swap3A_1065, %swap3A_1066, %swap3A_1067], %get3A_1062 {strides = array<i32>} : memref<2x2x128xi32, #tpu.memory_space<vmem>>, vector<16xi32>,
      %mul3A_1069 = arith.constant 256 : i32
      %mul3A_1070 = arith.muli %sub3A_1040, %mul3A_1069 : i32
      %add3A_1071 = arith.constant 0 : i32
      %add3A_1072 = arith.addi %mul3A_1070, %add3A_1071 : i32
      %add3A_1073 = arith.constant 32 : i32
      %add3A_1074 = arith.addi %add3A_1072, %add3A_1073 : i32
      %get3A_1075 = arith.index_cast %add3A_1074 : i32 to index
      %get3A_1076 = tpu.vector_load %arg6[%get3A_1075] {strides = array<i32>} : memref<5632xi32, #tpu.memory_space<vmem>>, vector<16xi32>,
      %swap3A_1077 = arith.constant 1 : i32
      %swap3A_1078 = arith.constant 0 : i32
      %swap3A_1079 = arith.index_cast %swap3A_1077 : i32 to index
      %swap3A_1080 = arith.index_cast %swap3A_1078 : i32 to index
      %swap3A_1081 = arith.constant 32 : index
      %swap3A_1082 = tpu.vector_load %arg8[%swap3A_1079, %swap3A_1080, %swap3A_1081] {strides = array<i32>} : memref<2x2x128xi32, #tpu.memory_space<vmem>>, vector<16xi32>,
      tpu.vector_store %arg8[%swap3A_1079, %swap3A_1080, %swap3A_1081], %get3A_1076 {strides = array<i32>} : memref<2x2x128xi32, #tpu.memory_space<vmem>>, vector<16xi32>,
      %mul3A_1083 = arith.constant 256 : i32
      %mul3A_1084 = arith.muli %sub3A_1040, %mul3A_1083 : i32
      %add3A_1085 = arith.constant 0 : i32
      %add3A_1086 = arith.addi %mul3A_1084, %add3A_1085 : i32
      %add3A_1087 = arith.constant 48 : i32
      %add3A_1088 = arith.addi %add3A_1086, %add3A_1087 : i32
      %get3A_1089 = arith.index_cast %add3A_1088 : i32 to index
      %get3A_1090 = tpu.vector_load %arg6[%get3A_1089] {strides = array<i32>} : memref<5632xi32, #tpu.memory_space<vmem>>, vector<16xi32>,
      %swap3A_1091 = arith.constant 1 : i32
      %swap3A_1092 = arith.constant 0 : i32
      %swap3A_1093 = arith.index_cast %swap3A_1091 : i32 to index
      %swap3A_1094 = arith.index_cast %swap3A_1092 : i32 to index
      %swap3A_1095 = arith.constant 48 : index
      %swap3A_1096 = tpu.vector_load %arg8[%swap3A_1093, %swap3A_1094, %swap3A_1095] {strides = array<i32>} : memref<2x2x128xi32, #tpu.memory_space<vmem>>, vector<16xi32>,
      tpu.vector_store %arg8[%swap3A_1093, %swap3A_1094, %swap3A_1095], %get3A_1090 {strides = array<i32>} : memref<2x2x128xi32, #tpu.memory_space<vmem>>, vector<16xi32>,
      %mul3A_1097 = arith.constant 256 : i32
      %mul3A_1098 = arith.muli %sub3A_1040, %mul3A_1097 : i32
      %add3A_1099 = arith.constant 0 : i32
      %add3A_1100 = arith.addi %mul3A_1098, %add3A_1099 : i32
      %add3A_1101 = arith.constant 64 : i32
      %add3A_1102 = arith.addi %add3A_1100, %add3A_1101 : i32
      %get3A_1103 = arith.index_cast %add3A_1102 : i32 to index
      %get3A_1104 = tpu.vector_load %arg6[%get3A_1103] {strides = array<i32>} : memref<5632xi32, #tpu.memory_space<vmem>>, vector<16xi32>,
      %swap3A_1105 = arith.constant 1 : i32
      %swap3A_1106 = arith.constant 0 : i32
      %swap3A_1107 = arith.index_cast %swap3A_1105 : i32 to index
      %swap3A_1108 = arith.index_cast %swap3A_1106 : i32 to index
      %swap3A_1109 = arith.constant 64 : index
      %swap3A_1110 = tpu.vector_load %arg8[%swap3A_1107, %swap3A_1108, %swap3A_1109] {strides = array<i32>} : memref<2x2x128xi32, #tpu.memory_space<vmem>>, vector<16xi32>,
      tpu.vector_store %arg8[%swap3A_1107, %swap3A_1108, %swap3A_1109], %get3A_1104 {strides = array<i32>} : memref<2x2x128xi32, #tpu.memory_space<vmem>>, vector<16xi32>,
      %mul3A_1111 = arith.constant 256 : i32
      %mul3A_1112 = arith.muli %sub3A_1040, %mul3A_1111 : i32
      %add3A_1113 = arith.constant 0 : i32
      %add3A_1114 = arith.addi %mul3A_1112, %add3A_1113 : i32
      %add3A_1115 = arith.constant 80 : i32
      %add3A_1116 = arith.addi %add3A_1114, %add3A_1115 : i32
      %get3A_1117 = arith.index_cast %add3A_1116 : i32 to index
      %get3A_1118 = tpu.vector_load %arg6[%get3A_1117] {strides = array<i32>} : memref<5632xi32, #tpu.memory_space<vmem>>, vector<16xi32>,
      %swap3A_1119 = arith.constant 1 : i32
      %swap3A_1120 = arith.constant 0 : i32
      %swap3A_1121 = arith.index_cast %swap3A_1119 : i32 to index
      %swap3A_1122 = arith.index_cast %swap3A_1120 : i32 to index
      %swap3A_1123 = arith.constant 80 : index
      %swap3A_1124 = tpu.vector_load %arg8[%swap3A_1121, %swap3A_1122, %swap3A_1123] {strides = array<i32>} : memref<2x2x128xi32, #tpu.memory_space<vmem>>, vector<16xi32>,
      tpu.vector_store %arg8[%swap3A_1121, %swap3A_1122, %swap3A_1123], %get3A_1118 {strides = array<i32>} : memref<2x2x128xi32, #tpu.memory_space<vmem>>, vector<16xi32>,
      %mul3A_1125 = arith.constant 256 : i32
      %mul3A_1126 = arith.muli %sub3A_1040, %mul3A_1125 : i32
      %add3A_1127 = arith.constant 0 : i32
      %add3A_1128 = arith.addi %mul3A_1126, %add3A_1127 : i32
      %add3A_1129 = arith.constant 96 : i32
      %add3A_1130 = arith.addi %add3A_1128, %add3A_1129 : i32
      %get3A_1131 = arith.index_cast %add3A_1130 : i32 to index
      %get3A_1132 = tpu.vector_load %arg6[%get3A_1131] {strides = array<i32>} : memref<5632xi32, #tpu.memory_space<vmem>>, vector<16xi32>,
      %swap3A_1133 = arith.constant 1 : i32
      %swap3A_1134 = arith.constant 0 : i32
      %swap3A_1135 = arith.index_cast %swap3A_1133 : i32 to index
      %swap3A_1136 = arith.index_cast %swap3A_1134 : i32 to index
      %swap3A_1137 = arith.constant 96 : index
      %swap3A_1138 = tpu.vector_load %arg8[%swap3A_1135, %swap3A_1136, %swap3A_1137] {strides = array<i32>} : memref<2x2x128xi32, #tpu.memory_space<vmem>>, vector<16xi32>,
      tpu.vector_store %arg8[%swap3A_1135, %swap3A_1136, %swap3A_1137], %get3A_1132 {strides = array<i32>} : memref<2x2x128xi32, #tpu.memory_space<vmem>>, vector<16xi32>,
      %mul3A_1139 = arith.constant 256 : i32
      %mul3A_1140 = arith.muli %sub3A_1040, %mul3A_1139 : i32
      %add3A_1141 = arith.constant 0 : i32
      %add3A_1142 = arith.addi %mul3A_1140, %add3A_1141 : i32
      %add3A_1143 = arith.constant 112 : i32
      %add3A_1144 = arith.addi %add3A_1142, %add3A_1143 : i32
      %get3A_1145 = arith.index_cast %add3A_1144 : i32 to index
      %get3A_1146 = tpu.vector_load %arg6[%get3A_1145] {strides = array<i32>} : memref<5632xi32, #tpu.memory_space<vmem>>, vector<16xi32>,
      %swap3A_1147 = arith.constant 1 : i32
      %swap3A_1148 = arith.constant 0 : i32
      %swap3A_1149 = arith.index_cast %swap3A_1147 : i32 to index
      %swap3A_1150 = arith.index_cast %swap3A_1148 : i32 to index
      %swap3A_1151 = arith.constant 112 : index
      %swap3A_1152 = tpu.vector_load %arg8[%swap3A_1149, %swap3A_1150, %swap3A_1151] {strides = array<i32>} : memref<2x2x128xi32, #tpu.memory_space<vmem>>, vector<16xi32>,
      tpu.vector_store %arg8[%swap3A_1149, %swap3A_1150, %swap3A_1151], %get3A_1146 {strides = array<i32>} : memref<2x2x128xi32, #tpu.memory_space<vmem>>, vector<16xi32>,
      %mul3A_1153 = arith.constant 256 : i32
      %mul3A_1154 = arith.muli %sub3A_1040, %mul3A_1153 : i32
      %add3A_1155 = arith.constant 128 : i32
      %add3A_1156 = arith.addi %mul3A_1154, %add3A_1155 : i32
      %add3A_1157 = arith.constant 0 : i32
      %add3A_1158 = arith.addi %add3A_1156, %add3A_1157 : i32
      %get3A_1159 = arith.index_cast %add3A_1158 : i32 to index
      %get3A_1160 = tpu.vector_load %arg6[%get3A_1159] {strides = array<i32>} : memref<5632xi32, #tpu.memory_space<vmem>>, vector<16xi32>,
      %swap3A_1161 = arith.constant 1 : i32
      %swap3A_1162 = arith.constant 1 : i32
      %swap3A_1163 = arith.index_cast %swap3A_1161 : i32 to index
      %swap3A_1164 = arith.index_cast %swap3A_1162 : i32 to index
      %swap3A_1165 = arith.constant 0 : index
      %swap3A_1166 = tpu.vector_load %arg8[%swap3A_1163, %swap3A_1164, %swap3A_1165] {strides = array<i32>} : memref<2x2x128xi32, #tpu.memory_space<vmem>>, vector<16xi32>,
      tpu.vector_store %arg8[%swap3A_1163, %swap3A_1164, %swap3A_1165], %get3A_1160 {strides = array<i32>} : memref<2x2x128xi32, #tpu.memory_space<vmem>>, vector<16xi32>,
      %mul3A_1167 = arith.constant 256 : i32
      %mul3A_1168 = arith.muli %sub3A_1040, %mul3A_1167 : i32
      %add3A_1169 = arith.constant 128 : i32
      %add3A_1170 = arith.addi %mul3A_1168, %add3A_1169 : i32
      %add3A_1171 = arith.constant 16 : i32
      %add3A_1172 = arith.addi %add3A_1170, %add3A_1171 : i32
      %get3A_1173 = arith.index_cast %add3A_1172 : i32 to index
      %get3A_1174 = tpu.vector_load %arg6[%get3A_1173] {strides = array<i32>} : memref<5632xi32, #tpu.memory_space<vmem>>, vector<16xi32>,
      %swap3A_1175 = arith.constant 1 : i32
      %swap3A_1176 = arith.constant 1 : i32
      %swap3A_1177 = arith.index_cast %swap3A_1175 : i32 to index
      %swap3A_1178 = arith.index_cast %swap3A_1176 : i32 to index
      %swap3A_1179 = arith.constant 16 : index
      %swap3A_1180 = tpu.vector_load %arg8[%swap3A_1177, %swap3A_1178, %swap3A_1179] {strides = array<i32>} : memref<2x2x128xi32, #tpu.memory_space<vmem>>, vector<16xi32>,
      tpu.vector_store %arg8[%swap3A_1177, %swap3A_1178, %swap3A_1179], %get3A_1174 {strides = array<i32>} : memref<2x2x128xi32, #tpu.memory_space<vmem>>, vector<16xi32>,
      %mul3A_1181 = arith.constant 256 : i32
      %mul3A_1182 = arith.muli %sub3A_1040, %mul3A_1181 : i32
      %add3A_1183 = arith.constant 128 : i32
      %add3A_1184 = arith.addi %mul3A_1182, %add3A_1183 : i32
      %add3A_1185 = arith.constant 32 : i32
      %add3A_1186 = arith.addi %add3A_1184, %add3A_1185 : i32
      %get3A_1187 = arith.index_cast %add3A_1186 : i32 to index
      %get3A_1188 = tpu.vector_load %arg6[%get3A_1187] {strides = array<i32>} : memref<5632xi32, #tpu.memory_space<vmem>>, vector<16xi32>,
      %swap3A_1189 = arith.constant 1 : i32
      %swap3A_1190 = arith.constant 1 : i32
      %swap3A_1191 = arith.index_cast %swap3A_1189 : i32 to index
      %swap3A_1192 = arith.index_cast %swap3A_1190 : i32 to index
      %swap3A_1193 = arith.constant 32 : index
      %swap3A_1194 = tpu.vector_load %arg8[%swap3A_1191, %swap3A_1192, %swap3A_1193] {strides = array<i32>} : memref<2x2x128xi32, #tpu.memory_space<vmem>>, vector<16xi32>,
      tpu.vector_store %arg8[%swap3A_1191, %swap3A_1192, %swap3A_1193], %get3A_1188 {strides = array<i32>} : memref<2x2x128xi32, #tpu.memory_space<vmem>>, vector<16xi32>,
      %mul3A_1195 = arith.constant 256 : i32
      %mul3A_1196 = arith.muli %sub3A_1040, %mul3A_1195 : i32
      %add3A_1197 = arith.constant 128 : i32
      %add3A_1198 = arith.addi %mul3A_1196, %add3A_1197 : i32
      %add3A_1199 = arith.constant 48 : i32
      %add3A_1200 = arith.addi %add3A_1198, %add3A_1199 : i32
      %get3A_1201 = arith.index_cast %add3A_1200 : i32 to index
      %get3A_1202 = tpu.vector_load %arg6[%get3A_1201] {strides = array<i32>} : memref<5632xi32, #tpu.memory_space<vmem>>, vector<16xi32>,
      %swap3A_1203 = arith.constant 1 : i32
      %swap3A_1204 = arith.constant 1 : i32
      %swap3A_1205 = arith.index_cast %swap3A_1203 : i32 to index
      %swap3A_1206 = arith.index_cast %swap3A_1204 : i32 to index
      %swap3A_1207 = arith.constant 48 : index
      %swap3A_1208 = tpu.vector_load %arg8[%swap3A_1205, %swap3A_1206, %swap3A_1207] {strides = array<i32>} : memref<2x2x128xi32, #tpu.memory_space<vmem>>, vector<16xi32>,
      tpu.vector_store %arg8[%swap3A_1205, %swap3A_1206, %swap3A_1207], %get3A_1202 {strides = array<i32>} : memref<2x2x128xi32, #tpu.memory_space<vmem>>, vector<16xi32>,
      %mul3A_1209 = arith.constant 256 : i32
      %mul3A_1210 = arith.muli %sub3A_1040, %mul3A_1209 : i32
      %add3A_1211 = arith.constant 128 : i32
      %add3A_1212 = arith.addi %mul3A_1210, %add3A_1211 : i32
      %add3A_1213 = arith.constant 64 : i32
      %add3A_1214 = arith.addi %add3A_1212, %add3A_1213 : i32
      %get3A_1215 = arith.index_cast %add3A_1214 : i32 to index
      %get3A_1216 = tpu.vector_load %arg6[%get3A_1215] {strides = array<i32>} : memref<5632xi32, #tpu.memory_space<vmem>>, vector<16xi32>,
      %swap3A_1217 = arith.constant 1 : i32
      %swap3A_1218 = arith.constant 1 : i32
      %swap3A_1219 = arith.index_cast %swap3A_1217 : i32 to index
      %swap3A_1220 = arith.index_cast %swap3A_1218 : i32 to index
      %swap3A_1221 = arith.constant 64 : index
      %swap3A_1222 = tpu.vector_load %arg8[%swap3A_1219, %swap3A_1220, %swap3A_1221] {strides = array<i32>} : memref<2x2x128xi32, #tpu.memory_space<vmem>>, vector<16xi32>,
      tpu.vector_store %arg8[%swap3A_1219, %swap3A_1220, %swap3A_1221], %get3A_1216 {strides = array<i32>} : memref<2x2x128xi32, #tpu.memory_space<vmem>>, vector<16xi32>,
      %mul3A_1223 = arith.constant 256 : i32
      %mul3A_1224 = arith.muli %sub3A_1040, %mul3A_1223 : i32
      %add3A_1225 = arith.constant 128 : i32
      %add3A_1226 = arith.addi %mul3A_1224, %add3A_1225 : i32
      %add3A_1227 = arith.constant 80 : i32
      %add3A_1228 = arith.addi %add3A_1226, %add3A_1227 : i32
      %get3A_1229 = arith.index_cast %add3A_1228 : i32 to index
      %get3A_1230 = tpu.vector_load %arg6[%get3A_1229] {strides = array<i32>} : memref<5632xi32, #tpu.memory_space<vmem>>, vector<16xi32>,
      %swap3A_1231 = arith.constant 1 : i32
      %swap3A_1232 = arith.constant 1 : i32
      %swap3A_1233 = arith.index_cast %swap3A_1231 : i32 to index
      %swap3A_1234 = arith.index_cast %swap3A_1232 : i32 to index
      %swap3A_1235 = arith.constant 80 : index
      %swap3A_1236 = tpu.vector_load %arg8[%swap3A_1233, %swap3A_1234, %swap3A_1235] {strides = array<i32>} : memref<2x2x128xi32, #tpu.memory_space<vmem>>, vector<16xi32>,
      tpu.vector_store %arg8[%swap3A_1233, %swap3A_1234, %swap3A_1235], %get3A_1230 {strides = array<i32>} : memref<2x2x128xi32, #tpu.memory_space<vmem>>, vector<16xi32>,
      %mul3A_1237 = arith.constant 256 : i32
      %mul3A_1238 = arith.muli %sub3A_1040, %mul3A_1237 : i32
      %add3A_1239 = arith.constant 128 : i32
      %add3A_1240 = arith.addi %mul3A_1238, %add3A_1239 : i32
      %add3A_1241 = arith.constant 96 : i32
      %add3A_1242 = arith.addi %add3A_1240, %add3A_1241 : i32
      %get3A_1243 = arith.index_cast %add3A_1242 : i32 to index
      %get3A_1244 = tpu.vector_load %arg6[%get3A_1243] {strides = array<i32>} : memref<5632xi32, #tpu.memory_space<vmem>>, vector<16xi32>,
      %swap3A_1245 = arith.constant 1 : i32
      %swap3A_1246 = arith.constant 1 : i32
      %swap3A_1247 = arith.index_cast %swap3A_1245 : i32 to index
      %swap3A_1248 = arith.index_cast %swap3A_1246 : i32 to index
      %swap3A_1249 = arith.constant 96 : index
      %swap3A_1250 = tpu.vector_load %arg8[%swap3A_1247, %swap3A_1248, %swap3A_1249] {strides = array<i32>} : memref<2x2x128xi32, #tpu.memory_space<vmem>>, vector<16xi32>,
      tpu.vector_store %arg8[%swap3A_1247, %swap3A_1248, %swap3A_1249], %get3A_1244 {strides = array<i32>} : memref<2x2x128xi32, #tpu.memory_space<vmem>>, vector<16xi32>,
      %mul3A_1251 = arith.constant 256 : i32
      %mul3A_1252 = arith.muli %sub3A_1040, %mul3A_1251 : i32
      %add3A_1253 = arith.constant 128 : i32
      %add3A_1254 = arith.addi %mul3A_1252, %add3A_1253 : i32
      %add3A_1255 = arith.constant 112 : i32
      %add3A_1256 = arith.addi %add3A_1254, %add3A_1255 : i32
      %get3A_1257 = arith.index_cast %add3A_1256 : i32 to index
      %get3A_1258 = tpu.vector_load %arg6[%get3A_1257] {strides = array<i32>} : memref<5632xi32, #tpu.memory_space<vmem>>, vector<16xi32>,
      %swap3A_1259 = arith.constant 1 : i32
      %swap3A_1260 = arith.constant 1 : i32
      %swap3A_1261 = arith.index_cast %swap3A_1259 : i32 to index
      %swap3A_1262 = arith.index_cast %swap3A_1260 : i32 to index
      %swap3A_1263 = arith.constant 112 : index
      %swap3A_1264 = tpu.vector_load %arg8[%swap3A_1261, %swap3A_1262, %swap3A_1263] {strides = array<i32>} : memref<2x2x128xi32, #tpu.memory_space<vmem>>, vector<16xi32>,
      tpu.vector_store %arg8[%swap3A_1261, %swap3A_1262, %swap3A_1263], %get3A_1258 {strides = array<i32>} : memref<2x2x128xi32, #tpu.memory_space<vmem>>, vector<16xi32>,
      %dma_start3A_1265 = arith.constant 1 : i32
      %dma_start3A_1266 = arith.constant 0 : i32
      %dma_start3A_1267 = arith.constant 1 : i32
      %dma_start3A_1268 = arith.constant 0 : i32
      %dma_start3A_1269 = arith.constant 0 : i32
      %dma_start3A_1270 = tpu.memref_slice %arg7[%dma_start3A_1267, %dma_start3A_1268, %dma_start3A_1269] : memref<2x256x128xf32, #tpu.memory_space<vmem>> -> memref<1x256x128xf32, #tpu.memory_space<vmem>>
      %dma_start3A_1271 = tpu.memref_squeeze %dma_start3A_1270 : memref<1x256x128xf32, #tpu.memory_space<vmem>> -> memref<256x128xf32, #tpu.memory_space<vmem>>
      %dma_start3A_1272 = arith.constant 0 : i32
      %dma_start3A_1273 = arith.constant 0 : i32
      %dma_start3A_1274 = tpu.memref_slice %dma_start3A_1271[%dma_start3A_1272, %dma_start3A_1273] : memref<256x128xf32, #tpu.memory_space<vmem>> -> memref<128x128xf32, #tpu.memory_space<vmem>>
      %dma_start3A_1275 = arith.constant 0 : i32
      %dma_start3A_1276 = arith.constant 0 : i32
      %dma_start3A_1277 = tpu.memref_slice %arg8[%dma_start3A_1265, %dma_start3A_1275, %dma_start3A_1276] : memref<2x2x128xi32, #tpu.memory_space<vmem>> -> memref<1x2x128xi32, #tpu.memory_space<vmem>>
      %dma_start3A_1278 = tpu.memref_squeeze %dma_start3A_1277 : memref<1x2x128xi32, #tpu.memory_space<vmem>> -> memref<2x128xi32, #tpu.memory_space<vmem>>
      %dma_start3A_1279 = arith.constant 0 : i32
      %dma_start3A_1280 = tpu.memref_slice %dma_start3A_1278[%dma_start3A_1266, %dma_start3A_1279] : memref<2x128xi32, #tpu.memory_space<vmem>> -> memref<1x128xi32, #tpu.memory_space<vmem>>
      %dma_start3A_1281 = tpu.memref_squeeze %dma_start3A_1280 : memref<1x128xi32, #tpu.memory_space<vmem>> -> memref<128xi32, #tpu.memory_space<vmem>>
      %dma_start3A_1282 = arith.constant 0 : i32
      %dma_start3A_1283 = arith.constant 0 : i32
      %dma_start3A_1284 = tpu.memref_slice %arg2[%dma_start3A_1282, %dma_start3A_1283] : memref<100000x128xf32, #tpu.memory_space<hbm>> -> memref<100000x128xf32, #tpu.memory_space<hbm>>
      tpu.enqueue_indirect_dma source(%dma_start3A_1284 : memref<100000x128xf32, #tpu.memory_space<hbm>>) target(%dma_start3A_1274 : memref<128x128xf32, #tpu.memory_space<vmem>>) offsets(%dma_start3A_1281 : memref<128xi32, #tpu.memory_space<vmem>>) semaphore(%arg13 : memref<!tpu.dma_semaphore, #tpu.memory_space<semaphore_mem>>)
      %dma_start3A_1285 = arith.constant 1 : i32
      %dma_start3A_1286 = arith.constant 1 : i32
      %dma_start3A_1287 = arith.constant 1 : i32
      %dma_start3A_1288 = arith.constant 0 : i32
      %dma_start3A_1289 = arith.constant 0 : i32
      %dma_start3A_1290 = tpu.memref_slice %arg7[%dma_start3A_1287, %dma_start3A_1288, %dma_start3A_1289] : memref<2x256x128xf32, #tpu.memory_space<vmem>> -> memref<1x256x128xf32, #tpu.memory_space<vmem>>
      %dma_start3A_1291 = tpu.memref_squeeze %dma_start3A_1290 : memref<1x256x128xf32, #tpu.memory_space<vmem>> -> memref<256x128xf32, #tpu.memory_space<vmem>>
      %dma_start3A_1292 = arith.constant 128 : i32
      %dma_start3A_1293 = arith.constant 0 : i32
      %dma_start3A_1294 = tpu.memref_slice %dma_start3A_1291[%dma_start3A_1292, %dma_start3A_1293] : memref<256x128xf32, #tpu.memory_space<vmem>> -> memref<128x128xf32, #tpu.memory_space<vmem>>
      %dma_start3A_1295 = arith.constant 0 : i32
      %dma_start3A_1296 = arith.constant 0 : i32
      %dma_start3A_1297 = tpu.memref_slice %arg8[%dma_start3A_1285, %dma_start3A_1295, %dma_start3A_1296] : memref<2x2x128xi32, #tpu.memory_space<vmem>> -> memref<1x2x128xi32, #tpu.memory_space<vmem>>
      %dma_start3A_1298 = tpu.memref_squeeze %dma_start3A_1297 : memref<1x2x128xi32, #tpu.memory_space<vmem>> -> memref<2x128xi32, #tpu.memory_space<vmem>>
      %dma_start3A_1299 = arith.constant 0 : i32
      %dma_start3A_1300 = tpu.memref_slice %dma_start3A_1298[%dma_start3A_1286, %dma_start3A_1299] : memref<2x128xi32, #tpu.memory_space<vmem>> -> memref<1x128xi32, #tpu.memory_space<vmem>>
      %dma_start3A_1301 = tpu.memref_squeeze %dma_start3A_1300 : memref<1x128xi32, #tpu.memory_space<vmem>> -> memref<128xi32, #tpu.memory_space<vmem>>
      %dma_start3A_1302 = arith.constant 0 : i32
      %dma_start3A_1303 = arith.constant 0 : i32
      %dma_start3A_1304 = tpu.memref_slice %arg2[%dma_start3A_1302, %dma_start3A_1303] : memref<100000x128xf32, #tpu.memory_space<hbm>> -> memref<100000x128xf32, #tpu.memory_space<hbm>>
      tpu.enqueue_indirect_dma source(%dma_start3A_1304 : memref<100000x128xf32, #tpu.memory_space<hbm>>) target(%dma_start3A_1294 : memref<128x128xf32, #tpu.memory_space<vmem>>) offsets(%dma_start3A_1301 : memref<128xi32, #tpu.memory_space<vmem>>) semaphore(%arg13 : memref<!tpu.dma_semaphore, #tpu.memory_space<semaphore_mem>>)
      %mul3A_1305 = arith.constant 2 : i32
      %mul3A_1306 = arith.muli %scan3A_962, %mul3A_1305 : i32
      %add3A_1307 = arith.constant 1 : i32
      %add3A_1308 = arith.addi %mul3A_1306, %add3A_1307 : i32
      %dma_wait3A_1309 = arith.constant 1 : i32
      %dma_wait3A_1310 = arith.constant 0 : i32
      %dma_wait3A_1311 = arith.constant 0 : i32
      %dma_wait3A_1312 = tpu.memref_slice %arg7[%dma_wait3A_1309, %dma_wait3A_1310, %dma_wait3A_1311] : memref<2x256x128xf32, #tpu.memory_space<vmem>> -> memref<1x256x128xf32, #tpu.memory_space<vmem>>
      %dma_wait3A_1313 = tpu.memref_squeeze %dma_wait3A_1312 : memref<1x256x128xf32, #tpu.memory_space<vmem>> -> memref<256x128xf32, #tpu.memory_space<vmem>>
      %dma_wait3A_1314 = arith.constant 0 : i32
      %dma_wait3A_1315 = arith.constant 0 : i32
      %dma_wait3A_1316 = tpu.memref_slice %dma_wait3A_1313[%dma_wait3A_1314, %dma_wait3A_1315] : memref<256x128xf32, #tpu.memory_space<vmem>> -> memref<128x128xf32, #tpu.memory_space<vmem>>
      %dma_wait3A_1317 = arith.constant 0 : i32
      %dma_wait3A_1318 = arith.constant 0 : i32
      %dma_wait3A_1319 = tpu.memref_slice %arg2[%dma_wait3A_1317, %dma_wait3A_1318] : memref<100000x128xf32, #tpu.memory_space<hbm>> -> memref<128x128xf32, #tpu.memory_space<hbm>>
      %dma_wait3A_1320 = arith.constant 0 : i32
      %dma_wait3A_1321 = arith.constant 0 : i32
      %dma_wait3A_1322 = tpu.memref_slice %arg7[%dma_wait3A_1309, %dma_wait3A_1320, %dma_wait3A_1321] : memref<2x256x128xf32, #tpu.memory_space<vmem>> -> memref<1x256x128xf32, #tpu.memory_space<vmem>>
      %dma_wait3A_1323 = tpu.memref_squeeze %dma_wait3A_1322 : memref<1x256x128xf32, #tpu.memory_space<vmem>> -> memref<256x128xf32, #tpu.memory_space<vmem>>
      %dma_wait3A_1324 = arith.constant 0 : i32
      %dma_wait3A_1325 = arith.constant 0 : i32
      %dma_wait3A_1326 = tpu.memref_slice %dma_wait3A_1323[%dma_wait3A_1324, %dma_wait3A_1325] : memref<256x128xf32, #tpu.memory_space<vmem>> -> memref<128x128xf32, #tpu.memory_space<vmem>>
      %dma_wait3A_1327 = arith.constant 0 : i32
      %dma_wait3A_1328 = arith.constant 0 : i32
      %dma_wait3A_1329 = tpu.memref_slice %arg2[%dma_wait3A_1327, %dma_wait3A_1328] : memref<100000x128xf32, #tpu.memory_space<hbm>> -> memref<128x128xf32, #tpu.memory_space<hbm>>
      tpu.wait_dma2 semaphore(%arg13 : memref<!tpu.dma_semaphore, #tpu.memory_space<semaphore_mem>>) src(%dma_wait3A_1329 : memref<128x128xf32, #tpu.memory_space<hbm>>) dst(%dma_wait3A_1326 : memref<128x128xf32, #tpu.memory_space<vmem>>)
      %dma_wait3A_1330 = arith.constant 1 : i32
      %dma_wait3A_1331 = arith.constant 0 : i32
      %dma_wait3A_1332 = arith.constant 0 : i32
      %dma_wait3A_1333 = tpu.memref_slice %arg7[%dma_wait3A_1330, %dma_wait3A_1331, %dma_wait3A_1332] : memref<2x256x128xf32, #tpu.memory_space<vmem>> -> memref<1x256x128xf32, #tpu.memory_space<vmem>>
      %dma_wait3A_1334 = tpu.memref_squeeze %dma_wait3A_1333 : memref<1x256x128xf32, #tpu.memory_space<vmem>> -> memref<256x128xf32, #tpu.memory_space<vmem>>
      %dma_wait3A_1335 = arith.constant 128 : i32
      %dma_wait3A_1336 = arith.constant 0 : i32
      %dma_wait3A_1337 = tpu.memref_slice %dma_wait3A_1334[%dma_wait3A_1335, %dma_wait3A_1336] : memref<256x128xf32, #tpu.memory_space<vmem>> -> memref<128x128xf32, #tpu.memory_space<vmem>>
      %dma_wait3A_1338 = arith.constant 0 : i32
      %dma_wait3A_1339 = arith.constant 0 : i32
      %dma_wait3A_1340 = tpu.memref_slice %arg2[%dma_wait3A_1338, %dma_wait3A_1339] : memref<100000x128xf32, #tpu.memory_space<hbm>> -> memref<128x128xf32, #tpu.memory_space<hbm>>
      %dma_wait3A_1341 = arith.constant 0 : i32
      %dma_wait3A_1342 = arith.constant 0 : i32
      %dma_wait3A_1343 = tpu.memref_slice %arg7[%dma_wait3A_1330, %dma_wait3A_1341, %dma_wait3A_1342] : memref<2x256x128xf32, #tpu.memory_space<vmem>> -> memref<1x256x128xf32, #tpu.memory_space<vmem>>
      %dma_wait3A_1344 = tpu.memref_squeeze %dma_wait3A_1343 : memref<1x256x128xf32, #tpu.memory_space<vmem>> -> memref<256x128xf32, #tpu.memory_space<vmem>>
      %dma_wait3A_1345 = arith.constant 128 : i32
      %dma_wait3A_1346 = arith.constant 0 : i32
      %dma_wait3A_1347 = tpu.memref_slice %dma_wait3A_1344[%dma_wait3A_1345, %dma_wait3A_1346] : memref<256x128xf32, #tpu.memory_space<vmem>> -> memref<128x128xf32, #tpu.memory_space<vmem>>
      %dma_wait3A_1348 = arith.constant 0 : i32
      %dma_wait3A_1349 = arith.constant 0 : i32
      %dma_wait3A_1350 = tpu.memref_slice %arg2[%dma_wait3A_1348, %dma_wait3A_1349] : memref<100000x128xf32, #tpu.memory_space<hbm>> -> memref<128x128xf32, #tpu.memory_space<hbm>>
      tpu.wait_dma2 semaphore(%arg13 : memref<!tpu.dma_semaphore, #tpu.memory_space<semaphore_mem>>) src(%dma_wait3A_1350 : memref<128x128xf32, #tpu.memory_space<hbm>>) dst(%dma_wait3A_1347 : memref<128x128xf32, #tpu.memory_space<vmem>>)
      %mul3A_1351 = arith.constant 256 : i32
      %mul3A_1352 = arith.muli %add3A_1308, %mul3A_1351 : i32
      %add3A_1353 = arith.addi %mul3A_2, %mul3A_1352 : i32
      %dma_start3A_1354 = arith.constant 1 : i32
      %dma_start3A_1355 = arith.constant 0 : i32
      %dma_start3A_1356 = arith.constant 0 : i32
      %dma_start3A_1357 = tpu.memref_slice %arg7[%dma_start3A_1354, %dma_start3A_1355, %dma_start3A_1356] : memref<2x256x128xf32, #tpu.memory_space<vmem>> -> memref<1x256x128xf32, #tpu.memory_space<vmem>>
      %dma_start3A_1358 = tpu.memref_squeeze %dma_start3A_1357 : memref<1x256x128xf32, #tpu.memory_space<vmem>> -> memref<256x128xf32, #tpu.memory_space<vmem>>
      %dma_start3A_1359 = arith.constant 0 : i32
      %dma_start3A_1360 = tpu.memref_slice %arg5[%add3A_1353, %dma_start3A_1359] : memref<180256x128xf32, #tpu.memory_space<hbm>> -> memref<256x128xf32, #tpu.memory_space<hbm>>
      %dma_start3A_1361 = arith.constant 0 : i32
      %dma_start3A_1362 = tpu.memref_slice %arg5[%add3A_1353, %dma_start3A_1361] : memref<180256x128xf32, #tpu.memory_space<hbm>> -> memref<256x128xf32, #tpu.memory_space<hbm>>
      %dma_start3A_1363 = arith.constant 0 : i32
      %dma_start3A_1364 = arith.constant 0 : i32
      %dma_start3A_1365 = tpu.memref_slice %arg7[%dma_start3A_1354, %dma_start3A_1363, %dma_start3A_1364] : memref<2x256x128xf32, #tpu.memory_space<vmem>> -> memref<1x256x128xf32, #tpu.memory_space<vmem>>
      %dma_start3A_1366 = tpu.memref_squeeze %dma_start3A_1365 : memref<1x256x128xf32, #tpu.memory_space<vmem>> -> memref<256x128xf32, #tpu.memory_space<vmem>>
      tpu.enqueue_dma source(%dma_start3A_1366 : memref<256x128xf32, #tpu.memory_space<vmem>>) target(%dma_start3A_1362 : memref<256x128xf32, #tpu.memory_space<hbm>>) target_semaphore(%arg15 : memref<!tpu.dma_semaphore, #tpu.memory_space<semaphore_mem>>)
      %dma_wait3A_1367 = arith.constant 0 : i32
      %dma_wait3A_1368 = arith.constant 0 : i32
      %dma_wait3A_1369 = arith.constant 0 : i32
      %dma_wait3A_1370 = tpu.memref_slice %arg7[%dma_wait3A_1367, %dma_wait3A_1368, %dma_wait3A_1369] : memref<2x256x128xf32, #tpu.memory_space<vmem>> -> memref<1x256x128xf32, #tpu.memory_space<vmem>>
      %dma_wait3A_1371 = tpu.memref_squeeze %dma_wait3A_1370 : memref<1x256x128xf32, #tpu.memory_space<vmem>> -> memref<256x128xf32, #tpu.memory_space<vmem>>
      %dma_wait3A_1372 = arith.constant 0 : i32
      %dma_wait3A_1373 = tpu.memref_slice %arg5[%mul3A_2, %dma_wait3A_1372] : memref<180256x128xf32, #tpu.memory_space<hbm>> -> memref<256x128xf32, #tpu.memory_space<hbm>>
      %dma_wait3A_1374 = arith.constant 0 : i32
      %dma_wait3A_1375 = tpu.memref_slice %arg5[%mul3A_2, %dma_wait3A_1374] : memref<180256x128xf32, #tpu.memory_space<hbm>> -> memref<256x128xf32, #tpu.memory_space<hbm>>
      %dma_wait3A_1376 = arith.constant 0 : i32
      %dma_wait3A_1377 = arith.constant 0 : i32
      %dma_wait3A_1378 = tpu.memref_slice %arg7[%dma_wait3A_1367, %dma_wait3A_1376, %dma_wait3A_1377] : memref<2x256x128xf32, #tpu.memory_space<vmem>> -> memref<1x256x128xf32, #tpu.memory_space<vmem>>
      %dma_wait3A_1379 = tpu.memref_squeeze %dma_wait3A_1378 : memref<1x256x128xf32, #tpu.memory_space<vmem>> -> memref<256x128xf32, #tpu.memory_space<vmem>>
      tpu.wait_dma2 semaphore(%arg14 : memref<!tpu.dma_semaphore, #tpu.memory_space<semaphore_mem>>) src(%dma_wait3A_1379 : memref<256x128xf32, #tpu.memory_space<vmem>>) dst(%dma_wait3A_1375 : memref<256x128xf32, #tpu.memory_space<hbm>>)
      %add3A_1380 = arith.constant 2 : i32
      %add3A_1381 = arith.addi %add3A_1308, %add3A_1380 : i32
      %sub3A_1382 = arith.constant 1 : i32
      %sub3A_1383 = arith.subi %add3A_1381, %sub3A_1382 : i32
      %mul3A_1384 = arith.constant 256 : i32
      %mul3A_1385 = arith.muli %sub3A_1383, %mul3A_1384 : i32
      %add3A_1386 = arith.constant 0 : i32
      %add3A_1387 = arith.addi %mul3A_1385, %add3A_1386 : i32
      %add3A_1388 = arith.constant 0 : i32
      %add3A_1389 = arith.addi %add3A_1387, %add3A_1388 : i32
      %get3A_1390 = arith.index_cast %add3A_1389 : i32 to index
      %get3A_1391 = tpu.vector_load %arg6[%get3A_1390] {strides = array<i32>} : memref<5632xi32, #tpu.memory_space<vmem>>, vector<16xi32>,
      %swap3A_1392 = arith.constant 0 : i32
      %swap3A_1393 = arith.constant 0 : i32
      %swap3A_1394 = arith.index_cast %swap3A_1392 : i32 to index
      %swap3A_1395 = arith.index_cast %swap3A_1393 : i32 to index
      %swap3A_1396 = arith.constant 0 : index
      %swap3A_1397 = tpu.vector_load %arg8[%swap3A_1394, %swap3A_1395, %swap3A_1396] {strides = array<i32>} : memref<2x2x128xi32, #tpu.memory_space<vmem>>, vector<16xi32>,
      tpu.vector_store %arg8[%swap3A_1394, %swap3A_1395, %swap3A_1396], %get3A_1391 {strides = array<i32>} : memref<2x2x128xi32, #tpu.memory_space<vmem>>, vector<16xi32>,
      %mul3A_1398 = arith.constant 256 : i32
      %mul3A_1399 = arith.muli %sub3A_1383, %mul3A_1398 : i32
      %add3A_1400 = arith.constant 0 : i32
      %add3A_1401 = arith.addi %mul3A_1399, %add3A_1400 : i32
      %add3A_1402 = arith.constant 16 : i32
      %add3A_1403 = arith.addi %add3A_1401, %add3A_1402 : i32
      %get3A_1404 = arith.index_cast %add3A_1403 : i32 to index
      %get3A_1405 = tpu.vector_load %arg6[%get3A_1404] {strides = array<i32>} : memref<5632xi32, #tpu.memory_space<vmem>>, vector<16xi32>,
      %swap3A_1406 = arith.constant 0 : i32
      %swap3A_1407 = arith.constant 0 : i32
      %swap3A_1408 = arith.index_cast %swap3A_1406 : i32 to index
      %swap3A_1409 = arith.index_cast %swap3A_1407 : i32 to index
      %swap3A_1410 = arith.constant 16 : index
      %swap3A_1411 = tpu.vector_load %arg8[%swap3A_1408, %swap3A_1409, %swap3A_1410] {strides = array<i32>} : memref<2x2x128xi32, #tpu.memory_space<vmem>>, vector<16xi32>,
      tpu.vector_store %arg8[%swap3A_1408, %swap3A_1409, %swap3A_1410], %get3A_1405 {strides = array<i32>} : memref<2x2x128xi32, #tpu.memory_space<vmem>>, vector<16xi32>,
      %mul3A_1412 = arith.constant 256 : i32
      %mul3A_1413 = arith.muli %sub3A_1383, %mul3A_1412 : i32
      %add3A_1414 = arith.constant 0 : i32
      %add3A_1415 = arith.addi %mul3A_1413, %add3A_1414 : i32
      %add3A_1416 = arith.constant 32 : i32
      %add3A_1417 = arith.addi %add3A_1415, %add3A_1416 : i32
      %get3A_1418 = arith.index_cast %add3A_1417 : i32 to index
      %get3A_1419 = tpu.vector_load %arg6[%get3A_1418] {strides = array<i32>} : memref<5632xi32, #tpu.memory_space<vmem>>, vector<16xi32>,
      %swap3A_1420 = arith.constant 0 : i32
      %swap3A_1421 = arith.constant 0 : i32
      %swap3A_1422 = arith.index_cast %swap3A_1420 : i32 to index
      %swap3A_1423 = arith.index_cast %swap3A_1421 : i32 to index
      %swap3A_1424 = arith.constant 32 : index
      %swap3A_1425 = tpu.vector_load %arg8[%swap3A_1422, %swap3A_1423, %swap3A_1424] {strides = array<i32>} : memref<2x2x128xi32, #tpu.memory_space<vmem>>, vector<16xi32>,
      tpu.vector_store %arg8[%swap3A_1422, %swap3A_1423, %swap3A_1424], %get3A_1419 {strides = array<i32>} : memref<2x2x128xi32, #tpu.memory_space<vmem>>, vector<16xi32>,
      %mul3A_1426 = arith.constant 256 : i32
      %mul3A_1427 = arith.muli %sub3A_1383, %mul3A_1426 : i32
      %add3A_1428 = arith.constant 0 : i32
      %add3A_1429 = arith.addi %mul3A_1427, %add3A_1428 : i32
      %add3A_1430 = arith.constant 48 : i32
      %add3A_1431 = arith.addi %add3A_1429, %add3A_1430 : i32
      %get3A_1432 = arith.index_cast %add3A_1431 : i32 to index
      %get3A_1433 = tpu.vector_load %arg6[%get3A_1432] {strides = array<i32>} : memref<5632xi32, #tpu.memory_space<vmem>>, vector<16xi32>,
      %swap3A_1434 = arith.constant 0 : i32
      %swap3A_1435 = arith.constant 0 : i32
      %swap3A_1436 = arith.index_cast %swap3A_1434 : i32 to index
      %swap3A_1437 = arith.index_cast %swap3A_1435 : i32 to index
      %swap3A_1438 = arith.constant 48 : index
      %swap3A_1439 = tpu.vector_load %arg8[%swap3A_1436, %swap3A_1437, %swap3A_1438] {strides = array<i32>} : memref<2x2x128xi32, #tpu.memory_space<vmem>>, vector<16xi32>,
      tpu.vector_store %arg8[%swap3A_1436, %swap3A_1437, %swap3A_1438], %get3A_1433 {strides = array<i32>} : memref<2x2x128xi32, #tpu.memory_space<vmem>>, vector<16xi32>,
      %mul3A_1440 = arith.constant 256 : i32
      %mul3A_1441 = arith.muli %sub3A_1383, %mul3A_1440 : i32
      %add3A_1442 = arith.constant 0 : i32
      %add3A_1443 = arith.addi %mul3A_1441, %add3A_1442 : i32
      %add3A_1444 = arith.constant 64 : i32
      %add3A_1445 = arith.addi %add3A_1443, %add3A_1444 : i32
      %get3A_1446 = arith.index_cast %add3A_1445 : i32 to index
      %get3A_1447 = tpu.vector_load %arg6[%get3A_1446] {strides = array<i32>} : memref<5632xi32, #tpu.memory_space<vmem>>, vector<16xi32>,
      %swap3A_1448 = arith.constant 0 : i32
      %swap3A_1449 = arith.constant 0 : i32
      %swap3A_1450 = arith.index_cast %swap3A_1448 : i32 to index
      %swap3A_1451 = arith.index_cast %swap3A_1449 : i32 to index
      %swap3A_1452 = arith.constant 64 : index
      %swap3A_1453 = tpu.vector_load %arg8[%swap3A_1450, %swap3A_1451, %swap3A_1452] {strides = array<i32>} : memref<2x2x128xi32, #tpu.memory_space<vmem>>, vector<16xi32>,
      tpu.vector_store %arg8[%swap3A_1450, %swap3A_1451, %swap3A_1452], %get3A_1447 {strides = array<i32>} : memref<2x2x128xi32, #tpu.memory_space<vmem>>, vector<16xi32>,
      %mul3A_1454 = arith.constant 256 : i32
      %mul3A_1455 = arith.muli %sub3A_1383, %mul3A_1454 : i32
      %add3A_1456 = arith.constant 0 : i32
      %add3A_1457 = arith.addi %mul3A_1455, %add3A_1456 : i32
      %add3A_1458 = arith.constant 80 : i32
      %add3A_1459 = arith.addi %add3A_1457, %add3A_1458 : i32
      %get3A_1460 = arith.index_cast %add3A_1459 : i32 to index
      %get3A_1461 = tpu.vector_load %arg6[%get3A_1460] {strides = array<i32>} : memref<5632xi32, #tpu.memory_space<vmem>>, vector<16xi32>,
      %swap3A_1462 = arith.constant 0 : i32
      %swap3A_1463 = arith.constant 0 : i32
      %swap3A_1464 = arith.index_cast %swap3A_1462 : i32 to index
      %swap3A_1465 = arith.index_cast %swap3A_1463 : i32 to index
      %swap3A_1466 = arith.constant 80 : index
      %swap3A_1467 = tpu.vector_load %arg8[%swap3A_1464, %swap3A_1465, %swap3A_1466] {strides = array<i32>} : memref<2x2x128xi32, #tpu.memory_space<vmem>>, vector<16xi32>,
      tpu.vector_store %arg8[%swap3A_1464, %swap3A_1465, %swap3A_1466], %get3A_1461 {strides = array<i32>} : memref<2x2x128xi32, #tpu.memory_space<vmem>>, vector<16xi32>,
      %mul3A_1468 = arith.constant 256 : i32
      %mul3A_1469 = arith.muli %sub3A_1383, %mul3A_1468 : i32
      %add3A_1470 = arith.constant 0 : i32
      %add3A_1471 = arith.addi %mul3A_1469, %add3A_1470 : i32
      %add3A_1472 = arith.constant 96 : i32
      %add3A_1473 = arith.addi %add3A_1471, %add3A_1472 : i32
      %get3A_1474 = arith.index_cast %add3A_1473 : i32 to index
      %get3A_1475 = tpu.vector_load %arg6[%get3A_1474] {strides = array<i32>} : memref<5632xi32, #tpu.memory_space<vmem>>, vector<16xi32>,
      %swap3A_1476 = arith.constant 0 : i32
      %swap3A_1477 = arith.constant 0 : i32
      %swap3A_1478 = arith.index_cast %swap3A_1476 : i32 to index
      %swap3A_1479 = arith.index_cast %swap3A_1477 : i32 to index
      %swap3A_1480 = arith.constant 96 : index
      %swap3A_1481 = tpu.vector_load %arg8[%swap3A_1478, %swap3A_1479, %swap3A_1480] {strides = array<i32>} : memref<2x2x128xi32, #tpu.memory_space<vmem>>, vector<16xi32>,
      tpu.vector_store %arg8[%swap3A_1478, %swap3A_1479, %swap3A_1480], %get3A_1475 {strides = array<i32>} : memref<2x2x128xi32, #tpu.memory_space<vmem>>, vector<16xi32>,
      %mul3A_1482 = arith.constant 256 : i32
      %mul3A_1483 = arith.muli %sub3A_1383, %mul3A_1482 : i32
      %add3A_1484 = arith.constant 0 : i32
      %add3A_1485 = arith.addi %mul3A_1483, %add3A_1484 : i32
      %add3A_1486 = arith.constant 112 : i32
      %add3A_1487 = arith.addi %add3A_1485, %add3A_1486 : i32
      %get3A_1488 = arith.index_cast %add3A_1487 : i32 to index
      %get3A_1489 = tpu.vector_load %arg6[%get3A_1488] {strides = array<i32>} : memref<5632xi32, #tpu.memory_space<vmem>>, vector<16xi32>,
      %swap3A_1490 = arith.constant 0 : i32
      %swap3A_1491 = arith.constant 0 : i32
      %swap3A_1492 = arith.index_cast %swap3A_1490 : i32 to index
      %swap3A_1493 = arith.index_cast %swap3A_1491 : i32 to index
      %swap3A_1494 = arith.constant 112 : index
      %swap3A_1495 = tpu.vector_load %arg8[%swap3A_1492, %swap3A_1493, %swap3A_1494] {strides = array<i32>} : memref<2x2x128xi32, #tpu.memory_space<vmem>>, vector<16xi32>,
      tpu.vector_store %arg8[%swap3A_1492, %swap3A_1493, %swap3A_1494], %get3A_1489 {strides = array<i32>} : memref<2x2x128xi32, #tpu.memory_space<vmem>>, vector<16xi32>,
      %mul3A_1496 = arith.constant 256 : i32
      %mul3A_1497 = arith.muli %sub3A_1383, %mul3A_1496 : i32
      %add3A_1498 = arith.constant 128 : i32
      %add3A_1499 = arith.addi %mul3A_1497, %add3A_1498 : i32
      %add3A_1500 = arith.constant 0 : i32
      %add3A_1501 = arith.addi %add3A_1499, %add3A_1500 : i32
      %get3A_1502 = arith.index_cast %add3A_1501 : i32 to index
      %get3A_1503 = tpu.vector_load %arg6[%get3A_1502] {strides = array<i32>} : memref<5632xi32, #tpu.memory_space<vmem>>, vector<16xi32>,
      %swap3A_1504 = arith.constant 0 : i32
      %swap3A_1505 = arith.constant 1 : i32
      %swap3A_1506 = arith.index_cast %swap3A_1504 : i32 to index
      %swap3A_1507 = arith.index_cast %swap3A_1505 : i32 to index
      %swap3A_1508 = arith.constant 0 : index
      %swap3A_1509 = tpu.vector_load %arg8[%swap3A_1506, %swap3A_1507, %swap3A_1508] {strides = array<i32>} : memref<2x2x128xi32, #tpu.memory_space<vmem>>, vector<16xi32>,
      tpu.vector_store %arg8[%swap3A_1506, %swap3A_1507, %swap3A_1508], %get3A_1503 {strides = array<i32>} : memref<2x2x128xi32, #tpu.memory_space<vmem>>, vector<16xi32>,
      %mul3A_1510 = arith.constant 256 : i32
      %mul3A_1511 = arith.muli %sub3A_1383, %mul3A_1510 : i32
      %add3A_1512 = arith.constant 128 : i32
      %add3A_1513 = arith.addi %mul3A_1511, %add3A_1512 : i32
      %add3A_1514 = arith.constant 16 : i32
      %add3A_1515 = arith.addi %add3A_1513, %add3A_1514 : i32
      %get3A_1516 = arith.index_cast %add3A_1515 : i32 to index
      %get3A_1517 = tpu.vector_load %arg6[%get3A_1516] {strides = array<i32>} : memref<5632xi32, #tpu.memory_space<vmem>>, vector<16xi32>,
      %swap3A_1518 = arith.constant 0 : i32
      %swap3A_1519 = arith.constant 1 : i32
      %swap3A_1520 = arith.index_cast %swap3A_1518 : i32 to index
      %swap3A_1521 = arith.index_cast %swap3A_1519 : i32 to index
      %swap3A_1522 = arith.constant 16 : index
      %swap3A_1523 = tpu.vector_load %arg8[%swap3A_1520, %swap3A_1521, %swap3A_1522] {strides = array<i32>} : memref<2x2x128xi32, #tpu.memory_space<vmem>>, vector<16xi32>,
      tpu.vector_store %arg8[%swap3A_1520, %swap3A_1521, %swap3A_1522], %get3A_1517 {strides = array<i32>} : memref<2x2x128xi32, #tpu.memory_space<vmem>>, vector<16xi32>,
      %mul3A_1524 = arith.constant 256 : i32
      %mul3A_1525 = arith.muli %sub3A_1383, %mul3A_1524 : i32
      %add3A_1526 = arith.constant 128 : i32
      %add3A_1527 = arith.addi %mul3A_1525, %add3A_1526 : i32
      %add3A_1528 = arith.constant 32 : i32
      %add3A_1529 = arith.addi %add3A_1527, %add3A_1528 : i32
      %get3A_1530 = arith.index_cast %add3A_1529 : i32 to index
      %get3A_1531 = tpu.vector_load %arg6[%get3A_1530] {strides = array<i32>} : memref<5632xi32, #tpu.memory_space<vmem>>, vector<16xi32>,
      %swap3A_1532 = arith.constant 0 : i32
      %swap3A_1533 = arith.constant 1 : i32
      %swap3A_1534 = arith.index_cast %swap3A_1532 : i32 to index
      %swap3A_1535 = arith.index_cast %swap3A_1533 : i32 to index
      %swap3A_1536 = arith.constant 32 : index
      %swap3A_1537 = tpu.vector_load %arg8[%swap3A_1534, %swap3A_1535, %swap3A_1536] {strides = array<i32>} : memref<2x2x128xi32, #tpu.memory_space<vmem>>, vector<16xi32>,
      tpu.vector_store %arg8[%swap3A_1534, %swap3A_1535, %swap3A_1536], %get3A_1531 {strides = array<i32>} : memref<2x2x128xi32, #tpu.memory_space<vmem>>, vector<16xi32>,
      %mul3A_1538 = arith.constant 256 : i32
      %mul3A_1539 = arith.muli %sub3A_1383, %mul3A_1538 : i32
      %add3A_1540 = arith.constant 128 : i32
      %add3A_1541 = arith.addi %mul3A_1539, %add3A_1540 : i32
      %add3A_1542 = arith.constant 48 : i32
      %add3A_1543 = arith.addi %add3A_1541, %add3A_1542 : i32
      %get3A_1544 = arith.index_cast %add3A_1543 : i32 to index
      %get3A_1545 = tpu.vector_load %arg6[%get3A_1544] {strides = array<i32>} : memref<5632xi32, #tpu.memory_space<vmem>>, vector<16xi32>,
      %swap3A_1546 = arith.constant 0 : i32
      %swap3A_1547 = arith.constant 1 : i32
      %swap3A_1548 = arith.index_cast %swap3A_1546 : i32 to index
      %swap3A_1549 = arith.index_cast %swap3A_1547 : i32 to index
      %swap3A_1550 = arith.constant 48 : index
      %swap3A_1551 = tpu.vector_load %arg8[%swap3A_1548, %swap3A_1549, %swap3A_1550] {strides = array<i32>} : memref<2x2x128xi32, #tpu.memory_space<vmem>>, vector<16xi32>,
      tpu.vector_store %arg8[%swap3A_1548, %swap3A_1549, %swap3A_1550], %get3A_1545 {strides = array<i32>} : memref<2x2x128xi32, #tpu.memory_space<vmem>>, vector<16xi32>,
      %mul3A_1552 = arith.constant 256 : i32
      %mul3A_1553 = arith.muli %sub3A_1383, %mul3A_1552 : i32
      %add3A_1554 = arith.constant 128 : i32
      %add3A_1555 = arith.addi %mul3A_1553, %add3A_1554 : i32
      %add3A_1556 = arith.constant 64 : i32
      %add3A_1557 = arith.addi %add3A_1555, %add3A_1556 : i32
      %get3A_1558 = arith.index_cast %add3A_1557 : i32 to index
      %get3A_1559 = tpu.vector_load %arg6[%get3A_1558] {strides = array<i32>} : memref<5632xi32, #tpu.memory_space<vmem>>, vector<16xi32>,
      %swap3A_1560 = arith.constant 0 : i32
      %swap3A_1561 = arith.constant 1 : i32
      %swap3A_1562 = arith.index_cast %swap3A_1560 : i32 to index
      %swap3A_1563 = arith.index_cast %swap3A_1561 : i32 to index
      %swap3A_1564 = arith.constant 64 : index
      %swap3A_1565 = tpu.vector_load %arg8[%swap3A_1562, %swap3A_1563, %swap3A_1564] {strides = array<i32>} : memref<2x2x128xi32, #tpu.memory_space<vmem>>, vector<16xi32>,
      tpu.vector_store %arg8[%swap3A_1562, %swap3A_1563, %swap3A_1564], %get3A_1559 {strides = array<i32>} : memref<2x2x128xi32, #tpu.memory_space<vmem>>, vector<16xi32>,
      %mul3A_1566 = arith.constant 256 : i32
      %mul3A_1567 = arith.muli %sub3A_1383, %mul3A_1566 : i32
      %add3A_1568 = arith.constant 128 : i32
      %add3A_1569 = arith.addi %mul3A_1567, %add3A_1568 : i32
      %add3A_1570 = arith.constant 80 : i32
      %add3A_1571 = arith.addi %add3A_1569, %add3A_1570 : i32
      %get3A_1572 = arith.index_cast %add3A_1571 : i32 to index
      %get3A_1573 = tpu.vector_load %arg6[%get3A_1572] {strides = array<i32>} : memref<5632xi32, #tpu.memory_space<vmem>>, vector<16xi32>,
      %swap3A_1574 = arith.constant 0 : i32
      %swap3A_1575 = arith.constant 1 : i32
      %swap3A_1576 = arith.index_cast %swap3A_1574 : i32 to index
      %swap3A_1577 = arith.index_cast %swap3A_1575 : i32 to index
      %swap3A_1578 = arith.constant 80 : index
      %swap3A_1579 = tpu.vector_load %arg8[%swap3A_1576, %swap3A_1577, %swap3A_1578] {strides = array<i32>} : memref<2x2x128xi32, #tpu.memory_space<vmem>>, vector<16xi32>,
      tpu.vector_store %arg8[%swap3A_1576, %swap3A_1577, %swap3A_1578], %get3A_1573 {strides = array<i32>} : memref<2x2x128xi32, #tpu.memory_space<vmem>>, vector<16xi32>,
      %mul3A_1580 = arith.constant 256 : i32
      %mul3A_1581 = arith.muli %sub3A_1383, %mul3A_1580 : i32
      %add3A_1582 = arith.constant 128 : i32
      %add3A_1583 = arith.addi %mul3A_1581, %add3A_1582 : i32
      %add3A_1584 = arith.constant 96 : i32
      %add3A_1585 = arith.addi %add3A_1583, %add3A_1584 : i32
      %get3A_1586 = arith.index_cast %add3A_1585 : i32 to index
      %get3A_1587 = tpu.vector_load %arg6[%get3A_1586] {strides = array<i32>} : memref<5632xi32, #tpu.memory_space<vmem>>, vector<16xi32>,
      %swap3A_1588 = arith.constant 0 : i32
      %swap3A_1589 = arith.constant 1 : i32
      %swap3A_1590 = arith.index_cast %swap3A_1588 : i32 to index
      %swap3A_1591 = arith.index_cast %swap3A_1589 : i32 to index
      %swap3A_1592 = arith.constant 96 : index
      %swap3A_1593 = tpu.vector_load %arg8[%swap3A_1590, %swap3A_1591, %swap3A_1592] {strides = array<i32>} : memref<2x2x128xi32, #tpu.memory_space<vmem>>, vector<16xi32>,
      tpu.vector_store %arg8[%swap3A_1590, %swap3A_1591, %swap3A_1592], %get3A_1587 {strides = array<i32>} : memref<2x2x128xi32, #tpu.memory_space<vmem>>, vector<16xi32>,
      %mul3A_1594 = arith.constant 256 : i32
      %mul3A_1595 = arith.muli %sub3A_1383, %mul3A_1594 : i32
      %add3A_1596 = arith.constant 128 : i32
      %add3A_1597 = arith.addi %mul3A_1595, %add3A_1596 : i32
      %add3A_1598 = arith.constant 112 : i32
      %add3A_1599 = arith.addi %add3A_1597, %add3A_1598 : i32
      %get3A_1600 = arith.index_cast %add3A_1599 : i32 to index
      %get3A_1601 = tpu.vector_load %arg6[%get3A_1600] {strides = array<i32>} : memref<5632xi32, #tpu.memory_space<vmem>>, vector<16xi32>,
      %swap3A_1602 = arith.constant 0 : i32
      %swap3A_1603 = arith.constant 1 : i32
      %swap3A_1604 = arith.index_cast %swap3A_1602 : i32 to index
      %swap3A_1605 = arith.index_cast %swap3A_1603 : i32 to index
      %swap3A_1606 = arith.constant 112 : index
      %swap3A_1607 = tpu.vector_load %arg8[%swap3A_1604, %swap3A_1605, %swap3A_1606] {strides = array<i32>} : memref<2x2x128xi32, #tpu.memory_space<vmem>>, vector<16xi32>,
      tpu.vector_store %arg8[%swap3A_1604, %swap3A_1605, %swap3A_1606], %get3A_1601 {strides = array<i32>} : memref<2x2x128xi32, #tpu.memory_space<vmem>>, vector<16xi32>,
      %dma_start3A_1608 = arith.constant 0 : i32
      %dma_start3A_1609 = arith.constant 0 : i32
      %dma_start3A_1610 = arith.constant 0 : i32
      %dma_start3A_1611 = arith.constant 0 : i32
      %dma_start3A_1612 = arith.constant 0 : i32
      %dma_start3A_1613 = tpu.memref_slice %arg7[%dma_start3A_1610, %dma_start3A_1611, %dma_start3A_1612] : memref<2x256x128xf32, #tpu.memory_space<vmem>> -> memref<1x256x128xf32, #tpu.memory_space<vmem>>
      %dma_start3A_1614 = tpu.memref_squeeze %dma_start3A_1613 : memref<1x256x128xf32, #tpu.memory_space<vmem>> -> memref<256x128xf32, #tpu.memory_space<vmem>>
      %dma_start3A_1615 = arith.constant 0 : i32
      %dma_start3A_1616 = arith.constant 0 : i32
      %dma_start3A_1617 = tpu.memref_slice %dma_start3A_1614[%dma_start3A_1615, %dma_start3A_1616] : memref<256x128xf32, #tpu.memory_space<vmem>> -> memref<128x128xf32, #tpu.memory_space<vmem>>
      %dma_start3A_1618 = arith.constant 0 : i32
      %dma_start3A_1619 = arith.constant 0 : i32
      %dma_start3A_1620 = tpu.memref_slice %arg8[%dma_start3A_1608, %dma_start3A_1618, %dma_start3A_1619] : memref<2x2x128xi32, #tpu.memory_space<vmem>> -> memref<1x2x128xi32, #tpu.memory_space<vmem>>
      %dma_start3A_1621 = tpu.memref_squeeze %dma_start3A_1620 : memref<1x2x128xi32, #tpu.memory_space<vmem>> -> memref<2x128xi32, #tpu.memory_space<vmem>>
      %dma_start3A_1622 = arith.constant 0 : i32
      %dma_start3A_1623 = tpu.memref_slice %dma_start3A_1621[%dma_start3A_1609, %dma_start3A_1622] : memref<2x128xi32, #tpu.memory_space<vmem>> -> memref<1x128xi32, #tpu.memory_space<vmem>>
      %dma_start3A_1624 = tpu.memref_squeeze %dma_start3A_1623 : memref<1x128xi32, #tpu.memory_space<vmem>> -> memref<128xi32, #tpu.memory_space<vmem>>
      %dma_start3A_1625 = arith.constant 0 : i32
      %dma_start3A_1626 = arith.constant 0 : i32
      %dma_start3A_1627 = tpu.memref_slice %arg2[%dma_start3A_1625, %dma_start3A_1626] : memref<100000x128xf32, #tpu.memory_space<hbm>> -> memref<100000x128xf32, #tpu.memory_space<hbm>>
      tpu.enqueue_indirect_dma source(%dma_start3A_1627 : memref<100000x128xf32, #tpu.memory_space<hbm>>) target(%dma_start3A_1617 : memref<128x128xf32, #tpu.memory_space<vmem>>) offsets(%dma_start3A_1624 : memref<128xi32, #tpu.memory_space<vmem>>) semaphore(%arg12 : memref<!tpu.dma_semaphore, #tpu.memory_space<semaphore_mem>>)
      %dma_start3A_1628 = arith.constant 0 : i32
      %dma_start3A_1629 = arith.constant 1 : i32
      %dma_start3A_1630 = arith.constant 0 : i32
      %dma_start3A_1631 = arith.constant 0 : i32
      %dma_start3A_1632 = arith.constant 0 : i32
      %dma_start3A_1633 = tpu.memref_slice %arg7[%dma_start3A_1630, %dma_start3A_1631, %dma_start3A_1632] : memref<2x256x128xf32, #tpu.memory_space<vmem>> -> memref<1x256x128xf32, #tpu.memory_space<vmem>>
      %dma_start3A_1634 = tpu.memref_squeeze %dma_start3A_1633 : memref<1x256x128xf32, #tpu.memory_space<vmem>> -> memref<256x128xf32, #tpu.memory_space<vmem>>
      %dma_start3A_1635 = arith.constant 128 : i32
      %dma_start3A_1636 = arith.constant 0 : i32
      %dma_start3A_1637 = tpu.memref_slice %dma_start3A_1634[%dma_start3A_1635, %dma_start3A_1636] : memref<256x128xf32, #tpu.memory_space<vmem>> -> memref<128x128xf32, #tpu.memory_space<vmem>>
      %dma_start3A_1638 = arith.constant 0 : i32
      %dma_start3A_1639 = arith.constant 0 : i32
      %dma_start3A_1640 = tpu.memref_slice %arg8[%dma_start3A_1628, %dma_start3A_1638, %dma_start3A_1639] : memref<2x2x128xi32, #tpu.memory_space<vmem>> -> memref<1x2x128xi32, #tpu.memory_space<vmem>>
      %dma_start3A_1641 = tpu.memref_squeeze %dma_start3A_1640 : memref<1x2x128xi32, #tpu.memory_space<vmem>> -> memref<2x128xi32, #tpu.memory_space<vmem>>
      %dma_start3A_1642 = arith.constant 0 : i32
      %dma_start3A_1643 = tpu.memref_slice %dma_start3A_1641[%dma_start3A_1629, %dma_start3A_1642] : memref<2x128xi32, #tpu.memory_space<vmem>> -> memref<1x128xi32, #tpu.memory_space<vmem>>
      %dma_start3A_1644 = tpu.memref_squeeze %dma_start3A_1643 : memref<1x128xi32, #tpu.memory_space<vmem>> -> memref<128xi32, #tpu.memory_space<vmem>>
      %dma_start3A_1645 = arith.constant 0 : i32
      %dma_start3A_1646 = arith.constant 0 : i32
      %dma_start3A_1647 = tpu.memref_slice %arg2[%dma_start3A_1645, %dma_start3A_1646] : memref<100000x128xf32, #tpu.memory_space<hbm>> -> memref<100000x128xf32, #tpu.memory_space<hbm>>
      tpu.enqueue_indirect_dma source(%dma_start3A_1647 : memref<100000x128xf32, #tpu.memory_space<hbm>>) target(%dma_start3A_1637 : memref<128x128xf32, #tpu.memory_space<vmem>>) offsets(%dma_start3A_1644 : memref<128xi32, #tpu.memory_space<vmem>>) semaphore(%arg12 : memref<!tpu.dma_semaphore, #tpu.memory_space<semaphore_mem>>)
    }
    %scan3A_635 = arith.constant 9 : i32
    %dma_wait3A_636 = arith.constant 0 : i32
    %dma_wait3A_637 = arith.constant 0 : i32
    %dma_wait3A_638 = arith.constant 0 : i32
    %dma_wait3A_639 = tpu.memref_slice %arg7[%dma_wait3A_636, %dma_wait3A_637, %dma_wait3A_638] : memref<2x256x128xf32, #tpu.memory_space<vmem>> -> memref<1x256x128xf32, #tpu.memory_space<vmem>>
    %dma_wait3A_640 = tpu.memref_squeeze %dma_wait3A_639 : memref<1x256x128xf32, #tpu.memory_space<vmem>> -> memref<256x128xf32, #tpu.memory_space<vmem>>
    %dma_wait3A_641 = arith.constant 0 : i32
    %dma_wait3A_642 = arith.constant 0 : i32
    %dma_wait3A_643 = tpu.memref_slice %dma_wait3A_640[%dma_wait3A_641, %dma_wait3A_642] : memref<256x128xf32, #tpu.memory_space<vmem>> -> memref<128x128xf32, #tpu.memory_space<vmem>>
    %dma_wait3A_644 = arith.constant 0 : i32
    %dma_wait3A_645 = arith.constant 0 : i32
    %dma_wait3A_646 = tpu.memref_slice %arg2[%dma_wait3A_644, %dma_wait3A_645] : memref<100000x128xf32, #tpu.memory_space<hbm>> -> memref<128x128xf32, #tpu.memory_space<hbm>>
    %dma_wait3A_647 = arith.constant 0 : i32
    %dma_wait3A_648 = arith.constant 0 : i32
    %dma_wait3A_649 = tpu.memref_slice %arg7[%dma_wait3A_636, %dma_wait3A_647, %dma_wait3A_648] : memref<2x256x128xf32, #tpu.memory_space<vmem>> -> memref<1x256x128xf32, #tpu.memory_space<vmem>>
    %dma_wait3A_650 = tpu.memref_squeeze %dma_wait3A_649 : memref<1x256x128xf32, #tpu.memory_space<vmem>> -> memref<256x128xf32, #tpu.memory_space<vmem>>
    %dma_wait3A_651 = arith.constant 0 : i32
    %dma_wait3A_652 = arith.constant 0 : i32
    %dma_wait3A_653 = tpu.memref_slice %dma_wait3A_650[%dma_wait3A_651, %dma_wait3A_652] : memref<256x128xf32, #tpu.memory_space<vmem>> -> memref<128x128xf32, #tpu.memory_space<vmem>>
    %dma_wait3A_654 = arith.constant 0 : i32
    %dma_wait3A_655 = arith.constant 0 : i32
    %dma_wait3A_656 = tpu.memref_slice %arg2[%dma_wait3A_654, %dma_wait3A_655] : memref<100000x128xf32, #tpu.memory_space<hbm>> -> memref<128x128xf32, #tpu.memory_space<hbm>>
    tpu.wait_dma2 semaphore(%arg12 : memref<!tpu.dma_semaphore, #tpu.memory_space<semaphore_mem>>) src(%dma_wait3A_656 : memref<128x128xf32, #tpu.memory_space<hbm>>) dst(%dma_wait3A_653 : memref<128x128xf32, #tpu.memory_space<vmem>>)
    %dma_wait3A_657 = arith.constant 0 : i32
    %dma_wait3A_658 = arith.constant 0 : i32
    %dma_wait3A_659 = arith.constant 0 : i32
    %dma_wait3A_660 = tpu.memref_slice %arg7[%dma_wait3A_657, %dma_wait3A_658, %dma_wait3A_659] : memref<2x256x128xf32, #tpu.memory_space<vmem>> -> memref<1x256x128xf32, #tpu.memory_space<vmem>>
    %dma_wait3A_661 = tpu.memref_squeeze %dma_wait3A_660 : memref<1x256x128xf32, #tpu.memory_space<vmem>> -> memref<256x128xf32, #tpu.memory_space<vmem>>
    %dma_wait3A_662 = arith.constant 128 : i32
    %dma_wait3A_663 = arith.constant 0 : i32
    %dma_wait3A_664 = tpu.memref_slice %dma_wait3A_661[%dma_wait3A_662, %dma_wait3A_663] : memref<256x128xf32, #tpu.memory_space<vmem>> -> memref<128x128xf32, #tpu.memory_space<vmem>>
    %dma_wait3A_665 = arith.constant 0 : i32
    %dma_wait3A_666 = arith.constant 0 : i32
    %dma_wait3A_667 = tpu.memref_slice %arg2[%dma_wait3A_665, %dma_wait3A_666] : memref<100000x128xf32, #tpu.memory_space<hbm>> -> memref<128x128xf32, #tpu.memory_space<hbm>>
    %dma_wait3A_668 = arith.constant 0 : i32
    %dma_wait3A_669 = arith.constant 0 : i32
    %dma_wait3A_670 = tpu.memref_slice %arg7[%dma_wait3A_657, %dma_wait3A_668, %dma_wait3A_669] : memref<2x256x128xf32, #tpu.memory_space<vmem>> -> memref<1x256x128xf32, #tpu.memory_space<vmem>>
    %dma_wait3A_671 = tpu.memref_squeeze %dma_wait3A_670 : memref<1x256x128xf32, #tpu.memory_space<vmem>> -> memref<256x128xf32, #tpu.memory_space<vmem>>
    %dma_wait3A_672 = arith.constant 128 : i32
    %dma_wait3A_673 = arith.constant 0 : i32
    %dma_wait3A_674 = tpu.memref_slice %dma_wait3A_671[%dma_wait3A_672, %dma_wait3A_673] : memref<256x128xf32, #tpu.memory_space<vmem>> -> memref<128x128xf32, #tpu.memory_space<vmem>>
    %dma_wait3A_675 = arith.constant 0 : i32
    %dma_wait3A_676 = arith.constant 0 : i32
    %dma_wait3A_677 = tpu.memref_slice %arg2[%dma_wait3A_675, %dma_wait3A_676] : memref<100000x128xf32, #tpu.memory_space<hbm>> -> memref<128x128xf32, #tpu.memory_space<hbm>>
    tpu.wait_dma2 semaphore(%arg12 : memref<!tpu.dma_semaphore, #tpu.memory_space<semaphore_mem>>) src(%dma_wait3A_677 : memref<128x128xf32, #tpu.memory_space<hbm>>) dst(%dma_wait3A_674 : memref<128x128xf32, #tpu.memory_space<vmem>>)
    %add3A_678 = arith.constant 5120 : i32
    %add3A_679 = arith.addi %mul3A_2, %add3A_678 : i32
    %dma_start3A_680 = arith.constant 0 : i32
    %dma_start3A_681 = arith.constant 0 : i32
    %dma_start3A_682 = arith.constant 0 : i32
    %dma_start3A_683 = tpu.memref_slice %arg7[%dma_start3A_680, %dma_start3A_681, %dma_start3A_682] : memref<2x256x128xf32, #tpu.memory_space<vmem>> -> memref<1x256x128xf32, #tpu.memory_space<vmem>>
    %dma_start3A_684 = tpu.memref_squeeze %dma_start3A_683 : memref<1x256x128xf32, #tpu.memory_space<vmem>> -> memref<256x128xf32, #tpu.memory_space<vmem>>
    %dma_start3A_685 = arith.constant 0 : i32
    %dma_start3A_686 = tpu.memref_slice %arg5[%add3A_679, %dma_start3A_685] : memref<180256x128xf32, #tpu.memory_space<hbm>> -> memref<256x128xf32, #tpu.memory_space<hbm>>
    %dma_start3A_687 = arith.constant 0 : i32
    %dma_start3A_688 = tpu.memref_slice %arg5[%add3A_679, %dma_start3A_687] : memref<180256x128xf32, #tpu.memory_space<hbm>> -> memref<256x128xf32, #tpu.memory_space<hbm>>
    %dma_start3A_689 = arith.constant 0 : i32
    %dma_start3A_690 = arith.constant 0 : i32
    %dma_start3A_691 = tpu.memref_slice %arg7[%dma_start3A_680, %dma_start3A_689, %dma_start3A_690] : memref<2x256x128xf32, #tpu.memory_space<vmem>> -> memref<1x256x128xf32, #tpu.memory_space<vmem>>
    %dma_start3A_692 = tpu.memref_squeeze %dma_start3A_691 : memref<1x256x128xf32, #tpu.memory_space<vmem>> -> memref<256x128xf32, #tpu.memory_space<vmem>>
    tpu.enqueue_dma source(%dma_start3A_692 : memref<256x128xf32, #tpu.memory_space<vmem>>) target(%dma_start3A_688 : memref<256x128xf32, #tpu.memory_space<hbm>>) target_semaphore(%arg14 : memref<!tpu.dma_semaphore, #tpu.memory_space<semaphore_mem>>)
    %dma_wait3A_693 = arith.constant 1 : i32
    %dma_wait3A_694 = arith.constant 0 : i32
    %dma_wait3A_695 = arith.constant 0 : i32
    %dma_wait3A_696 = tpu.memref_slice %arg7[%dma_wait3A_693, %dma_wait3A_694, %dma_wait3A_695] : memref<2x256x128xf32, #tpu.memory_space<vmem>> -> memref<1x256x128xf32, #tpu.memory_space<vmem>>
    %dma_wait3A_697 = tpu.memref_squeeze %dma_wait3A_696 : memref<1x256x128xf32, #tpu.memory_space<vmem>> -> memref<256x128xf32, #tpu.memory_space<vmem>>
    %dma_wait3A_698 = arith.constant 0 : i32
    %dma_wait3A_699 = tpu.memref_slice %arg5[%mul3A_2, %dma_wait3A_698] : memref<180256x128xf32, #tpu.memory_space<hbm>> -> memref<256x128xf32, #tpu.memory_space<hbm>>
    %dma_wait3A_700 = arith.constant 0 : i32
    %dma_wait3A_701 = tpu.memref_slice %arg5[%mul3A_2, %dma_wait3A_700] : memref<180256x128xf32, #tpu.memory_space<hbm>> -> memref<256x128xf32, #tpu.memory_space<hbm>>
    %dma_wait3A_702 = arith.constant 0 : i32
    %dma_wait3A_703 = arith.constant 0 : i32
    %dma_wait3A_704 = tpu.memref_slice %arg7[%dma_wait3A_693, %dma_wait3A_702, %dma_wait3A_703] : memref<2x256x128xf32, #tpu.memory_space<vmem>> -> memref<1x256x128xf32, #tpu.memory_space<vmem>>
    %dma_wait3A_705 = tpu.memref_squeeze %dma_wait3A_704 : memref<1x256x128xf32, #tpu.memory_space<vmem>> -> memref<256x128xf32, #tpu.memory_space<vmem>>
    tpu.wait_dma2 semaphore(%arg15 : memref<!tpu.dma_semaphore, #tpu.memory_space<semaphore_mem>>) src(%dma_wait3A_705 : memref<256x128xf32, #tpu.memory_space<vmem>>) dst(%dma_wait3A_701 : memref<256x128xf32, #tpu.memory_space<hbm>>)
    %get3A_706 = arith.constant 5376 : index
    %get3A_707 = tpu.vector_load %arg6[%get3A_706] {strides = array<i32>} : memref<5632xi32, #tpu.memory_space<vmem>>, vector<16xi32>,
    %swap3A_708 = arith.constant 1 : i32
    %swap3A_709 = arith.constant 0 : i32
    %swap3A_710 = arith.index_cast %swap3A_708 : i32 to index
    %swap3A_711 = arith.index_cast %swap3A_709 : i32 to index
    %swap3A_712 = arith.constant 0 : index
    %swap3A_713 = tpu.vector_load %arg8[%swap3A_710, %swap3A_711, %swap3A_712] {strides = array<i32>} : memref<2x2x128xi32, #tpu.memory_space<vmem>>, vector<16xi32>,
    tpu.vector_store %arg8[%swap3A_710, %swap3A_711, %swap3A_712], %get3A_707 {strides = array<i32>} : memref<2x2x128xi32, #tpu.memory_space<vmem>>, vector<16xi32>,
    %get3A_714 = arith.constant 5392 : index
    %get3A_715 = tpu.vector_load %arg6[%get3A_714] {strides = array<i32>} : memref<5632xi32, #tpu.memory_space<vmem>>, vector<16xi32>,
    %swap3A_716 = arith.constant 1 : i32
    %swap3A_717 = arith.constant 0 : i32
    %swap3A_718 = arith.index_cast %swap3A_716 : i32 to index
    %swap3A_719 = arith.index_cast %swap3A_717 : i32 to index
    %swap3A_720 = arith.constant 16 : index
    %swap3A_721 = tpu.vector_load %arg8[%swap3A_718, %swap3A_719, %swap3A_720] {strides = array<i32>} : memref<2x2x128xi32, #tpu.memory_space<vmem>>, vector<16xi32>,
    tpu.vector_store %arg8[%swap3A_718, %swap3A_719, %swap3A_720], %get3A_715 {strides = array<i32>} : memref<2x2x128xi32, #tpu.memory_space<vmem>>, vector<16xi32>,
    %get3A_722 = arith.constant 5408 : index
    %get3A_723 = tpu.vector_load %arg6[%get3A_722] {strides = array<i32>} : memref<5632xi32, #tpu.memory_space<vmem>>, vector<16xi32>,
    %swap3A_724 = arith.constant 1 : i32
    %swap3A_725 = arith.constant 0 : i32
    %swap3A_726 = arith.index_cast %swap3A_724 : i32 to index
    %swap3A_727 = arith.index_cast %swap3A_725 : i32 to index
    %swap3A_728 = arith.constant 32 : index
    %swap3A_729 = tpu.vector_load %arg8[%swap3A_726, %swap3A_727, %swap3A_728] {strides = array<i32>} : memref<2x2x128xi32, #tpu.memory_space<vmem>>, vector<16xi32>,
    tpu.vector_store %arg8[%swap3A_726, %swap3A_727, %swap3A_728], %get3A_723 {strides = array<i32>} : memref<2x2x128xi32, #tpu.memory_space<vmem>>, vector<16xi32>,
    %get3A_730 = arith.constant 5424 : index
    %get3A_731 = tpu.vector_load %arg6[%get3A_730] {strides = array<i32>} : memref<5632xi32, #tpu.memory_space<vmem>>, vector<16xi32>,
    %swap3A_732 = arith.constant 1 : i32
    %swap3A_733 = arith.constant 0 : i32
    %swap3A_734 = arith.index_cast %swap3A_732 : i32 to index
    %swap3A_735 = arith.index_cast %swap3A_733 : i32 to index
    %swap3A_736 = arith.constant 48 : index
    %swap3A_737 = tpu.vector_load %arg8[%swap3A_734, %swap3A_735, %swap3A_736] {strides = array<i32>} : memref<2x2x128xi32, #tpu.memory_space<vmem>>, vector<16xi32>,
    tpu.vector_store %arg8[%swap3A_734, %swap3A_735, %swap3A_736], %get3A_731 {strides = array<i32>} : memref<2x2x128xi32, #tpu.memory_space<vmem>>, vector<16xi32>,
    %get3A_738 = arith.constant 5440 : index
    %get3A_739 = tpu.vector_load %arg6[%get3A_738] {strides = array<i32>} : memref<5632xi32, #tpu.memory_space<vmem>>, vector<16xi32>,
    %swap3A_740 = arith.constant 1 : i32
    %swap3A_741 = arith.constant 0 : i32
    %swap3A_742 = arith.index_cast %swap3A_740 : i32 to index
    %swap3A_743 = arith.index_cast %swap3A_741 : i32 to index
    %swap3A_744 = arith.constant 64 : index
    %swap3A_745 = tpu.vector_load %arg8[%swap3A_742, %swap3A_743, %swap3A_744] {strides = array<i32>} : memref<2x2x128xi32, #tpu.memory_space<vmem>>, vector<16xi32>,
    tpu.vector_store %arg8[%swap3A_742, %swap3A_743, %swap3A_744], %get3A_739 {strides = array<i32>} : memref<2x2x128xi32, #tpu.memory_space<vmem>>, vector<16xi32>,
    %get3A_746 = arith.constant 5456 : index
    %get3A_747 = tpu.vector_load %arg6[%get3A_746] {strides = array<i32>} : memref<5632xi32, #tpu.memory_space<vmem>>, vector<16xi32>,
    %swap3A_748 = arith.constant 1 : i32
    %swap3A_749 = arith.constant 0 : i32
    %swap3A_750 = arith.index_cast %swap3A_748 : i32 to index
    %swap3A_751 = arith.index_cast %swap3A_749 : i32 to index
    %swap3A_752 = arith.constant 80 : index
    %swap3A_753 = tpu.vector_load %arg8[%swap3A_750, %swap3A_751, %swap3A_752] {strides = array<i32>} : memref<2x2x128xi32, #tpu.memory_space<vmem>>, vector<16xi32>,
    tpu.vector_store %arg8[%swap3A_750, %swap3A_751, %swap3A_752], %get3A_747 {strides = array<i32>} : memref<2x2x128xi32, #tpu.memory_space<vmem>>, vector<16xi32>,
    %get3A_754 = arith.constant 5472 : index
    %get3A_755 = tpu.vector_load %arg6[%get3A_754] {strides = array<i32>} : memref<5632xi32, #tpu.memory_space<vmem>>, vector<16xi32>,
    %swap3A_756 = arith.constant 1 : i32
    %swap3A_757 = arith.constant 0 : i32
    %swap3A_758 = arith.index_cast %swap3A_756 : i32 to index
    %swap3A_759 = arith.index_cast %swap3A_757 : i32 to index
    %swap3A_760 = arith.constant 96 : index
    %swap3A_761 = tpu.vector_load %arg8[%swap3A_758, %swap3A_759, %swap3A_760] {strides = array<i32>} : memref<2x2x128xi32, #tpu.memory_space<vmem>>, vector<16xi32>,
    tpu.vector_store %arg8[%swap3A_758, %swap3A_759, %swap3A_760], %get3A_755 {strides = array<i32>} : memref<2x2x128xi32, #tpu.memory_space<vmem>>, vector<16xi32>,
    %get3A_762 = arith.constant 5488 : index
    %get3A_763 = tpu.vector_load %arg6[%get3A_762] {strides = array<i32>} : memref<5632xi32, #tpu.memory_space<vmem>>, vector<16xi32>,
    %swap3A_764 = arith.constant 1 : i32
    %swap3A_765 = arith.constant 0 : i32
    %swap3A_766 = arith.index_cast %swap3A_764 : i32 to index
    %swap3A_767 = arith.index_cast %swap3A_765 : i32 to index
    %swap3A_768 = arith.constant 112 : index
    %swap3A_769 = tpu.vector_load %arg8[%swap3A_766, %swap3A_767, %swap3A_768] {strides = array<i32>} : memref<2x2x128xi32, #tpu.memory_space<vmem>>, vector<16xi32>,
    tpu.vector_store %arg8[%swap3A_766, %swap3A_767, %swap3A_768], %get3A_763 {strides = array<i32>} : memref<2x2x128xi32, #tpu.memory_space<vmem>>, vector<16xi32>,
    %get3A_770 = arith.constant 5504 : index
    %get3A_771 = tpu.vector_load %arg6[%get3A_770] {strides = array<i32>} : memref<5632xi32, #tpu.memory_space<vmem>>, vector<16xi32>,
    %swap3A_772 = arith.constant 1 : i32
    %swap3A_773 = arith.constant 1 : i32
    %swap3A_774 = arith.index_cast %swap3A_772 : i32 to index
    %swap3A_775 = arith.index_cast %swap3A_773 : i32 to index
    %swap3A_776 = arith.constant 0 : index
    %swap3A_777 = tpu.vector_load %arg8[%swap3A_774, %swap3A_775, %swap3A_776] {strides = array<i32>} : memref<2x2x128xi32, #tpu.memory_space<vmem>>, vector<16xi32>,
    tpu.vector_store %arg8[%swap3A_774, %swap3A_775, %swap3A_776], %get3A_771 {strides = array<i32>} : memref<2x2x128xi32, #tpu.memory_space<vmem>>, vector<16xi32>,
    %get3A_778 = arith.constant 5520 : index
    %get3A_779 = tpu.vector_load %arg6[%get3A_778] {strides = array<i32>} : memref<5632xi32, #tpu.memory_space<vmem>>, vector<16xi32>,
    %swap3A_780 = arith.constant 1 : i32
    %swap3A_781 = arith.constant 1 : i32
    %swap3A_782 = arith.index_cast %swap3A_780 : i32 to index
    %swap3A_783 = arith.index_cast %swap3A_781 : i32 to index
    %swap3A_784 = arith.constant 16 : index
    %swap3A_785 = tpu.vector_load %arg8[%swap3A_782, %swap3A_783, %swap3A_784] {strides = array<i32>} : memref<2x2x128xi32, #tpu.memory_space<vmem>>, vector<16xi32>,
    tpu.vector_store %arg8[%swap3A_782, %swap3A_783, %swap3A_784], %get3A_779 {strides = array<i32>} : memref<2x2x128xi32, #tpu.memory_space<vmem>>, vector<16xi32>,
    %get3A_786 = arith.constant 5536 : index
    %get3A_787 = tpu.vector_load %arg6[%get3A_786] {strides = array<i32>} : memref<5632xi32, #tpu.memory_space<vmem>>, vector<16xi32>,
    %swap3A_788 = arith.constant 1 : i32
    %swap3A_789 = arith.constant 1 : i32
    %swap3A_790 = arith.index_cast %swap3A_788 : i32 to index
    %swap3A_791 = arith.index_cast %swap3A_789 : i32 to index
    %swap3A_792 = arith.constant 32 : index
    %swap3A_793 = tpu.vector_load %arg8[%swap3A_790, %swap3A_791, %swap3A_792] {strides = array<i32>} : memref<2x2x128xi32, #tpu.memory_space<vmem>>, vector<16xi32>,
    tpu.vector_store %arg8[%swap3A_790, %swap3A_791, %swap3A_792], %get3A_787 {strides = array<i32>} : memref<2x2x128xi32, #tpu.memory_space<vmem>>, vector<16xi32>,
    %get3A_794 = arith.constant 5552 : index
    %get3A_795 = tpu.vector_load %arg6[%get3A_794] {strides = array<i32>} : memref<5632xi32, #tpu.memory_space<vmem>>, vector<16xi32>,
    %swap3A_796 = arith.constant 1 : i32
    %swap3A_797 = arith.constant 1 : i32
    %swap3A_798 = arith.index_cast %swap3A_796 : i32 to index
    %swap3A_799 = arith.index_cast %swap3A_797 : i32 to index
    %swap3A_800 = arith.constant 48 : index
    %swap3A_801 = tpu.vector_load %arg8[%swap3A_798, %swap3A_799, %swap3A_800] {strides = array<i32>} : memref<2x2x128xi32, #tpu.memory_space<vmem>>, vector<16xi32>,
    tpu.vector_store %arg8[%swap3A_798, %swap3A_799, %swap3A_800], %get3A_795 {strides = array<i32>} : memref<2x2x128xi32, #tpu.memory_space<vmem>>, vector<16xi32>,
    %get3A_802 = arith.constant 5568 : index
    %get3A_803 = tpu.vector_load %arg6[%get3A_802] {strides = array<i32>} : memref<5632xi32, #tpu.memory_space<vmem>>, vector<16xi32>,
    %swap3A_804 = arith.constant 1 : i32
    %swap3A_805 = arith.constant 1 : i32
    %swap3A_806 = arith.index_cast %swap3A_804 : i32 to index
    %swap3A_807 = arith.index_cast %swap3A_805 : i32 to index
    %swap3A_808 = arith.constant 64 : index
    %swap3A_809 = tpu.vector_load %arg8[%swap3A_806, %swap3A_807, %swap3A_808] {strides = array<i32>} : memref<2x2x128xi32, #tpu.memory_space<vmem>>, vector<16xi32>,
    tpu.vector_store %arg8[%swap3A_806, %swap3A_807, %swap3A_808], %get3A_803 {strides = array<i32>} : memref<2x2x128xi32, #tpu.memory_space<vmem>>, vector<16xi32>,
    %get3A_810 = arith.constant 5584 : index
    %get3A_811 = tpu.vector_load %arg6[%get3A_810] {strides = array<i32>} : memref<5632xi32, #tpu.memory_space<vmem>>, vector<16xi32>,
    %swap3A_812 = arith.constant 1 : i32
    %swap3A_813 = arith.constant 1 : i32
    %swap3A_814 = arith.index_cast %swap3A_812 : i32 to index
    %swap3A_815 = arith.index_cast %swap3A_813 : i32 to index
    %swap3A_816 = arith.constant 80 : index
    %swap3A_817 = tpu.vector_load %arg8[%swap3A_814, %swap3A_815, %swap3A_816] {strides = array<i32>} : memref<2x2x128xi32, #tpu.memory_space<vmem>>, vector<16xi32>,
    tpu.vector_store %arg8[%swap3A_814, %swap3A_815, %swap3A_816], %get3A_811 {strides = array<i32>} : memref<2x2x128xi32, #tpu.memory_space<vmem>>, vector<16xi32>,
    %get3A_818 = arith.constant 5600 : index
    %get3A_819 = tpu.vector_load %arg6[%get3A_818] {strides = array<i32>} : memref<5632xi32, #tpu.memory_space<vmem>>, vector<16xi32>,
    %swap3A_820 = arith.constant 1 : i32
    %swap3A_821 = arith.constant 1 : i32
    %swap3A_822 = arith.index_cast %swap3A_820 : i32 to index
    %swap3A_823 = arith.index_cast %swap3A_821 : i32 to index
    %swap3A_824 = arith.constant 96 : index
    %swap3A_825 = tpu.vector_load %arg8[%swap3A_822, %swap3A_823, %swap3A_824] {strides = array<i32>} : memref<2x2x128xi32, #tpu.memory_space<vmem>>, vector<16xi32>,
    tpu.vector_store %arg8[%swap3A_822, %swap3A_823, %swap3A_824], %get3A_819 {strides = array<i32>} : memref<2x2x128xi32, #tpu.memory_space<vmem>>, vector<16xi32>,
    %get3A_826 = arith.constant 5616 : index
    %get3A_827 = tpu.vector_load %arg6[%get3A_826] {strides = array<i32>} : memref<5632xi32, #tpu.memory_space<vmem>>, vector<16xi32>,
    %swap3A_828 = arith.constant 1 : i32
    %swap3A_829 = arith.constant 1 : i32
    %swap3A_830 = arith.index_cast %swap3A_828 : i32 to index
    %swap3A_831 = arith.index_cast %swap3A_829 : i32 to index
    %swap3A_832 = arith.constant 112 : index
    %swap3A_833 = tpu.vector_load %arg8[%swap3A_830, %swap3A_831, %swap3A_832] {strides = array<i32>} : memref<2x2x128xi32, #tpu.memory_space<vmem>>, vector<16xi32>,
    tpu.vector_store %arg8[%swap3A_830, %swap3A_831, %swap3A_832], %get3A_827 {strides = array<i32>} : memref<2x2x128xi32, #tpu.memory_space<vmem>>, vector<16xi32>,
    %dma_start3A_834 = arith.constant 1 : i32
    %dma_start3A_835 = arith.constant 0 : i32
    %dma_start3A_836 = arith.constant 1 : i32
    %dma_start3A_837 = arith.constant 0 : i32
    %dma_start3A_838 = arith.constant 0 : i32
    %dma_start3A_839 = tpu.memref_slice %arg7[%dma_start3A_836, %dma_start3A_837, %dma_start3A_838] : memref<2x256x128xf32, #tpu.memory_space<vmem>> -> memref<1x256x128xf32, #tpu.memory_space<vmem>>
    %dma_start3A_840 = tpu.memref_squeeze %dma_start3A_839 : memref<1x256x128xf32, #tpu.memory_space<vmem>> -> memref<256x128xf32, #tpu.memory_space<vmem>>
    %dma_start3A_841 = arith.constant 0 : i32
    %dma_start3A_842 = arith.constant 0 : i32
    %dma_start3A_843 = tpu.memref_slice %dma_start3A_840[%dma_start3A_841, %dma_start3A_842] : memref<256x128xf32, #tpu.memory_space<vmem>> -> memref<128x128xf32, #tpu.memory_space<vmem>>
    %dma_start3A_844 = arith.constant 0 : i32
    %dma_start3A_845 = arith.constant 0 : i32
    %dma_start3A_846 = tpu.memref_slice %arg8[%dma_start3A_834, %dma_start3A_844, %dma_start3A_845] : memref<2x2x128xi32, #tpu.memory_space<vmem>> -> memref<1x2x128xi32, #tpu.memory_space<vmem>>
    %dma_start3A_847 = tpu.memref_squeeze %dma_start3A_846 : memref<1x2x128xi32, #tpu.memory_space<vmem>> -> memref<2x128xi32, #tpu.memory_space<vmem>>
    %dma_start3A_848 = arith.constant 0 : i32
    %dma_start3A_849 = tpu.memref_slice %dma_start3A_847[%dma_start3A_835, %dma_start3A_848] : memref<2x128xi32, #tpu.memory_space<vmem>> -> memref<1x128xi32, #tpu.memory_space<vmem>>
    %dma_start3A_850 = tpu.memref_squeeze %dma_start3A_849 : memref<1x128xi32, #tpu.memory_space<vmem>> -> memref<128xi32, #tpu.memory_space<vmem>>
    %dma_start3A_851 = arith.constant 0 : i32
    %dma_start3A_852 = arith.constant 0 : i32
    %dma_start3A_853 = tpu.memref_slice %arg2[%dma_start3A_851, %dma_start3A_852] : memref<100000x128xf32, #tpu.memory_space<hbm>> -> memref<100000x128xf32, #tpu.memory_space<hbm>>
    tpu.enqueue_indirect_dma source(%dma_start3A_853 : memref<100000x128xf32, #tpu.memory_space<hbm>>) target(%dma_start3A_843 : memref<128x128xf32, #tpu.memory_space<vmem>>) offsets(%dma_start3A_850 : memref<128xi32, #tpu.memory_space<vmem>>) semaphore(%arg13 : memref<!tpu.dma_semaphore, #tpu.memory_space<semaphore_mem>>)
    %dma_start3A_854 = arith.constant 1 : i32
    %dma_start3A_855 = arith.constant 1 : i32
    %dma_start3A_856 = arith.constant 1 : i32
    %dma_start3A_857 = arith.constant 0 : i32
    %dma_start3A_858 = arith.constant 0 : i32
    %dma_start3A_859 = tpu.memref_slice %arg7[%dma_start3A_856, %dma_start3A_857, %dma_start3A_858] : memref<2x256x128xf32, #tpu.memory_space<vmem>> -> memref<1x256x128xf32, #tpu.memory_space<vmem>>
    %dma_start3A_860 = tpu.memref_squeeze %dma_start3A_859 : memref<1x256x128xf32, #tpu.memory_space<vmem>> -> memref<256x128xf32, #tpu.memory_space<vmem>>
    %dma_start3A_861 = arith.constant 128 : i32
    %dma_start3A_862 = arith.constant 0 : i32
    %dma_start3A_863 = tpu.memref_slice %dma_start3A_860[%dma_start3A_861, %dma_start3A_862] : memref<256x128xf32, #tpu.memory_space<vmem>> -> memref<128x128xf32, #tpu.memory_space<vmem>>
    %dma_start3A_864 = arith.constant 0 : i32
    %dma_start3A_865 = arith.constant 0 : i32
    %dma_start3A_866 = tpu.memref_slice %arg8[%dma_start3A_854, %dma_start3A_864, %dma_start3A_865] : memref<2x2x128xi32, #tpu.memory_space<vmem>> -> memref<1x2x128xi32, #tpu.memory_space<vmem>>
    %dma_start3A_867 = tpu.memref_squeeze %dma_start3A_866 : memref<1x2x128xi32, #tpu.memory_space<vmem>> -> memref<2x128xi32, #tpu.memory_space<vmem>>
    %dma_start3A_868 = arith.constant 0 : i32
    %dma_start3A_869 = tpu.memref_slice %dma_start3A_867[%dma_start3A_855, %dma_start3A_868] : memref<2x128xi32, #tpu.memory_space<vmem>> -> memref<1x128xi32, #tpu.memory_space<vmem>>
    %dma_start3A_870 = tpu.memref_squeeze %dma_start3A_869 : memref<1x128xi32, #tpu.memory_space<vmem>> -> memref<128xi32, #tpu.memory_space<vmem>>
    %dma_start3A_871 = arith.constant 0 : i32
    %dma_start3A_872 = arith.constant 0 : i32
    %dma_start3A_873 = tpu.memref_slice %arg2[%dma_start3A_871, %dma_start3A_872] : memref<100000x128xf32, #tpu.memory_space<hbm>> -> memref<100000x128xf32, #tpu.memory_space<hbm>>
    tpu.enqueue_indirect_dma source(%dma_start3A_873 : memref<100000x128xf32, #tpu.memory_space<hbm>>) target(%dma_start3A_863 : memref<128x128xf32, #tpu.memory_space<vmem>>) offsets(%dma_start3A_870 : memref<128xi32, #tpu.memory_space<vmem>>) semaphore(%arg13 : memref<!tpu.dma_semaphore, #tpu.memory_space<semaphore_mem>>)
    %dma_wait3A_874 = arith.constant 1 : i32
    %dma_wait3A_875 = arith.constant 0 : i32
    %dma_wait3A_876 = arith.constant 0 : i32
    %dma_wait3A_877 = tpu.memref_slice %arg7[%dma_wait3A_874, %dma_wait3A_875, %dma_wait3A_876] : memref<2x256x128xf32, #tpu.memory_space<vmem>> -> memref<1x256x128xf32, #tpu.memory_space<vmem>>
    %dma_wait3A_878 = tpu.memref_squeeze %dma_wait3A_877 : memref<1x256x128xf32, #tpu.memory_space<vmem>> -> memref<256x128xf32, #tpu.memory_space<vmem>>
    %dma_wait3A_879 = arith.constant 0 : i32
    %dma_wait3A_880 = arith.constant 0 : i32
    %dma_wait3A_881 = tpu.memref_slice %dma_wait3A_878[%dma_wait3A_879, %dma_wait3A_880] : memref<256x128xf32, #tpu.memory_space<vmem>> -> memref<128x128xf32, #tpu.memory_space<vmem>>
    %dma_wait3A_882 = arith.constant 0 : i32
    %dma_wait3A_883 = arith.constant 0 : i32
    %dma_wait3A_884 = tpu.memref_slice %arg2[%dma_wait3A_882, %dma_wait3A_883] : memref<100000x128xf32, #tpu.memory_space<hbm>> -> memref<128x128xf32, #tpu.memory_space<hbm>>
    %dma_wait3A_885 = arith.constant 0 : i32
    %dma_wait3A_886 = arith.constant 0 : i32
    %dma_wait3A_887 = tpu.memref_slice %arg7[%dma_wait3A_874, %dma_wait3A_885, %dma_wait3A_886] : memref<2x256x128xf32, #tpu.memory_space<vmem>> -> memref<1x256x128xf32, #tpu.memory_space<vmem>>
    %dma_wait3A_888 = tpu.memref_squeeze %dma_wait3A_887 : memref<1x256x128xf32, #tpu.memory_space<vmem>> -> memref<256x128xf32, #tpu.memory_space<vmem>>
    %dma_wait3A_889 = arith.constant 0 : i32
    %dma_wait3A_890 = arith.constant 0 : i32
    %dma_wait3A_891 = tpu.memref_slice %dma_wait3A_888[%dma_wait3A_889, %dma_wait3A_890] : memref<256x128xf32, #tpu.memory_space<vmem>> -> memref<128x128xf32, #tpu.memory_space<vmem>>
    %dma_wait3A_892 = arith.constant 0 : i32
    %dma_wait3A_893 = arith.constant 0 : i32
    %dma_wait3A_894 = tpu.memref_slice %arg2[%dma_wait3A_892, %dma_wait3A_893] : memref<100000x128xf32, #tpu.memory_space<hbm>> -> memref<128x128xf32, #tpu.memory_space<hbm>>
    tpu.wait_dma2 semaphore(%arg13 : memref<!tpu.dma_semaphore, #tpu.memory_space<semaphore_mem>>) src(%dma_wait3A_894 : memref<128x128xf32, #tpu.memory_space<hbm>>) dst(%dma_wait3A_891 : memref<128x128xf32, #tpu.memory_space<vmem>>)
    %dma_wait3A_895 = arith.constant 1 : i32
    %dma_wait3A_896 = arith.constant 0 : i32
    %dma_wait3A_897 = arith.constant 0 : i32
    %dma_wait3A_898 = tpu.memref_slice %arg7[%dma_wait3A_895, %dma_wait3A_896, %dma_wait3A_897] : memref<2x256x128xf32, #tpu.memory_space<vmem>> -> memref<1x256x128xf32, #tpu.memory_space<vmem>>
    %dma_wait3A_899 = tpu.memref_squeeze %dma_wait3A_898 : memref<1x256x128xf32, #tpu.memory_space<vmem>> -> memref<256x128xf32, #tpu.memory_space<vmem>>
    %dma_wait3A_900 = arith.constant 128 : i32
    %dma_wait3A_901 = arith.constant 0 : i32
    %dma_wait3A_902 = tpu.memref_slice %dma_wait3A_899[%dma_wait3A_900, %dma_wait3A_901] : memref<256x128xf32, #tpu.memory_space<vmem>> -> memref<128x128xf32, #tpu.memory_space<vmem>>
    %dma_wait3A_903 = arith.constant 0 : i32
    %dma_wait3A_904 = arith.constant 0 : i32
    %dma_wait3A_905 = tpu.memref_slice %arg2[%dma_wait3A_903, %dma_wait3A_904] : memref<100000x128xf32, #tpu.memory_space<hbm>> -> memref<128x128xf32, #tpu.memory_space<hbm>>
    %dma_wait3A_906 = arith.constant 0 : i32
    %dma_wait3A_907 = arith.constant 0 : i32
    %dma_wait3A_908 = tpu.memref_slice %arg7[%dma_wait3A_895, %dma_wait3A_906, %dma_wait3A_907] : memref<2x256x128xf32, #tpu.memory_space<vmem>> -> memref<1x256x128xf32, #tpu.memory_space<vmem>>
    %dma_wait3A_909 = tpu.memref_squeeze %dma_wait3A_908 : memref<1x256x128xf32, #tpu.memory_space<vmem>> -> memref<256x128xf32, #tpu.memory_space<vmem>>
    %dma_wait3A_910 = arith.constant 128 : i32
    %dma_wait3A_911 = arith.constant 0 : i32
    %dma_wait3A_912 = tpu.memref_slice %dma_wait3A_909[%dma_wait3A_910, %dma_wait3A_911] : memref<256x128xf32, #tpu.memory_space<vmem>> -> memref<128x128xf32, #tpu.memory_space<vmem>>
    %dma_wait3A_913 = arith.constant 0 : i32
    %dma_wait3A_914 = arith.constant 0 : i32
    %dma_wait3A_915 = tpu.memref_slice %arg2[%dma_wait3A_913, %dma_wait3A_914] : memref<100000x128xf32, #tpu.memory_space<hbm>> -> memref<128x128xf32, #tpu.memory_space<hbm>>
    tpu.wait_dma2 semaphore(%arg13 : memref<!tpu.dma_semaphore, #tpu.memory_space<semaphore_mem>>) src(%dma_wait3A_915 : memref<128x128xf32, #tpu.memory_space<hbm>>) dst(%dma_wait3A_912 : memref<128x128xf32, #tpu.memory_space<vmem>>)
    %add3A_916 = arith.constant 5376 : i32
    %add3A_917 = arith.addi %mul3A_2, %add3A_916 : i32
    %dma_start3A_918 = arith.constant 1 : i32
    %dma_start3A_919 = arith.constant 0 : i32
    %dma_start3A_920 = arith.constant 0 : i32
    %dma_start3A_921 = tpu.memref_slice %arg7[%dma_start3A_918, %dma_start3A_919, %dma_start3A_920] : memref<2x256x128xf32, #tpu.memory_space<vmem>> -> memref<1x256x128xf32, #tpu.memory_space<vmem>>
    %dma_start3A_922 = tpu.memref_squeeze %dma_start3A_921 : memref<1x256x128xf32, #tpu.memory_space<vmem>> -> memref<256x128xf32, #tpu.memory_space<vmem>>
    %dma_start3A_923 = arith.constant 0 : i32
    %dma_start3A_924 = tpu.memref_slice %arg5[%add3A_917, %dma_start3A_923] : memref<180256x128xf32, #tpu.memory_space<hbm>> -> memref<256x128xf32, #tpu.memory_space<hbm>>
    %dma_start3A_925 = arith.constant 0 : i32
    %dma_start3A_926 = tpu.memref_slice %arg5[%add3A_917, %dma_start3A_925] : memref<180256x128xf32, #tpu.memory_space<hbm>> -> memref<256x128xf32, #tpu.memory_space<hbm>>
    %dma_start3A_927 = arith.constant 0 : i32
    %dma_start3A_928 = arith.constant 0 : i32
    %dma_start3A_929 = tpu.memref_slice %arg7[%dma_start3A_918, %dma_start3A_927, %dma_start3A_928] : memref<2x256x128xf32, #tpu.memory_space<vmem>> -> memref<1x256x128xf32, #tpu.memory_space<vmem>>
    %dma_start3A_930 = tpu.memref_squeeze %dma_start3A_929 : memref<1x256x128xf32, #tpu.memory_space<vmem>> -> memref<256x128xf32, #tpu.memory_space<vmem>>
    tpu.enqueue_dma source(%dma_start3A_930 : memref<256x128xf32, #tpu.memory_space<vmem>>) target(%dma_start3A_926 : memref<256x128xf32, #tpu.memory_space<hbm>>) target_semaphore(%arg15 : memref<!tpu.dma_semaphore, #tpu.memory_space<semaphore_mem>>)
    %dma_wait3A_931 = arith.constant 0 : i32
    %dma_wait3A_932 = arith.constant 0 : i32
    %dma_wait3A_933 = arith.constant 0 : i32
    %dma_wait3A_934 = tpu.memref_slice %arg7[%dma_wait3A_931, %dma_wait3A_932, %dma_wait3A_933] : memref<2x256x128xf32, #tpu.memory_space<vmem>> -> memref<1x256x128xf32, #tpu.memory_space<vmem>>
    %dma_wait3A_935 = tpu.memref_squeeze %dma_wait3A_934 : memref<1x256x128xf32, #tpu.memory_space<vmem>> -> memref<256x128xf32, #tpu.memory_space<vmem>>
    %dma_wait3A_936 = arith.constant 0 : i32
    %dma_wait3A_937 = tpu.memref_slice %arg5[%mul3A_2, %dma_wait3A_936] : memref<180256x128xf32, #tpu.memory_space<hbm>> -> memref<256x128xf32, #tpu.memory_space<hbm>>
    %dma_wait3A_938 = arith.constant 0 : i32
    %dma_wait3A_939 = tpu.memref_slice %arg5[%mul3A_2, %dma_wait3A_938] : memref<180256x128xf32, #tpu.memory_space<hbm>> -> memref<256x128xf32, #tpu.memory_space<hbm>>
    %dma_wait3A_940 = arith.constant 0 : i32
    %dma_wait3A_941 = arith.constant 0 : i32
    %dma_wait3A_942 = tpu.memref_slice %arg7[%dma_wait3A_931, %dma_wait3A_940, %dma_wait3A_941] : memref<2x256x128xf32, #tpu.memory_space<vmem>> -> memref<1x256x128xf32, #tpu.memory_space<vmem>>
    %dma_wait3A_943 = tpu.memref_squeeze %dma_wait3A_942 : memref<1x256x128xf32, #tpu.memory_space<vmem>> -> memref<256x128xf32, #tpu.memory_space<vmem>>
    tpu.wait_dma2 semaphore(%arg14 : memref<!tpu.dma_semaphore, #tpu.memory_space<semaphore_mem>>) src(%dma_wait3A_943 : memref<256x128xf32, #tpu.memory_space<vmem>>) dst(%dma_wait3A_939 : memref<256x128xf32, #tpu.memory_space<hbm>>)
    %dma_wait3A_944 = arith.constant 1 : i32
    %dma_wait3A_945 = arith.constant 0 : i32
    %dma_wait3A_946 = arith.constant 0 : i32
    %dma_wait3A_947 = tpu.memref_slice %arg7[%dma_wait3A_944, %dma_wait3A_945, %dma_wait3A_946] : memref<2x256x128xf32, #tpu.memory_space<vmem>> -> memref<1x256x128xf32, #tpu.memory_space<vmem>>
    %dma_wait3A_948 = tpu.memref_squeeze %dma_wait3A_947 : memref<1x256x128xf32, #tpu.memory_space<vmem>> -> memref<256x128xf32, #tpu.memory_space<vmem>>
    %dma_wait3A_949 = arith.constant 0 : i32
    %dma_wait3A_950 = tpu.memref_slice %arg5[%mul3A_2, %dma_wait3A_949] : memref<180256x128xf32, #tpu.memory_space<hbm>> -> memref<256x128xf32, #tpu.memory_space<hbm>>
    %dma_wait3A_951 = arith.constant 0 : i32
    %dma_wait3A_952 = tpu.memref_slice %arg5[%mul3A_2, %dma_wait3A_951] : memref<180256x128xf32, #tpu.memory_space<hbm>> -> memref<256x128xf32, #tpu.memory_space<hbm>>
    %dma_wait3A_953 = arith.constant 0 : i32
    %dma_wait3A_954 = arith.constant 0 : i32
    %dma_wait3A_955 = tpu.memref_slice %arg7[%dma_wait3A_944, %dma_wait3A_953, %dma_wait3A_954] : memref<2x256x128xf32, #tpu.memory_space<vmem>> -> memref<1x256x128xf32, #tpu.memory_space<vmem>>
    %dma_wait3A_956 = tpu.memref_squeeze %dma_wait3A_955 : memref<1x256x128xf32, #tpu.memory_space<vmem>> -> memref<256x128xf32, #tpu.memory_space<vmem>>
    tpu.wait_dma2 semaphore(%arg15 : memref<!tpu.dma_semaphore, #tpu.memory_space<semaphore_mem>>) src(%dma_wait3A_956 : memref<256x128xf32, #tpu.memory_space<vmem>>) dst(%dma_wait3A_952 : memref<256x128xf32, #tpu.memory_space<hbm>>)
    %scan3A_957 = arith.constant 0 : i32
    %scan3A_958 = arith.constant 44 : i32
    %scan3A_959 = arith.addi %scan3A_957, %scan3A_958 : i32
    %scan3A_960 = arith.constant 1 : i32
    scf.for %scan3A_962 = %scan3A_957 to %scan3A_959 step %scan3A_960  : i32 {
      %mul3A_963 = arith.constant 128 : i32
      %mul3A_964 = arith.muli %scan3A_962, %mul3A_963 : i32
      %get3A_965 = arith.index_cast %mul3A_964 : i32 to index
      %get3A_966 = tpu.vector_load %arg6[%get3A_965] {strides = array<i32>} : memref<5632xi32, #tpu.memory_space<vmem>>, vector<16xi32>,
      %le3A = arith.constant 49 : i32
      %le3A_967 = vector.broadcast %le3A : i32 to vector<16xi32>
      %le3A_968 = arith.cmpi sle, %get3A_966, %le3A_967 : vector<16xi32>
      %add3A_969 = arith.constant 16 : i32
      %add3A_970 = arith.addi %mul3A_964, %add3A_969 : i32
      %get3A_971 = arith.index_cast %add3A_970 : i32 to index
      %get3A_972 = tpu.vector_load %arg6[%get3A_971] {strides = array<i32>} : memref<5632xi32, #tpu.memory_space<vmem>>, vector<16xi32>,
      %le3A_973 = arith.constant 49 : i32
      %le3A_974 = vector.broadcast %le3A_973 : i32 to vector<16xi32>
      %le3A_975 = arith.cmpi sle, %get3A_972, %le3A_974 : vector<16xi32>
      %or3A = arith.ori %le3A_968, %le3A_975 : vector<16xi1>
      %add3A_976 = arith.constant 32 : i32
      %add3A_977 = arith.addi %mul3A_964, %add3A_976 : i32
      %get3A_978 = arith.index_cast %add3A_977 : i32 to index
      %get3A_979 = tpu.vector_load %arg6[%get3A_978] {strides = array<i32>} : memref<5632xi32, #tpu.memory_space<vmem>>, vector<16xi32>,
      %le3A_980 = arith.constant 49 : i32
      %le3A_981 = vector.broadcast %le3A_980 : i32 to vector<16xi32>
      %le3A_982 = arith.cmpi sle, %get3A_979, %le3A_981 : vector<16xi32>
      %or3A_983 = arith.ori %or3A, %le3A_982 : vector<16xi1>
      %add3A_984 = arith.constant 48 : i32
      %add3A_985 = arith.addi %mul3A_964, %add3A_984 : i32
      %get3A_986 = arith.index_cast %add3A_985 : i32 to index
      %get3A_987 = tpu.vector_load %arg6[%get3A_986] {strides = array<i32>} : memref<5632xi32, #tpu.memory_space<vmem>>, vector<16xi32>,
      %le3A_988 = arith.constant 49 : i32
      %le3A_989 = vector.broadcast %le3A_988 : i32 to vector<16xi32>
      %le3A_990 = arith.cmpi sle, %get3A_987, %le3A_989 : vector<16xi32>
      %or3A_991 = arith.ori %or3A_983, %le3A_990 : vector<16xi1>
      %add3A_992 = arith.constant 64 : i32
      %add3A_993 = arith.addi %mul3A_964, %add3A_992 : i32
      %get3A_994 = arith.index_cast %add3A_993 : i32 to index
      %get3A_995 = tpu.vector_load %arg6[%get3A_994] {strides = array<i32>} : memref<5632xi32, #tpu.memory_space<vmem>>, vector<16xi32>,
      %le3A_996 = arith.constant 49 : i32
      %le3A_997 = vector.broadcast %le3A_996 : i32 to vector<16xi32>
      %le3A_998 = arith.cmpi sle, %get3A_995, %le3A_997 : vector<16xi32>
      %or3A_999 = arith.ori %or3A_991, %le3A_998 : vector<16xi1>
      %add3A_1000 = arith.constant 80 : i32
      %add3A_1001 = arith.addi %mul3A_964, %add3A_1000 : i32
      %get3A_1002 = arith.index_cast %add3A_1001 : i32 to index
      %get3A_1003 = tpu.vector_load %arg6[%get3A_1002] {strides = array<i32>} : memref<5632xi32, #tpu.memory_space<vmem>>, vector<16xi32>,
      %le3A_1004 = arith.constant 49 : i32
      %le3A_1005 = vector.broadcast %le3A_1004 : i32 to vector<16xi32>
      %le3A_1006 = arith.cmpi sle, %get3A_1003, %le3A_1005 : vector<16xi32>
      %or3A_1007 = arith.ori %or3A_999, %le3A_1006 : vector<16xi1>
      %add3A_1008 = arith.constant 96 : i32
      %add3A_1009 = arith.addi %mul3A_964, %add3A_1008 : i32
      %get3A_1010 = arith.index_cast %add3A_1009 : i32 to index
      %get3A_1011 = tpu.vector_load %arg6[%get3A_1010] {strides = array<i32>} : memref<5632xi32, #tpu.memory_space<vmem>>, vector<16xi32>,
      %le3A_1012 = arith.constant 49 : i32
      %le3A_1013 = vector.broadcast %le3A_1012 : i32 to vector<16xi32>
      %le3A_1014 = arith.cmpi sle, %get3A_1011, %le3A_1013 : vector<16xi32>
      %or3A_1015 = arith.ori %or3A_1007, %le3A_1014 : vector<16xi1>
      %add3A_1016 = arith.constant 112 : i32
      %add3A_1017 = arith.addi %mul3A_964, %add3A_1016 : i32
      %get3A_1018 = arith.index_cast %add3A_1017 : i32 to index
      %get3A_1019 = tpu.vector_load %arg6[%get3A_1018] {strides = array<i32>} : memref<5632xi32, #tpu.memory_space<vmem>>, vector<16xi32>,
      %le3A_1020 = arith.constant 49 : i32
      %le3A_1021 = vector.broadcast %le3A_1020 : i32 to vector<16xi32>
      %le3A_1022 = arith.cmpi sle, %get3A_1019, %le3A_1021 : vector<16xi32>
      %or3A_1023 = arith.ori %or3A_1015, %le3A_1022 : vector<16xi1>
      %reduce_or3A = arith.constant 1.000000e+00 : f32
      %reduce_or3A_1024 = arith.constant 0.000000e+00 : f32
      %reduce_or3A_1025 = vector.broadcast %reduce_or3A : f32 to vector<16xf32>
      %reduce_or3A_1026 = vector.broadcast %reduce_or3A_1024 : f32 to vector<16xf32>
      %reduce_or3A_1027 = arith.select %or3A_1023, %reduce_or3A_1025, %reduce_or3A_1026 : vector<16xi1>, vector<16xf32>
      %reduce_or3A_1028 = arith.constant true
      %reduce_or3A_1029 = vector.broadcast %reduce_or3A_1028 : i1 to vector<16xi1>
      %reduce_or3A_1030 = tpu.scan <max>, %reduce_or3A_1027 masked %reduce_or3A_1029 : vector<16xf32>, vector<16xi1> -> vector<16xf32>
      %reduce_or3A_1031 = vector.extract %reduce_or3A_1030[15] : f32 from vector<16xf32>
      %reduce_or3A_1032 = arith.constant 0.000000e+00 : f32
      %reduce_or3A_1033 = arith.cmpf ogt, %reduce_or3A_1031, %reduce_or3A_1032 : f32
      %convert_element_type3A = arith.extui %reduce_or3A_1033 : i1 to i32
      %cond3A = arith.constant 0 : i32
      %cond3A_1034 = arith.cmpi ne, %convert_element_type3A, %cond3A : i32
      scf.if %cond3A_1034 {
        %add3A_1035 = arith.constant 0 : i32
        %add3A_1036 = arith.addi %mul3A_964, %add3A_1035 : i32
        %get3A_1037 = arith.index_cast %add3A_1036 : i32 to index
        %get3A_1038 = tpu.vector_load %arg6[%get3A_1037] {strides = array<i32>} : memref<5632xi32, #tpu.memory_space<vmem>>, vector<16xi32>,
        %le3A_1039 = arith.constant 49 : i32
        %le3A_1040 = vector.broadcast %le3A_1039 : i32 to vector<16xi32>
        %le3A_1041 = arith.cmpi sle, %get3A_1038, %le3A_1040 : vector<16xi32>
        %sub3A = arith.constant 49 : i32
        %sub3A_1042 = vector.broadcast %sub3A : i32 to vector<16xi32>
        %sub3A_1043 = arith.subi %sub3A_1042, %get3A_1038 : vector<16xi32>
        %jit3A = arith.constant 0 : i32
        %broadcast_in_dim3A = vector.broadcast %jit3A : i32 to vector<16xi32>
        %select_n3A = arith.select %le3A_1041, %sub3A_1043, %broadcast_in_dim3A : vector<16xi1>, vector<16xi32>
        %swap3A_1044 = arith.constant 0 : index
        %swap3A_1045 = tpu.vector_load %arg9[%swap3A_1044] {strides = array<i32>} : memref<128xi32, #tpu.memory_space<vmem>>, vector<16xi32>,
        tpu.vector_store %arg9[%swap3A_1044], %select_n3A {strides = array<i32>} : memref<128xi32, #tpu.memory_space<vmem>>, vector<16xi32>,
        %add3A_1046 = arith.addi %mul3A_2, %mul3A_964 : i32
        %add3A_1047 = arith.constant 0 : i32
        %add3A_1048 = arith.addi %add3A_1046, %add3A_1047 : i32
        %add3A_1049 = vector.broadcast %add3A_1048 : i32 to vector<16xi32>
        %add3A_1050 = arith.addi %add3A_1049, %iota3A : vector<16xi32>
        %broadcast_in_dim3A_1051 = vector.broadcast %add3A_4 : i32 to vector<16xi32>
        %select_n3A_1052 = arith.select %le3A_1041, %add3A_1050, %broadcast_in_dim3A_1051 : vector<16xi1>, vector<16xi32>
        %swap3A_1053 = arith.constant 0 : index
        %swap3A_1054 = tpu.vector_load %arg10[%swap3A_1053] {strides = array<i32>} : memref<128xi32, #tpu.memory_space<vmem>>, vector<16xi32>,
        tpu.vector_store %arg10[%swap3A_1053], %select_n3A_1052 {strides = array<i32>} : memref<128xi32, #tpu.memory_space<vmem>>, vector<16xi32>,
        %add3A_1055 = arith.constant 16 : i32
        %add3A_1056 = arith.addi %mul3A_964, %add3A_1055 : i32
        %get3A_1057 = arith.index_cast %add3A_1056 : i32 to index
        %get3A_1058 = tpu.vector_load %arg6[%get3A_1057] {strides = array<i32>} : memref<5632xi32, #tpu.memory_space<vmem>>, vector<16xi32>,
        %le3A_1059 = arith.constant 49 : i32
        %le3A_1060 = vector.broadcast %le3A_1059 : i32 to vector<16xi32>
        %le3A_1061 = arith.cmpi sle, %get3A_1058, %le3A_1060 : vector<16xi32>
        %sub3A_1062 = arith.constant 49 : i32
        %sub3A_1063 = vector.broadcast %sub3A_1062 : i32 to vector<16xi32>
        %sub3A_1064 = arith.subi %sub3A_1063, %get3A_1058 : vector<16xi32>
        %jit3A_1065 = arith.constant 0 : i32
        %broadcast_in_dim3A_1066 = vector.broadcast %jit3A_1065 : i32 to vector<16xi32>
        %select_n3A_1067 = arith.select %le3A_1061, %sub3A_1064, %broadcast_in_dim3A_1066 : vector<16xi1>, vector<16xi32>
        %swap3A_1068 = arith.constant 16 : index
        %swap3A_1069 = tpu.vector_load %arg9[%swap3A_1068] {strides = array<i32>} : memref<128xi32, #tpu.memory_space<vmem>>, vector<16xi32>,
        tpu.vector_store %arg9[%swap3A_1068], %select_n3A_1067 {strides = array<i32>} : memref<128xi32, #tpu.memory_space<vmem>>, vector<16xi32>,
        %add3A_1070 = arith.addi %mul3A_2, %mul3A_964 : i32
        %add3A_1071 = arith.constant 16 : i32
        %add3A_1072 = arith.addi %add3A_1070, %add3A_1071 : i32
        %add3A_1073 = vector.broadcast %add3A_1072 : i32 to vector<16xi32>
        %add3A_1074 = arith.addi %add3A_1073, %iota3A : vector<16xi32>
        %broadcast_in_dim3A_1075 = vector.broadcast %add3A_4 : i32 to vector<16xi32>
        %select_n3A_1076 = arith.select %le3A_1061, %add3A_1074, %broadcast_in_dim3A_1075 : vector<16xi1>, vector<16xi32>
        %swap3A_1077 = arith.constant 16 : index
        %swap3A_1078 = tpu.vector_load %arg10[%swap3A_1077] {strides = array<i32>} : memref<128xi32, #tpu.memory_space<vmem>>, vector<16xi32>,
        tpu.vector_store %arg10[%swap3A_1077], %select_n3A_1076 {strides = array<i32>} : memref<128xi32, #tpu.memory_space<vmem>>, vector<16xi32>,
        %add3A_1079 = arith.constant 32 : i32
        %add3A_1080 = arith.addi %mul3A_964, %add3A_1079 : i32
        %get3A_1081 = arith.index_cast %add3A_1080 : i32 to index
        %get3A_1082 = tpu.vector_load %arg6[%get3A_1081] {strides = array<i32>} : memref<5632xi32, #tpu.memory_space<vmem>>, vector<16xi32>,
        %le3A_1083 = arith.constant 49 : i32
        %le3A_1084 = vector.broadcast %le3A_1083 : i32 to vector<16xi32>
        %le3A_1085 = arith.cmpi sle, %get3A_1082, %le3A_1084 : vector<16xi32>
        %sub3A_1086 = arith.constant 49 : i32
        %sub3A_1087 = vector.broadcast %sub3A_1086 : i32 to vector<16xi32>
        %sub3A_1088 = arith.subi %sub3A_1087, %get3A_1082 : vector<16xi32>
        %jit3A_1089 = arith.constant 0 : i32
        %broadcast_in_dim3A_1090 = vector.broadcast %jit3A_1089 : i32 to vector<16xi32>
        %select_n3A_1091 = arith.select %le3A_1085, %sub3A_1088, %broadcast_in_dim3A_1090 : vector<16xi1>, vector<16xi32>
        %swap3A_1092 = arith.constant 32 : index
        %swap3A_1093 = tpu.vector_load %arg9[%swap3A_1092] {strides = array<i32>} : memref<128xi32, #tpu.memory_space<vmem>>, vector<16xi32>,
        tpu.vector_store %arg9[%swap3A_1092], %select_n3A_1091 {strides = array<i32>} : memref<128xi32, #tpu.memory_space<vmem>>, vector<16xi32>,
        %add3A_1094 = arith.addi %mul3A_2, %mul3A_964 : i32
        %add3A_1095 = arith.constant 32 : i32
        %add3A_1096 = arith.addi %add3A_1094, %add3A_1095 : i32
        %add3A_1097 = vector.broadcast %add3A_1096 : i32 to vector<16xi32>
        %add3A_1098 = arith.addi %add3A_1097, %iota3A : vector<16xi32>
        %broadcast_in_dim3A_1099 = vector.broadcast %add3A_4 : i32 to vector<16xi32>
        %select_n3A_1100 = arith.select %le3A_1085, %add3A_1098, %broadcast_in_dim3A_1099 : vector<16xi1>, vector<16xi32>
        %swap3A_1101 = arith.constant 32 : index
        %swap3A_1102 = tpu.vector_load %arg10[%swap3A_1101] {strides = array<i32>} : memref<128xi32, #tpu.memory_space<vmem>>, vector<16xi32>,
        tpu.vector_store %arg10[%swap3A_1101], %select_n3A_1100 {strides = array<i32>} : memref<128xi32, #tpu.memory_space<vmem>>, vector<16xi32>,
        %add3A_1103 = arith.constant 48 : i32
        %add3A_1104 = arith.addi %mul3A_964, %add3A_1103 : i32
        %get3A_1105 = arith.index_cast %add3A_1104 : i32 to index
        %get3A_1106 = tpu.vector_load %arg6[%get3A_1105] {strides = array<i32>} : memref<5632xi32, #tpu.memory_space<vmem>>, vector<16xi32>,
        %le3A_1107 = arith.constant 49 : i32
        %le3A_1108 = vector.broadcast %le3A_1107 : i32 to vector<16xi32>
        %le3A_1109 = arith.cmpi sle, %get3A_1106, %le3A_1108 : vector<16xi32>
        %sub3A_1110 = arith.constant 49 : i32
        %sub3A_1111 = vector.broadcast %sub3A_1110 : i32 to vector<16xi32>
        %sub3A_1112 = arith.subi %sub3A_1111, %get3A_1106 : vector<16xi32>
        %jit3A_1113 = arith.constant 0 : i32
        %broadcast_in_dim3A_1114 = vector.broadcast %jit3A_1113 : i32 to vector<16xi32>
        %select_n3A_1115 = arith.select %le3A_1109, %sub3A_1112, %broadcast_in_dim3A_1114 : vector<16xi1>, vector<16xi32>
        %swap3A_1116 = arith.constant 48 : index
        %swap3A_1117 = tpu.vector_load %arg9[%swap3A_1116] {strides = array<i32>} : memref<128xi32, #tpu.memory_space<vmem>>, vector<16xi32>,
        tpu.vector_store %arg9[%swap3A_1116], %select_n3A_1115 {strides = array<i32>} : memref<128xi32, #tpu.memory_space<vmem>>, vector<16xi32>,
        %add3A_1118 = arith.addi %mul3A_2, %mul3A_964 : i32
        %add3A_1119 = arith.constant 48 : i32
        %add3A_1120 = arith.addi %add3A_1118, %add3A_1119 : i32
        %add3A_1121 = vector.broadcast %add3A_1120 : i32 to vector<16xi32>
        %add3A_1122 = arith.addi %add3A_1121, %iota3A : vector<16xi32>
        %broadcast_in_dim3A_1123 = vector.broadcast %add3A_4 : i32 to vector<16xi32>
        %select_n3A_1124 = arith.select %le3A_1109, %add3A_1122, %broadcast_in_dim3A_1123 : vector<16xi1>, vector<16xi32>
        %swap3A_1125 = arith.constant 48 : index
        %swap3A_1126 = tpu.vector_load %arg10[%swap3A_1125] {strides = array<i32>} : memref<128xi32, #tpu.memory_space<vmem>>, vector<16xi32>,
        tpu.vector_store %arg10[%swap3A_1125], %select_n3A_1124 {strides = array<i32>} : memref<128xi32, #tpu.memory_space<vmem>>, vector<16xi32>,
        %add3A_1127 = arith.constant 64 : i32
        %add3A_1128 = arith.addi %mul3A_964, %add3A_1127 : i32
        %get3A_1129 = arith.index_cast %add3A_1128 : i32 to index
        %get3A_1130 = tpu.vector_load %arg6[%get3A_1129] {strides = array<i32>} : memref<5632xi32, #tpu.memory_space<vmem>>, vector<16xi32>,
        %le3A_1131 = arith.constant 49 : i32
        %le3A_1132 = vector.broadcast %le3A_1131 : i32 to vector<16xi32>
        %le3A_1133 = arith.cmpi sle, %get3A_1130, %le3A_1132 : vector<16xi32>
        %sub3A_1134 = arith.constant 49 : i32
        %sub3A_1135 = vector.broadcast %sub3A_1134 : i32 to vector<16xi32>
        %sub3A_1136 = arith.subi %sub3A_1135, %get3A_1130 : vector<16xi32>
        %jit3A_1137 = arith.constant 0 : i32
        %broadcast_in_dim3A_1138 = vector.broadcast %jit3A_1137 : i32 to vector<16xi32>
        %select_n3A_1139 = arith.select %le3A_1133, %sub3A_1136, %broadcast_in_dim3A_1138 : vector<16xi1>, vector<16xi32>
        %swap3A_1140 = arith.constant 64 : index
        %swap3A_1141 = tpu.vector_load %arg9[%swap3A_1140] {strides = array<i32>} : memref<128xi32, #tpu.memory_space<vmem>>, vector<16xi32>,
        tpu.vector_store %arg9[%swap3A_1140], %select_n3A_1139 {strides = array<i32>} : memref<128xi32, #tpu.memory_space<vmem>>, vector<16xi32>,
        %add3A_1142 = arith.addi %mul3A_2, %mul3A_964 : i32
        %add3A_1143 = arith.constant 64 : i32
        %add3A_1144 = arith.addi %add3A_1142, %add3A_1143 : i32
        %add3A_1145 = vector.broadcast %add3A_1144 : i32 to vector<16xi32>
        %add3A_1146 = arith.addi %add3A_1145, %iota3A : vector<16xi32>
        %broadcast_in_dim3A_1147 = vector.broadcast %add3A_4 : i32 to vector<16xi32>
        %select_n3A_1148 = arith.select %le3A_1133, %add3A_1146, %broadcast_in_dim3A_1147 : vector<16xi1>, vector<16xi32>
        %swap3A_1149 = arith.constant 64 : index
        %swap3A_1150 = tpu.vector_load %arg10[%swap3A_1149] {strides = array<i32>} : memref<128xi32, #tpu.memory_space<vmem>>, vector<16xi32>,
        tpu.vector_store %arg10[%swap3A_1149], %select_n3A_1148 {strides = array<i32>} : memref<128xi32, #tpu.memory_space<vmem>>, vector<16xi32>,
        %add3A_1151 = arith.constant 80 : i32
        %add3A_1152 = arith.addi %mul3A_964, %add3A_1151 : i32
        %get3A_1153 = arith.index_cast %add3A_1152 : i32 to index
        %get3A_1154 = tpu.vector_load %arg6[%get3A_1153] {strides = array<i32>} : memref<5632xi32, #tpu.memory_space<vmem>>, vector<16xi32>,
        %le3A_1155 = arith.constant 49 : i32
        %le3A_1156 = vector.broadcast %le3A_1155 : i32 to vector<16xi32>
        %le3A_1157 = arith.cmpi sle, %get3A_1154, %le3A_1156 : vector<16xi32>
        %sub3A_1158 = arith.constant 49 : i32
        %sub3A_1159 = vector.broadcast %sub3A_1158 : i32 to vector<16xi32>
        %sub3A_1160 = arith.subi %sub3A_1159, %get3A_1154 : vector<16xi32>
        %jit3A_1161 = arith.constant 0 : i32
        %broadcast_in_dim3A_1162 = vector.broadcast %jit3A_1161 : i32 to vector<16xi32>
        %select_n3A_1163 = arith.select %le3A_1157, %sub3A_1160, %broadcast_in_dim3A_1162 : vector<16xi1>, vector<16xi32>
        %swap3A_1164 = arith.constant 80 : index
        %swap3A_1165 = tpu.vector_load %arg9[%swap3A_1164] {strides = array<i32>} : memref<128xi32, #tpu.memory_space<vmem>>, vector<16xi32>,
        tpu.vector_store %arg9[%swap3A_1164], %select_n3A_1163 {strides = array<i32>} : memref<128xi32, #tpu.memory_space<vmem>>, vector<16xi32>,
        %add3A_1166 = arith.addi %mul3A_2, %mul3A_964 : i32
        %add3A_1167 = arith.constant 80 : i32
        %add3A_1168 = arith.addi %add3A_1166, %add3A_1167 : i32
        %add3A_1169 = vector.broadcast %add3A_1168 : i32 to vector<16xi32>
        %add3A_1170 = arith.addi %add3A_1169, %iota3A : vector<16xi32>
        %broadcast_in_dim3A_1171 = vector.broadcast %add3A_4 : i32 to vector<16xi32>
        %select_n3A_1172 = arith.select %le3A_1157, %add3A_1170, %broadcast_in_dim3A_1171 : vector<16xi1>, vector<16xi32>
        %swap3A_1173 = arith.constant 80 : index
        %swap3A_1174 = tpu.vector_load %arg10[%swap3A_1173] {strides = array<i32>} : memref<128xi32, #tpu.memory_space<vmem>>, vector<16xi32>,
        tpu.vector_store %arg10[%swap3A_1173], %select_n3A_1172 {strides = array<i32>} : memref<128xi32, #tpu.memory_space<vmem>>, vector<16xi32>,
        %add3A_1175 = arith.constant 96 : i32
        %add3A_1176 = arith.addi %mul3A_964, %add3A_1175 : i32
        %get3A_1177 = arith.index_cast %add3A_1176 : i32 to index
        %get3A_1178 = tpu.vector_load %arg6[%get3A_1177] {strides = array<i32>} : memref<5632xi32, #tpu.memory_space<vmem>>, vector<16xi32>,
        %le3A_1179 = arith.constant 49 : i32
        %le3A_1180 = vector.broadcast %le3A_1179 : i32 to vector<16xi32>
        %le3A_1181 = arith.cmpi sle, %get3A_1178, %le3A_1180 : vector<16xi32>
        %sub3A_1182 = arith.constant 49 : i32
        %sub3A_1183 = vector.broadcast %sub3A_1182 : i32 to vector<16xi32>
        %sub3A_1184 = arith.subi %sub3A_1183, %get3A_1178 : vector<16xi32>
        %jit3A_1185 = arith.constant 0 : i32
        %broadcast_in_dim3A_1186 = vector.broadcast %jit3A_1185 : i32 to vector<16xi32>
        %select_n3A_1187 = arith.select %le3A_1181, %sub3A_1184, %broadcast_in_dim3A_1186 : vector<16xi1>, vector<16xi32>
        %swap3A_1188 = arith.constant 96 : index
        %swap3A_1189 = tpu.vector_load %arg9[%swap3A_1188] {strides = array<i32>} : memref<128xi32, #tpu.memory_space<vmem>>, vector<16xi32>,
        tpu.vector_store %arg9[%swap3A_1188], %select_n3A_1187 {strides = array<i32>} : memref<128xi32, #tpu.memory_space<vmem>>, vector<16xi32>,
        %add3A_1190 = arith.addi %mul3A_2, %mul3A_964 : i32
        %add3A_1191 = arith.constant 96 : i32
        %add3A_1192 = arith.addi %add3A_1190, %add3A_1191 : i32
        %add3A_1193 = vector.broadcast %add3A_1192 : i32 to vector<16xi32>
        %add3A_1194 = arith.addi %add3A_1193, %iota3A : vector<16xi32>
        %broadcast_in_dim3A_1195 = vector.broadcast %add3A_4 : i32 to vector<16xi32>
        %select_n3A_1196 = arith.select %le3A_1181, %add3A_1194, %broadcast_in_dim3A_1195 : vector<16xi1>, vector<16xi32>
        %swap3A_1197 = arith.constant 96 : index
        %swap3A_1198 = tpu.vector_load %arg10[%swap3A_1197] {strides = array<i32>} : memref<128xi32, #tpu.memory_space<vmem>>, vector<16xi32>,
        tpu.vector_store %arg10[%swap3A_1197], %select_n3A_1196 {strides = array<i32>} : memref<128xi32, #tpu.memory_space<vmem>>, vector<16xi32>,
        %add3A_1199 = arith.constant 112 : i32
        %add3A_1200 = arith.addi %mul3A_964, %add3A_1199 : i32
        %get3A_1201 = arith.index_cast %add3A_1200 : i32 to index
        %get3A_1202 = tpu.vector_load %arg6[%get3A_1201] {strides = array<i32>} : memref<5632xi32, #tpu.memory_space<vmem>>, vector<16xi32>,
        %le3A_1203 = arith.constant 49 : i32
        %le3A_1204 = vector.broadcast %le3A_1203 : i32 to vector<16xi32>
        %le3A_1205 = arith.cmpi sle, %get3A_1202, %le3A_1204 : vector<16xi32>
        %sub3A_1206 = arith.constant 49 : i32
        %sub3A_1207 = vector.broadcast %sub3A_1206 : i32 to vector<16xi32>
        %sub3A_1208 = arith.subi %sub3A_1207, %get3A_1202 : vector<16xi32>
        %jit3A_1209 = arith.constant 0 : i32
        %broadcast_in_dim3A_1210 = vector.broadcast %jit3A_1209 : i32 to vector<16xi32>
        %select_n3A_1211 = arith.select %le3A_1205, %sub3A_1208, %broadcast_in_dim3A_1210 : vector<16xi1>, vector<16xi32>
        %swap3A_1212 = arith.constant 112 : index
        %swap3A_1213 = tpu.vector_load %arg9[%swap3A_1212] {strides = array<i32>} : memref<128xi32, #tpu.memory_space<vmem>>, vector<16xi32>,
        tpu.vector_store %arg9[%swap3A_1212], %select_n3A_1211 {strides = array<i32>} : memref<128xi32, #tpu.memory_space<vmem>>, vector<16xi32>,
        %add3A_1214 = arith.addi %mul3A_2, %mul3A_964 : i32
        %add3A_1215 = arith.constant 112 : i32
        %add3A_1216 = arith.addi %add3A_1214, %add3A_1215 : i32
        %add3A_1217 = vector.broadcast %add3A_1216 : i32 to vector<16xi32>
        %add3A_1218 = arith.addi %add3A_1217, %iota3A : vector<16xi32>
        %broadcast_in_dim3A_1219 = vector.broadcast %add3A_4 : i32 to vector<16xi32>
        %select_n3A_1220 = arith.select %le3A_1205, %add3A_1218, %broadcast_in_dim3A_1219 : vector<16xi1>, vector<16xi32>
        %swap3A_1221 = arith.constant 112 : index
        %swap3A_1222 = tpu.vector_load %arg10[%swap3A_1221] {strides = array<i32>} : memref<128xi32, #tpu.memory_space<vmem>>, vector<16xi32>,
        tpu.vector_store %arg10[%swap3A_1221], %select_n3A_1220 {strides = array<i32>} : memref<128xi32, #tpu.memory_space<vmem>>, vector<16xi32>,
        "tpu.region"() ({
          %run_scoped3A = tpu.sem_alloc : memref<!tpu.dma_semaphore, #tpu.memory_space<semaphore_mem>>
          %dma_start3A_1223 = arith.constant 0 : i32
          %dma_start3A_1224 = arith.constant 0 : i32
          %dma_start3A_1225 = tpu.memref_slice %arg3[%dma_start3A_1223, %dma_start3A_1224] : memref<50x128xf32, #tpu.memory_space<hbm>> -> memref<50x128xf32, #tpu.memory_space<hbm>>
          tpu.enqueue_indirect_dma source(%dma_start3A_1225 : memref<50x128xf32, #tpu.memory_space<hbm>>) target(%arg11 : memref<128x128xf32, #tpu.memory_space<vmem>>) offsets(%arg9 : memref<128xi32, #tpu.memory_space<vmem>>) semaphore(%run_scoped3A : memref<!tpu.dma_semaphore, #tpu.memory_space<semaphore_mem>>)
          %dma_wait3A_1226 = arith.constant 0 : i32
          %dma_wait3A_1227 = arith.constant 0 : i32
          %dma_wait3A_1228 = tpu.memref_slice %arg3[%dma_wait3A_1226, %dma_wait3A_1227] : memref<50x128xf32, #tpu.memory_space<hbm>> -> memref<50x128xf32, #tpu.memory_space<hbm>>
          tpu.wait_indirect_dma semaphore(%run_scoped3A : memref<!tpu.dma_semaphore, #tpu.memory_space<semaphore_mem>>) src(%dma_wait3A_1228 : memref<50x128xf32, #tpu.memory_space<hbm>>) dst(%arg11 : memref<128x128xf32, #tpu.memory_space<vmem>>)
          tpu.yield
        }) : () -> ()
        "tpu.region"() ({
          %run_scoped3A = tpu.sem_alloc : memref<!tpu.dma_semaphore, #tpu.memory_space<semaphore_mem>>
          %dma_start3A_1223 = arith.constant 0 : i32
          %dma_start3A_1224 = arith.constant 0 : i32
          %dma_start3A_1225 = tpu.memref_slice %arg5[%dma_start3A_1223, %dma_start3A_1224] : memref<180256x128xf32, #tpu.memory_space<hbm>> -> memref<180256x128xf32, #tpu.memory_space<hbm>>
          tpu.enqueue_indirect_dma source(%arg11 : memref<128x128xf32, #tpu.memory_space<vmem>>) target(%dma_start3A_1225 : memref<180256x128xf32, #tpu.memory_space<hbm>>) offsets(%arg10 : memref<128xi32, #tpu.memory_space<vmem>>) semaphore(%run_scoped3A : memref<!tpu.dma_semaphore, #tpu.memory_space<semaphore_mem>>)
          %dma_wait3A_1226 = arith.constant 0 : i32
          %dma_wait3A_1227 = arith.constant 0 : i32
          %dma_wait3A_1228 = tpu.memref_slice %arg5[%dma_wait3A_1226, %dma_wait3A_1227] : memref<180256x128xf32, #tpu.memory_space<hbm>> -> memref<180256x128xf32, #tpu.memory_space<hbm>>
          tpu.wait_indirect_dma semaphore(%run_scoped3A : memref<!tpu.dma_semaphore, #tpu.memory_space<semaphore_mem>>) src(%arg11 : memref<128x128xf32, #tpu.memory_space<vmem>>) dst(%dma_wait3A_1228 : memref<180256x128xf32, #tpu.memory_space<hbm>>)
          tpu.yield
        }) : () -> ()
      } else {
      }
    }
    %scan3A_961 = arith.constant 44 : i32
    return
  }
}

module attributes {stable_mosaic.version = 14 : i64} {
  func.func @body(%arg0: i32, %arg1: memref<1x1x2048xi32, #tpu.memory_space<smem>>, %arg2: memref<100000x128xf32, #tpu.memory_space<any>>, %arg3: memref<50x128xf32, #tpu.memory_space<vmem>>, %arg4: memref<2048x128xf32, #tpu.memory_space<vmem>>, %arg5: memref<100000x128xf32, #tpu.memory_space<vmem>>, %arg6: memref<!tpu.dma_semaphore, #tpu.memory_space<semaphore_mem>>) attributes {dimension_semantics = [#tpu.dimension_semantics<arbitrary>], iteration_bounds = array<i64: 312>, scalar_prefetch = 0 : i64, scratch_operands = 2 : i64, tpu.core_type = #tpu.core_type<tc>, window_params = [{transform_indices = @transform_0, window_bounds = array<i64: 1, 1, 2048>}, {}, {pipeline_mode = #tpu.pipeline_mode<synchronous>, transform_indices = @transform_2, window_bounds = array<i64: 50, 128>}, {transform_indices = @transform_3, window_bounds = array<i64: 2048, 128>}]} {
    %eq3A = arith.constant 0 : i32
    %eq3A_0 = arith.cmpi eq, %arg0, %eq3A : i32
    %convert_element_type3A = arith.extui %eq3A_0 : i1 to i32
    %cond3A = arith.constant 0 : i32
    %cond3A_1 = arith.cmpi ne, %convert_element_type3A, %cond3A : i32
    scf.if %cond3A_1 {
      tpu.enqueue_dma source(%arg2 : memref<100000x128xf32, #tpu.memory_space<any>>) target(%arg5 : memref<100000x128xf32, #tpu.memory_space<vmem>>) target_semaphore(%arg6 : memref<!tpu.dma_semaphore, #tpu.memory_space<semaphore_mem>>)
      tpu.wait_dma2 semaphore(%arg6 : memref<!tpu.dma_semaphore, #tpu.memory_space<semaphore_mem>>) src(%arg2 : memref<100000x128xf32, #tpu.memory_space<any>>) dst(%arg5 : memref<100000x128xf32, #tpu.memory_space<vmem>>)
      %get3A = arith.constant 49 : index
      %get3A_6 = arith.constant 0 : index
      %get3A_7 = vector.load %arg3[%get3A, %get3A_6] : memref<50x128xf32, #tpu.memory_space<vmem>>, vector<1x128xf32>
      %swap3A = arith.constant 0 : index
      %swap3A_8 = arith.constant 0 : index
      %swap3A_9 = vector.load %arg5[%swap3A, %swap3A_8] : memref<100000x128xf32, #tpu.memory_space<vmem>>, vector<1x128xf32>
      tpu.vector_store %arg5[%swap3A, %swap3A_8], %get3A_7 {strides = array<i32>} : memref<100000x128xf32, #tpu.memory_space<vmem>>, vector<1x128xf32>,
      %get3A_10 = arith.constant 48 : index
      %get3A_11 = arith.constant 0 : index
      %get3A_12 = vector.load %arg3[%get3A_10, %get3A_11] : memref<50x128xf32, #tpu.memory_space<vmem>>, vector<1x128xf32>
      %swap3A_13 = arith.constant 1 : index
      %swap3A_14 = arith.constant 0 : index
      %swap3A_15 = vector.load %arg5[%swap3A_13, %swap3A_14] : memref<100000x128xf32, #tpu.memory_space<vmem>>, vector<1x128xf32>
      tpu.vector_store %arg5[%swap3A_13, %swap3A_14], %get3A_12 {strides = array<i32>} : memref<100000x128xf32, #tpu.memory_space<vmem>>, vector<1x128xf32>,
      %get3A_16 = arith.constant 47 : index
      %get3A_17 = arith.constant 0 : index
      %get3A_18 = vector.load %arg3[%get3A_16, %get3A_17] : memref<50x128xf32, #tpu.memory_space<vmem>>, vector<1x128xf32>
      %swap3A_19 = arith.constant 2 : index
      %swap3A_20 = arith.constant 0 : index
      %swap3A_21 = vector.load %arg5[%swap3A_19, %swap3A_20] : memref<100000x128xf32, #tpu.memory_space<vmem>>, vector<1x128xf32>
      tpu.vector_store %arg5[%swap3A_19, %swap3A_20], %get3A_18 {strides = array<i32>} : memref<100000x128xf32, #tpu.memory_space<vmem>>, vector<1x128xf32>,
      %get3A_22 = arith.constant 46 : index
      %get3A_23 = arith.constant 0 : index
      %get3A_24 = vector.load %arg3[%get3A_22, %get3A_23] : memref<50x128xf32, #tpu.memory_space<vmem>>, vector<1x128xf32>
      %swap3A_25 = arith.constant 3 : index
      %swap3A_26 = arith.constant 0 : index
      %swap3A_27 = vector.load %arg5[%swap3A_25, %swap3A_26] : memref<100000x128xf32, #tpu.memory_space<vmem>>, vector<1x128xf32>
      tpu.vector_store %arg5[%swap3A_25, %swap3A_26], %get3A_24 {strides = array<i32>} : memref<100000x128xf32, #tpu.memory_space<vmem>>, vector<1x128xf32>,
      %get3A_28 = arith.constant 45 : index
      %get3A_29 = arith.constant 0 : index
      %get3A_30 = vector.load %arg3[%get3A_28, %get3A_29] : memref<50x128xf32, #tpu.memory_space<vmem>>, vector<1x128xf32>
      %swap3A_31 = arith.constant 4 : index
      %swap3A_32 = arith.constant 0 : index
      %swap3A_33 = vector.load %arg5[%swap3A_31, %swap3A_32] : memref<100000x128xf32, #tpu.memory_space<vmem>>, vector<1x128xf32>
      tpu.vector_store %arg5[%swap3A_31, %swap3A_32], %get3A_30 {strides = array<i32>} : memref<100000x128xf32, #tpu.memory_space<vmem>>, vector<1x128xf32>,
      %get3A_34 = arith.constant 44 : index
      %get3A_35 = arith.constant 0 : index
      %get3A_36 = vector.load %arg3[%get3A_34, %get3A_35] : memref<50x128xf32, #tpu.memory_space<vmem>>, vector<1x128xf32>
      %swap3A_37 = arith.constant 5 : index
      %swap3A_38 = arith.constant 0 : index
      %swap3A_39 = vector.load %arg5[%swap3A_37, %swap3A_38] : memref<100000x128xf32, #tpu.memory_space<vmem>>, vector<1x128xf32>
      tpu.vector_store %arg5[%swap3A_37, %swap3A_38], %get3A_36 {strides = array<i32>} : memref<100000x128xf32, #tpu.memory_space<vmem>>, vector<1x128xf32>,
      %get3A_40 = arith.constant 43 : index
      %get3A_41 = arith.constant 0 : index
      %get3A_42 = vector.load %arg3[%get3A_40, %get3A_41] : memref<50x128xf32, #tpu.memory_space<vmem>>, vector<1x128xf32>
      %swap3A_43 = arith.constant 6 : index
      %swap3A_44 = arith.constant 0 : index
      %swap3A_45 = vector.load %arg5[%swap3A_43, %swap3A_44] : memref<100000x128xf32, #tpu.memory_space<vmem>>, vector<1x128xf32>
      tpu.vector_store %arg5[%swap3A_43, %swap3A_44], %get3A_42 {strides = array<i32>} : memref<100000x128xf32, #tpu.memory_space<vmem>>, vector<1x128xf32>,
      %get3A_46 = arith.constant 42 : index
      %get3A_47 = arith.constant 0 : index
      %get3A_48 = vector.load %arg3[%get3A_46, %get3A_47] : memref<50x128xf32, #tpu.memory_space<vmem>>, vector<1x128xf32>
      %swap3A_49 = arith.constant 7 : index
      %swap3A_50 = arith.constant 0 : index
      %swap3A_51 = vector.load %arg5[%swap3A_49, %swap3A_50] : memref<100000x128xf32, #tpu.memory_space<vmem>>, vector<1x128xf32>
      tpu.vector_store %arg5[%swap3A_49, %swap3A_50], %get3A_48 {strides = array<i32>} : memref<100000x128xf32, #tpu.memory_space<vmem>>, vector<1x128xf32>,
      %get3A_52 = arith.constant 41 : index
      %get3A_53 = arith.constant 0 : index
      %get3A_54 = vector.load %arg3[%get3A_52, %get3A_53] : memref<50x128xf32, #tpu.memory_space<vmem>>, vector<1x128xf32>
      %swap3A_55 = arith.constant 8 : index
      %swap3A_56 = arith.constant 0 : index
      %swap3A_57 = vector.load %arg5[%swap3A_55, %swap3A_56] : memref<100000x128xf32, #tpu.memory_space<vmem>>, vector<1x128xf32>
      tpu.vector_store %arg5[%swap3A_55, %swap3A_56], %get3A_54 {strides = array<i32>} : memref<100000x128xf32, #tpu.memory_space<vmem>>, vector<1x128xf32>,
      %get3A_58 = arith.constant 40 : index
      %get3A_59 = arith.constant 0 : index
      %get3A_60 = vector.load %arg3[%get3A_58, %get3A_59] : memref<50x128xf32, #tpu.memory_space<vmem>>, vector<1x128xf32>
      %swap3A_61 = arith.constant 9 : index
      %swap3A_62 = arith.constant 0 : index
      %swap3A_63 = vector.load %arg5[%swap3A_61, %swap3A_62] : memref<100000x128xf32, #tpu.memory_space<vmem>>, vector<1x128xf32>
      tpu.vector_store %arg5[%swap3A_61, %swap3A_62], %get3A_60 {strides = array<i32>} : memref<100000x128xf32, #tpu.memory_space<vmem>>, vector<1x128xf32>,
      %get3A_64 = arith.constant 39 : index
      %get3A_65 = arith.constant 0 : index
      %get3A_66 = vector.load %arg3[%get3A_64, %get3A_65] : memref<50x128xf32, #tpu.memory_space<vmem>>, vector<1x128xf32>
      %swap3A_67 = arith.constant 10 : index
      %swap3A_68 = arith.constant 0 : index
      %swap3A_69 = vector.load %arg5[%swap3A_67, %swap3A_68] : memref<100000x128xf32, #tpu.memory_space<vmem>>, vector<1x128xf32>
      tpu.vector_store %arg5[%swap3A_67, %swap3A_68], %get3A_66 {strides = array<i32>} : memref<100000x128xf32, #tpu.memory_space<vmem>>, vector<1x128xf32>,
      %get3A_70 = arith.constant 38 : index
      %get3A_71 = arith.constant 0 : index
      %get3A_72 = vector.load %arg3[%get3A_70, %get3A_71] : memref<50x128xf32, #tpu.memory_space<vmem>>, vector<1x128xf32>
      %swap3A_73 = arith.constant 11 : index
      %swap3A_74 = arith.constant 0 : index
      %swap3A_75 = vector.load %arg5[%swap3A_73, %swap3A_74] : memref<100000x128xf32, #tpu.memory_space<vmem>>, vector<1x128xf32>
      tpu.vector_store %arg5[%swap3A_73, %swap3A_74], %get3A_72 {strides = array<i32>} : memref<100000x128xf32, #tpu.memory_space<vmem>>, vector<1x128xf32>,
      %get3A_76 = arith.constant 37 : index
      %get3A_77 = arith.constant 0 : index
      %get3A_78 = vector.load %arg3[%get3A_76, %get3A_77] : memref<50x128xf32, #tpu.memory_space<vmem>>, vector<1x128xf32>
      %swap3A_79 = arith.constant 12 : index
      %swap3A_80 = arith.constant 0 : index
      %swap3A_81 = vector.load %arg5[%swap3A_79, %swap3A_80] : memref<100000x128xf32, #tpu.memory_space<vmem>>, vector<1x128xf32>
      tpu.vector_store %arg5[%swap3A_79, %swap3A_80], %get3A_78 {strides = array<i32>} : memref<100000x128xf32, #tpu.memory_space<vmem>>, vector<1x128xf32>,
      %get3A_82 = arith.constant 36 : index
      %get3A_83 = arith.constant 0 : index
      %get3A_84 = vector.load %arg3[%get3A_82, %get3A_83] : memref<50x128xf32, #tpu.memory_space<vmem>>, vector<1x128xf32>
      %swap3A_85 = arith.constant 13 : index
      %swap3A_86 = arith.constant 0 : index
      %swap3A_87 = vector.load %arg5[%swap3A_85, %swap3A_86] : memref<100000x128xf32, #tpu.memory_space<vmem>>, vector<1x128xf32>
      tpu.vector_store %arg5[%swap3A_85, %swap3A_86], %get3A_84 {strides = array<i32>} : memref<100000x128xf32, #tpu.memory_space<vmem>>, vector<1x128xf32>,
      %get3A_88 = arith.constant 35 : index
      %get3A_89 = arith.constant 0 : index
      %get3A_90 = vector.load %arg3[%get3A_88, %get3A_89] : memref<50x128xf32, #tpu.memory_space<vmem>>, vector<1x128xf32>
      %swap3A_91 = arith.constant 14 : index
      %swap3A_92 = arith.constant 0 : index
      %swap3A_93 = vector.load %arg5[%swap3A_91, %swap3A_92] : memref<100000x128xf32, #tpu.memory_space<vmem>>, vector<1x128xf32>
      tpu.vector_store %arg5[%swap3A_91, %swap3A_92], %get3A_90 {strides = array<i32>} : memref<100000x128xf32, #tpu.memory_space<vmem>>, vector<1x128xf32>,
      %get3A_94 = arith.constant 34 : index
      %get3A_95 = arith.constant 0 : index
      %get3A_96 = vector.load %arg3[%get3A_94, %get3A_95] : memref<50x128xf32, #tpu.memory_space<vmem>>, vector<1x128xf32>
      %swap3A_97 = arith.constant 15 : index
      %swap3A_98 = arith.constant 0 : index
      %swap3A_99 = vector.load %arg5[%swap3A_97, %swap3A_98] : memref<100000x128xf32, #tpu.memory_space<vmem>>, vector<1x128xf32>
      tpu.vector_store %arg5[%swap3A_97, %swap3A_98], %get3A_96 {strides = array<i32>} : memref<100000x128xf32, #tpu.memory_space<vmem>>, vector<1x128xf32>,
      %get3A_100 = arith.constant 33 : index
      %get3A_101 = arith.constant 0 : index
      %get3A_102 = vector.load %arg3[%get3A_100, %get3A_101] : memref<50x128xf32, #tpu.memory_space<vmem>>, vector<1x128xf32>
      %swap3A_103 = arith.constant 16 : index
      %swap3A_104 = arith.constant 0 : index
      %swap3A_105 = vector.load %arg5[%swap3A_103, %swap3A_104] : memref<100000x128xf32, #tpu.memory_space<vmem>>, vector<1x128xf32>
      tpu.vector_store %arg5[%swap3A_103, %swap3A_104], %get3A_102 {strides = array<i32>} : memref<100000x128xf32, #tpu.memory_space<vmem>>, vector<1x128xf32>,
      %get3A_106 = arith.constant 32 : index
      %get3A_107 = arith.constant 0 : index
      %get3A_108 = vector.load %arg3[%get3A_106, %get3A_107] : memref<50x128xf32, #tpu.memory_space<vmem>>, vector<1x128xf32>
      %swap3A_109 = arith.constant 17 : index
      %swap3A_110 = arith.constant 0 : index
      %swap3A_111 = vector.load %arg5[%swap3A_109, %swap3A_110] : memref<100000x128xf32, #tpu.memory_space<vmem>>, vector<1x128xf32>
      tpu.vector_store %arg5[%swap3A_109, %swap3A_110], %get3A_108 {strides = array<i32>} : memref<100000x128xf32, #tpu.memory_space<vmem>>, vector<1x128xf32>,
      %get3A_112 = arith.constant 31 : index
      %get3A_113 = arith.constant 0 : index
      %get3A_114 = vector.load %arg3[%get3A_112, %get3A_113] : memref<50x128xf32, #tpu.memory_space<vmem>>, vector<1x128xf32>
      %swap3A_115 = arith.constant 18 : index
      %swap3A_116 = arith.constant 0 : index
      %swap3A_117 = vector.load %arg5[%swap3A_115, %swap3A_116] : memref<100000x128xf32, #tpu.memory_space<vmem>>, vector<1x128xf32>
      tpu.vector_store %arg5[%swap3A_115, %swap3A_116], %get3A_114 {strides = array<i32>} : memref<100000x128xf32, #tpu.memory_space<vmem>>, vector<1x128xf32>,
      %get3A_118 = arith.constant 30 : index
      %get3A_119 = arith.constant 0 : index
      %get3A_120 = vector.load %arg3[%get3A_118, %get3A_119] : memref<50x128xf32, #tpu.memory_space<vmem>>, vector<1x128xf32>
      %swap3A_121 = arith.constant 19 : index
      %swap3A_122 = arith.constant 0 : index
      %swap3A_123 = vector.load %arg5[%swap3A_121, %swap3A_122] : memref<100000x128xf32, #tpu.memory_space<vmem>>, vector<1x128xf32>
      tpu.vector_store %arg5[%swap3A_121, %swap3A_122], %get3A_120 {strides = array<i32>} : memref<100000x128xf32, #tpu.memory_space<vmem>>, vector<1x128xf32>,
      %get3A_124 = arith.constant 29 : index
      %get3A_125 = arith.constant 0 : index
      %get3A_126 = vector.load %arg3[%get3A_124, %get3A_125] : memref<50x128xf32, #tpu.memory_space<vmem>>, vector<1x128xf32>
      %swap3A_127 = arith.constant 20 : index
      %swap3A_128 = arith.constant 0 : index
      %swap3A_129 = vector.load %arg5[%swap3A_127, %swap3A_128] : memref<100000x128xf32, #tpu.memory_space<vmem>>, vector<1x128xf32>
      tpu.vector_store %arg5[%swap3A_127, %swap3A_128], %get3A_126 {strides = array<i32>} : memref<100000x128xf32, #tpu.memory_space<vmem>>, vector<1x128xf32>,
      %get3A_130 = arith.constant 28 : index
      %get3A_131 = arith.constant 0 : index
      %get3A_132 = vector.load %arg3[%get3A_130, %get3A_131] : memref<50x128xf32, #tpu.memory_space<vmem>>, vector<1x128xf32>
      %swap3A_133 = arith.constant 21 : index
      %swap3A_134 = arith.constant 0 : index
      %swap3A_135 = vector.load %arg5[%swap3A_133, %swap3A_134] : memref<100000x128xf32, #tpu.memory_space<vmem>>, vector<1x128xf32>
      tpu.vector_store %arg5[%swap3A_133, %swap3A_134], %get3A_132 {strides = array<i32>} : memref<100000x128xf32, #tpu.memory_space<vmem>>, vector<1x128xf32>,
      %get3A_136 = arith.constant 27 : index
      %get3A_137 = arith.constant 0 : index
      %get3A_138 = vector.load %arg3[%get3A_136, %get3A_137] : memref<50x128xf32, #tpu.memory_space<vmem>>, vector<1x128xf32>
      %swap3A_139 = arith.constant 22 : index
      %swap3A_140 = arith.constant 0 : index
      %swap3A_141 = vector.load %arg5[%swap3A_139, %swap3A_140] : memref<100000x128xf32, #tpu.memory_space<vmem>>, vector<1x128xf32>
      tpu.vector_store %arg5[%swap3A_139, %swap3A_140], %get3A_138 {strides = array<i32>} : memref<100000x128xf32, #tpu.memory_space<vmem>>, vector<1x128xf32>,
      %get3A_142 = arith.constant 26 : index
      %get3A_143 = arith.constant 0 : index
      %get3A_144 = vector.load %arg3[%get3A_142, %get3A_143] : memref<50x128xf32, #tpu.memory_space<vmem>>, vector<1x128xf32>
      %swap3A_145 = arith.constant 23 : index
      %swap3A_146 = arith.constant 0 : index
      %swap3A_147 = vector.load %arg5[%swap3A_145, %swap3A_146] : memref<100000x128xf32, #tpu.memory_space<vmem>>, vector<1x128xf32>
      tpu.vector_store %arg5[%swap3A_145, %swap3A_146], %get3A_144 {strides = array<i32>} : memref<100000x128xf32, #tpu.memory_space<vmem>>, vector<1x128xf32>,
      %get3A_148 = arith.constant 25 : index
      %get3A_149 = arith.constant 0 : index
      %get3A_150 = vector.load %arg3[%get3A_148, %get3A_149] : memref<50x128xf32, #tpu.memory_space<vmem>>, vector<1x128xf32>
      %swap3A_151 = arith.constant 24 : index
      %swap3A_152 = arith.constant 0 : index
      %swap3A_153 = vector.load %arg5[%swap3A_151, %swap3A_152] : memref<100000x128xf32, #tpu.memory_space<vmem>>, vector<1x128xf32>
      tpu.vector_store %arg5[%swap3A_151, %swap3A_152], %get3A_150 {strides = array<i32>} : memref<100000x128xf32, #tpu.memory_space<vmem>>, vector<1x128xf32>,
      %get3A_154 = arith.constant 24 : index
      %get3A_155 = arith.constant 0 : index
      %get3A_156 = vector.load %arg3[%get3A_154, %get3A_155] : memref<50x128xf32, #tpu.memory_space<vmem>>, vector<1x128xf32>
      %swap3A_157 = arith.constant 25 : index
      %swap3A_158 = arith.constant 0 : index
      %swap3A_159 = vector.load %arg5[%swap3A_157, %swap3A_158] : memref<100000x128xf32, #tpu.memory_space<vmem>>, vector<1x128xf32>
      tpu.vector_store %arg5[%swap3A_157, %swap3A_158], %get3A_156 {strides = array<i32>} : memref<100000x128xf32, #tpu.memory_space<vmem>>, vector<1x128xf32>,
      %get3A_160 = arith.constant 23 : index
      %get3A_161 = arith.constant 0 : index
      %get3A_162 = vector.load %arg3[%get3A_160, %get3A_161] : memref<50x128xf32, #tpu.memory_space<vmem>>, vector<1x128xf32>
      %swap3A_163 = arith.constant 26 : index
      %swap3A_164 = arith.constant 0 : index
      %swap3A_165 = vector.load %arg5[%swap3A_163, %swap3A_164] : memref<100000x128xf32, #tpu.memory_space<vmem>>, vector<1x128xf32>
      tpu.vector_store %arg5[%swap3A_163, %swap3A_164], %get3A_162 {strides = array<i32>} : memref<100000x128xf32, #tpu.memory_space<vmem>>, vector<1x128xf32>,
      %get3A_166 = arith.constant 22 : index
      %get3A_167 = arith.constant 0 : index
      %get3A_168 = vector.load %arg3[%get3A_166, %get3A_167] : memref<50x128xf32, #tpu.memory_space<vmem>>, vector<1x128xf32>
      %swap3A_169 = arith.constant 27 : index
      %swap3A_170 = arith.constant 0 : index
      %swap3A_171 = vector.load %arg5[%swap3A_169, %swap3A_170] : memref<100000x128xf32, #tpu.memory_space<vmem>>, vector<1x128xf32>
      tpu.vector_store %arg5[%swap3A_169, %swap3A_170], %get3A_168 {strides = array<i32>} : memref<100000x128xf32, #tpu.memory_space<vmem>>, vector<1x128xf32>,
      %get3A_172 = arith.constant 21 : index
      %get3A_173 = arith.constant 0 : index
      %get3A_174 = vector.load %arg3[%get3A_172, %get3A_173] : memref<50x128xf32, #tpu.memory_space<vmem>>, vector<1x128xf32>
      %swap3A_175 = arith.constant 28 : index
      %swap3A_176 = arith.constant 0 : index
      %swap3A_177 = vector.load %arg5[%swap3A_175, %swap3A_176] : memref<100000x128xf32, #tpu.memory_space<vmem>>, vector<1x128xf32>
      tpu.vector_store %arg5[%swap3A_175, %swap3A_176], %get3A_174 {strides = array<i32>} : memref<100000x128xf32, #tpu.memory_space<vmem>>, vector<1x128xf32>,
      %get3A_178 = arith.constant 20 : index
      %get3A_179 = arith.constant 0 : index
      %get3A_180 = vector.load %arg3[%get3A_178, %get3A_179] : memref<50x128xf32, #tpu.memory_space<vmem>>, vector<1x128xf32>
      %swap3A_181 = arith.constant 29 : index
      %swap3A_182 = arith.constant 0 : index
      %swap3A_183 = vector.load %arg5[%swap3A_181, %swap3A_182] : memref<100000x128xf32, #tpu.memory_space<vmem>>, vector<1x128xf32>
      tpu.vector_store %arg5[%swap3A_181, %swap3A_182], %get3A_180 {strides = array<i32>} : memref<100000x128xf32, #tpu.memory_space<vmem>>, vector<1x128xf32>,
      %get3A_184 = arith.constant 19 : index
      %get3A_185 = arith.constant 0 : index
      %get3A_186 = vector.load %arg3[%get3A_184, %get3A_185] : memref<50x128xf32, #tpu.memory_space<vmem>>, vector<1x128xf32>
      %swap3A_187 = arith.constant 30 : index
      %swap3A_188 = arith.constant 0 : index
      %swap3A_189 = vector.load %arg5[%swap3A_187, %swap3A_188] : memref<100000x128xf32, #tpu.memory_space<vmem>>, vector<1x128xf32>
      tpu.vector_store %arg5[%swap3A_187, %swap3A_188], %get3A_186 {strides = array<i32>} : memref<100000x128xf32, #tpu.memory_space<vmem>>, vector<1x128xf32>,
      %get3A_190 = arith.constant 18 : index
      %get3A_191 = arith.constant 0 : index
      %get3A_192 = vector.load %arg3[%get3A_190, %get3A_191] : memref<50x128xf32, #tpu.memory_space<vmem>>, vector<1x128xf32>
      %swap3A_193 = arith.constant 31 : index
      %swap3A_194 = arith.constant 0 : index
      %swap3A_195 = vector.load %arg5[%swap3A_193, %swap3A_194] : memref<100000x128xf32, #tpu.memory_space<vmem>>, vector<1x128xf32>
      tpu.vector_store %arg5[%swap3A_193, %swap3A_194], %get3A_192 {strides = array<i32>} : memref<100000x128xf32, #tpu.memory_space<vmem>>, vector<1x128xf32>,
      %get3A_196 = arith.constant 17 : index
      %get3A_197 = arith.constant 0 : index
      %get3A_198 = vector.load %arg3[%get3A_196, %get3A_197] : memref<50x128xf32, #tpu.memory_space<vmem>>, vector<1x128xf32>
      %swap3A_199 = arith.constant 32 : index
      %swap3A_200 = arith.constant 0 : index
      %swap3A_201 = vector.load %arg5[%swap3A_199, %swap3A_200] : memref<100000x128xf32, #tpu.memory_space<vmem>>, vector<1x128xf32>
      tpu.vector_store %arg5[%swap3A_199, %swap3A_200], %get3A_198 {strides = array<i32>} : memref<100000x128xf32, #tpu.memory_space<vmem>>, vector<1x128xf32>,
      %get3A_202 = arith.constant 16 : index
      %get3A_203 = arith.constant 0 : index
      %get3A_204 = vector.load %arg3[%get3A_202, %get3A_203] : memref<50x128xf32, #tpu.memory_space<vmem>>, vector<1x128xf32>
      %swap3A_205 = arith.constant 33 : index
      %swap3A_206 = arith.constant 0 : index
      %swap3A_207 = vector.load %arg5[%swap3A_205, %swap3A_206] : memref<100000x128xf32, #tpu.memory_space<vmem>>, vector<1x128xf32>
      tpu.vector_store %arg5[%swap3A_205, %swap3A_206], %get3A_204 {strides = array<i32>} : memref<100000x128xf32, #tpu.memory_space<vmem>>, vector<1x128xf32>,
      %get3A_208 = arith.constant 15 : index
      %get3A_209 = arith.constant 0 : index
      %get3A_210 = vector.load %arg3[%get3A_208, %get3A_209] : memref<50x128xf32, #tpu.memory_space<vmem>>, vector<1x128xf32>
      %swap3A_211 = arith.constant 34 : index
      %swap3A_212 = arith.constant 0 : index
      %swap3A_213 = vector.load %arg5[%swap3A_211, %swap3A_212] : memref<100000x128xf32, #tpu.memory_space<vmem>>, vector<1x128xf32>
      tpu.vector_store %arg5[%swap3A_211, %swap3A_212], %get3A_210 {strides = array<i32>} : memref<100000x128xf32, #tpu.memory_space<vmem>>, vector<1x128xf32>,
      %get3A_214 = arith.constant 14 : index
      %get3A_215 = arith.constant 0 : index
      %get3A_216 = vector.load %arg3[%get3A_214, %get3A_215] : memref<50x128xf32, #tpu.memory_space<vmem>>, vector<1x128xf32>
      %swap3A_217 = arith.constant 35 : index
      %swap3A_218 = arith.constant 0 : index
      %swap3A_219 = vector.load %arg5[%swap3A_217, %swap3A_218] : memref<100000x128xf32, #tpu.memory_space<vmem>>, vector<1x128xf32>
      tpu.vector_store %arg5[%swap3A_217, %swap3A_218], %get3A_216 {strides = array<i32>} : memref<100000x128xf32, #tpu.memory_space<vmem>>, vector<1x128xf32>,
      %get3A_220 = arith.constant 13 : index
      %get3A_221 = arith.constant 0 : index
      %get3A_222 = vector.load %arg3[%get3A_220, %get3A_221] : memref<50x128xf32, #tpu.memory_space<vmem>>, vector<1x128xf32>
      %swap3A_223 = arith.constant 36 : index
      %swap3A_224 = arith.constant 0 : index
      %swap3A_225 = vector.load %arg5[%swap3A_223, %swap3A_224] : memref<100000x128xf32, #tpu.memory_space<vmem>>, vector<1x128xf32>
      tpu.vector_store %arg5[%swap3A_223, %swap3A_224], %get3A_222 {strides = array<i32>} : memref<100000x128xf32, #tpu.memory_space<vmem>>, vector<1x128xf32>,
      %get3A_226 = arith.constant 12 : index
      %get3A_227 = arith.constant 0 : index
      %get3A_228 = vector.load %arg3[%get3A_226, %get3A_227] : memref<50x128xf32, #tpu.memory_space<vmem>>, vector<1x128xf32>
      %swap3A_229 = arith.constant 37 : index
      %swap3A_230 = arith.constant 0 : index
      %swap3A_231 = vector.load %arg5[%swap3A_229, %swap3A_230] : memref<100000x128xf32, #tpu.memory_space<vmem>>, vector<1x128xf32>
      tpu.vector_store %arg5[%swap3A_229, %swap3A_230], %get3A_228 {strides = array<i32>} : memref<100000x128xf32, #tpu.memory_space<vmem>>, vector<1x128xf32>,
      %get3A_232 = arith.constant 11 : index
      %get3A_233 = arith.constant 0 : index
      %get3A_234 = vector.load %arg3[%get3A_232, %get3A_233] : memref<50x128xf32, #tpu.memory_space<vmem>>, vector<1x128xf32>
      %swap3A_235 = arith.constant 38 : index
      %swap3A_236 = arith.constant 0 : index
      %swap3A_237 = vector.load %arg5[%swap3A_235, %swap3A_236] : memref<100000x128xf32, #tpu.memory_space<vmem>>, vector<1x128xf32>
      tpu.vector_store %arg5[%swap3A_235, %swap3A_236], %get3A_234 {strides = array<i32>} : memref<100000x128xf32, #tpu.memory_space<vmem>>, vector<1x128xf32>,
      %get3A_238 = arith.constant 10 : index
      %get3A_239 = arith.constant 0 : index
      %get3A_240 = vector.load %arg3[%get3A_238, %get3A_239] : memref<50x128xf32, #tpu.memory_space<vmem>>, vector<1x128xf32>
      %swap3A_241 = arith.constant 39 : index
      %swap3A_242 = arith.constant 0 : index
      %swap3A_243 = vector.load %arg5[%swap3A_241, %swap3A_242] : memref<100000x128xf32, #tpu.memory_space<vmem>>, vector<1x128xf32>
      tpu.vector_store %arg5[%swap3A_241, %swap3A_242], %get3A_240 {strides = array<i32>} : memref<100000x128xf32, #tpu.memory_space<vmem>>, vector<1x128xf32>,
      %get3A_244 = arith.constant 9 : index
      %get3A_245 = arith.constant 0 : index
      %get3A_246 = vector.load %arg3[%get3A_244, %get3A_245] : memref<50x128xf32, #tpu.memory_space<vmem>>, vector<1x128xf32>
      %swap3A_247 = arith.constant 40 : index
      %swap3A_248 = arith.constant 0 : index
      %swap3A_249 = vector.load %arg5[%swap3A_247, %swap3A_248] : memref<100000x128xf32, #tpu.memory_space<vmem>>, vector<1x128xf32>
      tpu.vector_store %arg5[%swap3A_247, %swap3A_248], %get3A_246 {strides = array<i32>} : memref<100000x128xf32, #tpu.memory_space<vmem>>, vector<1x128xf32>,
      %get3A_250 = arith.constant 8 : index
      %get3A_251 = arith.constant 0 : index
      %get3A_252 = vector.load %arg3[%get3A_250, %get3A_251] : memref<50x128xf32, #tpu.memory_space<vmem>>, vector<1x128xf32>
      %swap3A_253 = arith.constant 41 : index
      %swap3A_254 = arith.constant 0 : index
      %swap3A_255 = vector.load %arg5[%swap3A_253, %swap3A_254] : memref<100000x128xf32, #tpu.memory_space<vmem>>, vector<1x128xf32>
      tpu.vector_store %arg5[%swap3A_253, %swap3A_254], %get3A_252 {strides = array<i32>} : memref<100000x128xf32, #tpu.memory_space<vmem>>, vector<1x128xf32>,
      %get3A_256 = arith.constant 7 : index
      %get3A_257 = arith.constant 0 : index
      %get3A_258 = vector.load %arg3[%get3A_256, %get3A_257] : memref<50x128xf32, #tpu.memory_space<vmem>>, vector<1x128xf32>
      %swap3A_259 = arith.constant 42 : index
      %swap3A_260 = arith.constant 0 : index
      %swap3A_261 = vector.load %arg5[%swap3A_259, %swap3A_260] : memref<100000x128xf32, #tpu.memory_space<vmem>>, vector<1x128xf32>
      tpu.vector_store %arg5[%swap3A_259, %swap3A_260], %get3A_258 {strides = array<i32>} : memref<100000x128xf32, #tpu.memory_space<vmem>>, vector<1x128xf32>,
      %get3A_262 = arith.constant 6 : index
      %get3A_263 = arith.constant 0 : index
      %get3A_264 = vector.load %arg3[%get3A_262, %get3A_263] : memref<50x128xf32, #tpu.memory_space<vmem>>, vector<1x128xf32>
      %swap3A_265 = arith.constant 43 : index
      %swap3A_266 = arith.constant 0 : index
      %swap3A_267 = vector.load %arg5[%swap3A_265, %swap3A_266] : memref<100000x128xf32, #tpu.memory_space<vmem>>, vector<1x128xf32>
      tpu.vector_store %arg5[%swap3A_265, %swap3A_266], %get3A_264 {strides = array<i32>} : memref<100000x128xf32, #tpu.memory_space<vmem>>, vector<1x128xf32>,
      %get3A_268 = arith.constant 5 : index
      %get3A_269 = arith.constant 0 : index
      %get3A_270 = vector.load %arg3[%get3A_268, %get3A_269] : memref<50x128xf32, #tpu.memory_space<vmem>>, vector<1x128xf32>
      %swap3A_271 = arith.constant 44 : index
      %swap3A_272 = arith.constant 0 : index
      %swap3A_273 = vector.load %arg5[%swap3A_271, %swap3A_272] : memref<100000x128xf32, #tpu.memory_space<vmem>>, vector<1x128xf32>
      tpu.vector_store %arg5[%swap3A_271, %swap3A_272], %get3A_270 {strides = array<i32>} : memref<100000x128xf32, #tpu.memory_space<vmem>>, vector<1x128xf32>,
      %get3A_274 = arith.constant 4 : index
      %get3A_275 = arith.constant 0 : index
      %get3A_276 = vector.load %arg3[%get3A_274, %get3A_275] : memref<50x128xf32, #tpu.memory_space<vmem>>, vector<1x128xf32>
      %swap3A_277 = arith.constant 45 : index
      %swap3A_278 = arith.constant 0 : index
      %swap3A_279 = vector.load %arg5[%swap3A_277, %swap3A_278] : memref<100000x128xf32, #tpu.memory_space<vmem>>, vector<1x128xf32>
      tpu.vector_store %arg5[%swap3A_277, %swap3A_278], %get3A_276 {strides = array<i32>} : memref<100000x128xf32, #tpu.memory_space<vmem>>, vector<1x128xf32>,
      %get3A_280 = arith.constant 3 : index
      %get3A_281 = arith.constant 0 : index
      %get3A_282 = vector.load %arg3[%get3A_280, %get3A_281] : memref<50x128xf32, #tpu.memory_space<vmem>>, vector<1x128xf32>
      %swap3A_283 = arith.constant 46 : index
      %swap3A_284 = arith.constant 0 : index
      %swap3A_285 = vector.load %arg5[%swap3A_283, %swap3A_284] : memref<100000x128xf32, #tpu.memory_space<vmem>>, vector<1x128xf32>
      tpu.vector_store %arg5[%swap3A_283, %swap3A_284], %get3A_282 {strides = array<i32>} : memref<100000x128xf32, #tpu.memory_space<vmem>>, vector<1x128xf32>,
      %get3A_286 = arith.constant 2 : index
      %get3A_287 = arith.constant 0 : index
      %get3A_288 = vector.load %arg3[%get3A_286, %get3A_287] : memref<50x128xf32, #tpu.memory_space<vmem>>, vector<1x128xf32>
      %swap3A_289 = arith.constant 47 : index
      %swap3A_290 = arith.constant 0 : index
      %swap3A_291 = vector.load %arg5[%swap3A_289, %swap3A_290] : memref<100000x128xf32, #tpu.memory_space<vmem>>, vector<1x128xf32>
      tpu.vector_store %arg5[%swap3A_289, %swap3A_290], %get3A_288 {strides = array<i32>} : memref<100000x128xf32, #tpu.memory_space<vmem>>, vector<1x128xf32>,
      %get3A_292 = arith.constant 1 : index
      %get3A_293 = arith.constant 0 : index
      %get3A_294 = vector.load %arg3[%get3A_292, %get3A_293] : memref<50x128xf32, #tpu.memory_space<vmem>>, vector<1x128xf32>
      %swap3A_295 = arith.constant 48 : index
      %swap3A_296 = arith.constant 0 : index
      %swap3A_297 = vector.load %arg5[%swap3A_295, %swap3A_296] : memref<100000x128xf32, #tpu.memory_space<vmem>>, vector<1x128xf32>
      tpu.vector_store %arg5[%swap3A_295, %swap3A_296], %get3A_294 {strides = array<i32>} : memref<100000x128xf32, #tpu.memory_space<vmem>>, vector<1x128xf32>,
      %get3A_298 = arith.constant 0 : index
      %get3A_299 = arith.constant 0 : index
      %get3A_300 = vector.load %arg3[%get3A_298, %get3A_299] : memref<50x128xf32, #tpu.memory_space<vmem>>, vector<1x128xf32>
      %swap3A_301 = arith.constant 49 : index
      %swap3A_302 = arith.constant 0 : index
      %swap3A_303 = vector.load %arg5[%swap3A_301, %swap3A_302] : memref<100000x128xf32, #tpu.memory_space<vmem>>, vector<1x128xf32>
      tpu.vector_store %arg5[%swap3A_301, %swap3A_302], %get3A_300 {strides = array<i32>} : memref<100000x128xf32, #tpu.memory_space<vmem>>, vector<1x128xf32>,
    } else {
    }
    %scan3A = arith.constant 0 : i32
    %scan3A_2 = arith.constant 2048 : i32
    %scan3A_3 = arith.addi %scan3A, %scan3A_2 : i32
    %scan3A_4 = arith.constant 32 : i32
    scf.for %scan3A_6 = %scan3A to %scan3A_3 step %scan3A_4  : i32 {
      %get3A = arith.constant 0 : index
      %get3A_7 = arith.constant 0 : index
      %get3A_8 = arith.index_cast %scan3A_6 : i32 to index
      %get3A_9 = memref.load %arg1[%get3A, %get3A_7, %get3A_8] : memref<1x1x2048xi32, #tpu.memory_space<smem>>
      %get3A_10 = arith.index_cast %get3A_9 : i32 to index
      %get3A_11 = arith.constant 0 : index
      %get3A_12 = vector.load %arg5[%get3A_10, %get3A_11] : memref<100000x128xf32, #tpu.memory_space<vmem>>, vector<1x128xf32>
      %swap3A = arith.index_cast %scan3A_6 : i32 to index
      %swap3A_13 = arith.constant 0 : index
      %swap3A_14 = vector.load %arg4[%swap3A, %swap3A_13] : memref<2048x128xf32, #tpu.memory_space<vmem>>, vector<1x128xf32>
      tpu.vector_store %arg4[%swap3A, %swap3A_13], %get3A_12 {strides = array<i32>} : memref<2048x128xf32, #tpu.memory_space<vmem>>, vector<1x128xf32>,
      %scan3A_15 = arith.constant 1 : i32
      %scan3A_16 = arith.addi %scan3A_6, %scan3A_15 : i32
      %get3A_17 = arith.constant 0 : index
      %get3A_18 = arith.constant 0 : index
      %get3A_19 = arith.index_cast %scan3A_16 : i32 to index
      %get3A_20 = memref.load %arg1[%get3A_17, %get3A_18, %get3A_19] : memref<1x1x2048xi32, #tpu.memory_space<smem>>
      %get3A_21 = arith.index_cast %get3A_20 : i32 to index
      %get3A_22 = arith.constant 0 : index
      %get3A_23 = vector.load %arg5[%get3A_21, %get3A_22] : memref<100000x128xf32, #tpu.memory_space<vmem>>, vector<1x128xf32>
      %swap3A_24 = arith.index_cast %scan3A_16 : i32 to index
      %swap3A_25 = arith.constant 0 : index
      %swap3A_26 = vector.load %arg4[%swap3A_24, %swap3A_25] : memref<2048x128xf32, #tpu.memory_space<vmem>>, vector<1x128xf32>
      tpu.vector_store %arg4[%swap3A_24, %swap3A_25], %get3A_23 {strides = array<i32>} : memref<2048x128xf32, #tpu.memory_space<vmem>>, vector<1x128xf32>,
      %scan3A_27 = arith.constant 2 : i32
      %scan3A_28 = arith.addi %scan3A_6, %scan3A_27 : i32
      %get3A_29 = arith.constant 0 : index
      %get3A_30 = arith.constant 0 : index
      %get3A_31 = arith.index_cast %scan3A_28 : i32 to index
      %get3A_32 = memref.load %arg1[%get3A_29, %get3A_30, %get3A_31] : memref<1x1x2048xi32, #tpu.memory_space<smem>>
      %get3A_33 = arith.index_cast %get3A_32 : i32 to index
      %get3A_34 = arith.constant 0 : index
      %get3A_35 = vector.load %arg5[%get3A_33, %get3A_34] : memref<100000x128xf32, #tpu.memory_space<vmem>>, vector<1x128xf32>
      %swap3A_36 = arith.index_cast %scan3A_28 : i32 to index
      %swap3A_37 = arith.constant 0 : index
      %swap3A_38 = vector.load %arg4[%swap3A_36, %swap3A_37] : memref<2048x128xf32, #tpu.memory_space<vmem>>, vector<1x128xf32>
      tpu.vector_store %arg4[%swap3A_36, %swap3A_37], %get3A_35 {strides = array<i32>} : memref<2048x128xf32, #tpu.memory_space<vmem>>, vector<1x128xf32>,
      %scan3A_39 = arith.constant 3 : i32
      %scan3A_40 = arith.addi %scan3A_6, %scan3A_39 : i32
      %get3A_41 = arith.constant 0 : index
      %get3A_42 = arith.constant 0 : index
      %get3A_43 = arith.index_cast %scan3A_40 : i32 to index
      %get3A_44 = memref.load %arg1[%get3A_41, %get3A_42, %get3A_43] : memref<1x1x2048xi32, #tpu.memory_space<smem>>
      %get3A_45 = arith.index_cast %get3A_44 : i32 to index
      %get3A_46 = arith.constant 0 : index
      %get3A_47 = vector.load %arg5[%get3A_45, %get3A_46] : memref<100000x128xf32, #tpu.memory_space<vmem>>, vector<1x128xf32>
      %swap3A_48 = arith.index_cast %scan3A_40 : i32 to index
      %swap3A_49 = arith.constant 0 : index
      %swap3A_50 = vector.load %arg4[%swap3A_48, %swap3A_49] : memref<2048x128xf32, #tpu.memory_space<vmem>>, vector<1x128xf32>
      tpu.vector_store %arg4[%swap3A_48, %swap3A_49], %get3A_47 {strides = array<i32>} : memref<2048x128xf32, #tpu.memory_space<vmem>>, vector<1x128xf32>,
      %scan3A_51 = arith.constant 4 : i32
      %scan3A_52 = arith.addi %scan3A_6, %scan3A_51 : i32
      %get3A_53 = arith.constant 0 : index
      %get3A_54 = arith.constant 0 : index
      %get3A_55 = arith.index_cast %scan3A_52 : i32 to index
      %get3A_56 = memref.load %arg1[%get3A_53, %get3A_54, %get3A_55] : memref<1x1x2048xi32, #tpu.memory_space<smem>>
      %get3A_57 = arith.index_cast %get3A_56 : i32 to index
      %get3A_58 = arith.constant 0 : index
      %get3A_59 = vector.load %arg5[%get3A_57, %get3A_58] : memref<100000x128xf32, #tpu.memory_space<vmem>>, vector<1x128xf32>
      %swap3A_60 = arith.index_cast %scan3A_52 : i32 to index
      %swap3A_61 = arith.constant 0 : index
      %swap3A_62 = vector.load %arg4[%swap3A_60, %swap3A_61] : memref<2048x128xf32, #tpu.memory_space<vmem>>, vector<1x128xf32>
      tpu.vector_store %arg4[%swap3A_60, %swap3A_61], %get3A_59 {strides = array<i32>} : memref<2048x128xf32, #tpu.memory_space<vmem>>, vector<1x128xf32>,
      %scan3A_63 = arith.constant 5 : i32
      %scan3A_64 = arith.addi %scan3A_6, %scan3A_63 : i32
      %get3A_65 = arith.constant 0 : index
      %get3A_66 = arith.constant 0 : index
      %get3A_67 = arith.index_cast %scan3A_64 : i32 to index
      %get3A_68 = memref.load %arg1[%get3A_65, %get3A_66, %get3A_67] : memref<1x1x2048xi32, #tpu.memory_space<smem>>
      %get3A_69 = arith.index_cast %get3A_68 : i32 to index
      %get3A_70 = arith.constant 0 : index
      %get3A_71 = vector.load %arg5[%get3A_69, %get3A_70] : memref<100000x128xf32, #tpu.memory_space<vmem>>, vector<1x128xf32>
      %swap3A_72 = arith.index_cast %scan3A_64 : i32 to index
      %swap3A_73 = arith.constant 0 : index
      %swap3A_74 = vector.load %arg4[%swap3A_72, %swap3A_73] : memref<2048x128xf32, #tpu.memory_space<vmem>>, vector<1x128xf32>
      tpu.vector_store %arg4[%swap3A_72, %swap3A_73], %get3A_71 {strides = array<i32>} : memref<2048x128xf32, #tpu.memory_space<vmem>>, vector<1x128xf32>,
      %scan3A_75 = arith.constant 6 : i32
      %scan3A_76 = arith.addi %scan3A_6, %scan3A_75 : i32
      %get3A_77 = arith.constant 0 : index
      %get3A_78 = arith.constant 0 : index
      %get3A_79 = arith.index_cast %scan3A_76 : i32 to index
      %get3A_80 = memref.load %arg1[%get3A_77, %get3A_78, %get3A_79] : memref<1x1x2048xi32, #tpu.memory_space<smem>>
      %get3A_81 = arith.index_cast %get3A_80 : i32 to index
      %get3A_82 = arith.constant 0 : index
      %get3A_83 = vector.load %arg5[%get3A_81, %get3A_82] : memref<100000x128xf32, #tpu.memory_space<vmem>>, vector<1x128xf32>
      %swap3A_84 = arith.index_cast %scan3A_76 : i32 to index
      %swap3A_85 = arith.constant 0 : index
      %swap3A_86 = vector.load %arg4[%swap3A_84, %swap3A_85] : memref<2048x128xf32, #tpu.memory_space<vmem>>, vector<1x128xf32>
      tpu.vector_store %arg4[%swap3A_84, %swap3A_85], %get3A_83 {strides = array<i32>} : memref<2048x128xf32, #tpu.memory_space<vmem>>, vector<1x128xf32>,
      %scan3A_87 = arith.constant 7 : i32
      %scan3A_88 = arith.addi %scan3A_6, %scan3A_87 : i32
      %get3A_89 = arith.constant 0 : index
      %get3A_90 = arith.constant 0 : index
      %get3A_91 = arith.index_cast %scan3A_88 : i32 to index
      %get3A_92 = memref.load %arg1[%get3A_89, %get3A_90, %get3A_91] : memref<1x1x2048xi32, #tpu.memory_space<smem>>
      %get3A_93 = arith.index_cast %get3A_92 : i32 to index
      %get3A_94 = arith.constant 0 : index
      %get3A_95 = vector.load %arg5[%get3A_93, %get3A_94] : memref<100000x128xf32, #tpu.memory_space<vmem>>, vector<1x128xf32>
      %swap3A_96 = arith.index_cast %scan3A_88 : i32 to index
      %swap3A_97 = arith.constant 0 : index
      %swap3A_98 = vector.load %arg4[%swap3A_96, %swap3A_97] : memref<2048x128xf32, #tpu.memory_space<vmem>>, vector<1x128xf32>
      tpu.vector_store %arg4[%swap3A_96, %swap3A_97], %get3A_95 {strides = array<i32>} : memref<2048x128xf32, #tpu.memory_space<vmem>>, vector<1x128xf32>,
      %scan3A_99 = arith.constant 8 : i32
      %scan3A_100 = arith.addi %scan3A_6, %scan3A_99 : i32
      %get3A_101 = arith.constant 0 : index
      %get3A_102 = arith.constant 0 : index
      %get3A_103 = arith.index_cast %scan3A_100 : i32 to index
      %get3A_104 = memref.load %arg1[%get3A_101, %get3A_102, %get3A_103] : memref<1x1x2048xi32, #tpu.memory_space<smem>>
      %get3A_105 = arith.index_cast %get3A_104 : i32 to index
      %get3A_106 = arith.constant 0 : index
      %get3A_107 = vector.load %arg5[%get3A_105, %get3A_106] : memref<100000x128xf32, #tpu.memory_space<vmem>>, vector<1x128xf32>
      %swap3A_108 = arith.index_cast %scan3A_100 : i32 to index
      %swap3A_109 = arith.constant 0 : index
      %swap3A_110 = vector.load %arg4[%swap3A_108, %swap3A_109] : memref<2048x128xf32, #tpu.memory_space<vmem>>, vector<1x128xf32>
      tpu.vector_store %arg4[%swap3A_108, %swap3A_109], %get3A_107 {strides = array<i32>} : memref<2048x128xf32, #tpu.memory_space<vmem>>, vector<1x128xf32>,
      %scan3A_111 = arith.constant 9 : i32
      %scan3A_112 = arith.addi %scan3A_6, %scan3A_111 : i32
      %get3A_113 = arith.constant 0 : index
      %get3A_114 = arith.constant 0 : index
      %get3A_115 = arith.index_cast %scan3A_112 : i32 to index
      %get3A_116 = memref.load %arg1[%get3A_113, %get3A_114, %get3A_115] : memref<1x1x2048xi32, #tpu.memory_space<smem>>
      %get3A_117 = arith.index_cast %get3A_116 : i32 to index
      %get3A_118 = arith.constant 0 : index
      %get3A_119 = vector.load %arg5[%get3A_117, %get3A_118] : memref<100000x128xf32, #tpu.memory_space<vmem>>, vector<1x128xf32>
      %swap3A_120 = arith.index_cast %scan3A_112 : i32 to index
      %swap3A_121 = arith.constant 0 : index
      %swap3A_122 = vector.load %arg4[%swap3A_120, %swap3A_121] : memref<2048x128xf32, #tpu.memory_space<vmem>>, vector<1x128xf32>
      tpu.vector_store %arg4[%swap3A_120, %swap3A_121], %get3A_119 {strides = array<i32>} : memref<2048x128xf32, #tpu.memory_space<vmem>>, vector<1x128xf32>,
      %scan3A_123 = arith.constant 10 : i32
      %scan3A_124 = arith.addi %scan3A_6, %scan3A_123 : i32
      %get3A_125 = arith.constant 0 : index
      %get3A_126 = arith.constant 0 : index
      %get3A_127 = arith.index_cast %scan3A_124 : i32 to index
      %get3A_128 = memref.load %arg1[%get3A_125, %get3A_126, %get3A_127] : memref<1x1x2048xi32, #tpu.memory_space<smem>>
      %get3A_129 = arith.index_cast %get3A_128 : i32 to index
      %get3A_130 = arith.constant 0 : index
      %get3A_131 = vector.load %arg5[%get3A_129, %get3A_130] : memref<100000x128xf32, #tpu.memory_space<vmem>>, vector<1x128xf32>
      %swap3A_132 = arith.index_cast %scan3A_124 : i32 to index
      %swap3A_133 = arith.constant 0 : index
      %swap3A_134 = vector.load %arg4[%swap3A_132, %swap3A_133] : memref<2048x128xf32, #tpu.memory_space<vmem>>, vector<1x128xf32>
      tpu.vector_store %arg4[%swap3A_132, %swap3A_133], %get3A_131 {strides = array<i32>} : memref<2048x128xf32, #tpu.memory_space<vmem>>, vector<1x128xf32>,
      %scan3A_135 = arith.constant 11 : i32
      %scan3A_136 = arith.addi %scan3A_6, %scan3A_135 : i32
      %get3A_137 = arith.constant 0 : index
      %get3A_138 = arith.constant 0 : index
      %get3A_139 = arith.index_cast %scan3A_136 : i32 to index
      %get3A_140 = memref.load %arg1[%get3A_137, %get3A_138, %get3A_139] : memref<1x1x2048xi32, #tpu.memory_space<smem>>
      %get3A_141 = arith.index_cast %get3A_140 : i32 to index
      %get3A_142 = arith.constant 0 : index
      %get3A_143 = vector.load %arg5[%get3A_141, %get3A_142] : memref<100000x128xf32, #tpu.memory_space<vmem>>, vector<1x128xf32>
      %swap3A_144 = arith.index_cast %scan3A_136 : i32 to index
      %swap3A_145 = arith.constant 0 : index
      %swap3A_146 = vector.load %arg4[%swap3A_144, %swap3A_145] : memref<2048x128xf32, #tpu.memory_space<vmem>>, vector<1x128xf32>
      tpu.vector_store %arg4[%swap3A_144, %swap3A_145], %get3A_143 {strides = array<i32>} : memref<2048x128xf32, #tpu.memory_space<vmem>>, vector<1x128xf32>,
      %scan3A_147 = arith.constant 12 : i32
      %scan3A_148 = arith.addi %scan3A_6, %scan3A_147 : i32
      %get3A_149 = arith.constant 0 : index
      %get3A_150 = arith.constant 0 : index
      %get3A_151 = arith.index_cast %scan3A_148 : i32 to index
      %get3A_152 = memref.load %arg1[%get3A_149, %get3A_150, %get3A_151] : memref<1x1x2048xi32, #tpu.memory_space<smem>>
      %get3A_153 = arith.index_cast %get3A_152 : i32 to index
      %get3A_154 = arith.constant 0 : index
      %get3A_155 = vector.load %arg5[%get3A_153, %get3A_154] : memref<100000x128xf32, #tpu.memory_space<vmem>>, vector<1x128xf32>
      %swap3A_156 = arith.index_cast %scan3A_148 : i32 to index
      %swap3A_157 = arith.constant 0 : index
      %swap3A_158 = vector.load %arg4[%swap3A_156, %swap3A_157] : memref<2048x128xf32, #tpu.memory_space<vmem>>, vector<1x128xf32>
      tpu.vector_store %arg4[%swap3A_156, %swap3A_157], %get3A_155 {strides = array<i32>} : memref<2048x128xf32, #tpu.memory_space<vmem>>, vector<1x128xf32>,
      %scan3A_159 = arith.constant 13 : i32
      %scan3A_160 = arith.addi %scan3A_6, %scan3A_159 : i32
      %get3A_161 = arith.constant 0 : index
      %get3A_162 = arith.constant 0 : index
      %get3A_163 = arith.index_cast %scan3A_160 : i32 to index
      %get3A_164 = memref.load %arg1[%get3A_161, %get3A_162, %get3A_163] : memref<1x1x2048xi32, #tpu.memory_space<smem>>
      %get3A_165 = arith.index_cast %get3A_164 : i32 to index
      %get3A_166 = arith.constant 0 : index
      %get3A_167 = vector.load %arg5[%get3A_165, %get3A_166] : memref<100000x128xf32, #tpu.memory_space<vmem>>, vector<1x128xf32>
      %swap3A_168 = arith.index_cast %scan3A_160 : i32 to index
      %swap3A_169 = arith.constant 0 : index
      %swap3A_170 = vector.load %arg4[%swap3A_168, %swap3A_169] : memref<2048x128xf32, #tpu.memory_space<vmem>>, vector<1x128xf32>
      tpu.vector_store %arg4[%swap3A_168, %swap3A_169], %get3A_167 {strides = array<i32>} : memref<2048x128xf32, #tpu.memory_space<vmem>>, vector<1x128xf32>,
      %scan3A_171 = arith.constant 14 : i32
      %scan3A_172 = arith.addi %scan3A_6, %scan3A_171 : i32
      %get3A_173 = arith.constant 0 : index
      %get3A_174 = arith.constant 0 : index
      %get3A_175 = arith.index_cast %scan3A_172 : i32 to index
      %get3A_176 = memref.load %arg1[%get3A_173, %get3A_174, %get3A_175] : memref<1x1x2048xi32, #tpu.memory_space<smem>>
      %get3A_177 = arith.index_cast %get3A_176 : i32 to index
      %get3A_178 = arith.constant 0 : index
      %get3A_179 = vector.load %arg5[%get3A_177, %get3A_178] : memref<100000x128xf32, #tpu.memory_space<vmem>>, vector<1x128xf32>
      %swap3A_180 = arith.index_cast %scan3A_172 : i32 to index
      %swap3A_181 = arith.constant 0 : index
      %swap3A_182 = vector.load %arg4[%swap3A_180, %swap3A_181] : memref<2048x128xf32, #tpu.memory_space<vmem>>, vector<1x128xf32>
      tpu.vector_store %arg4[%swap3A_180, %swap3A_181], %get3A_179 {strides = array<i32>} : memref<2048x128xf32, #tpu.memory_space<vmem>>, vector<1x128xf32>,
      %scan3A_183 = arith.constant 15 : i32
      %scan3A_184 = arith.addi %scan3A_6, %scan3A_183 : i32
      %get3A_185 = arith.constant 0 : index
      %get3A_186 = arith.constant 0 : index
      %get3A_187 = arith.index_cast %scan3A_184 : i32 to index
      %get3A_188 = memref.load %arg1[%get3A_185, %get3A_186, %get3A_187] : memref<1x1x2048xi32, #tpu.memory_space<smem>>
      %get3A_189 = arith.index_cast %get3A_188 : i32 to index
      %get3A_190 = arith.constant 0 : index
      %get3A_191 = vector.load %arg5[%get3A_189, %get3A_190] : memref<100000x128xf32, #tpu.memory_space<vmem>>, vector<1x128xf32>
      %swap3A_192 = arith.index_cast %scan3A_184 : i32 to index
      %swap3A_193 = arith.constant 0 : index
      %swap3A_194 = vector.load %arg4[%swap3A_192, %swap3A_193] : memref<2048x128xf32, #tpu.memory_space<vmem>>, vector<1x128xf32>
      tpu.vector_store %arg4[%swap3A_192, %swap3A_193], %get3A_191 {strides = array<i32>} : memref<2048x128xf32, #tpu.memory_space<vmem>>, vector<1x128xf32>,
      %scan3A_195 = arith.constant 16 : i32
      %scan3A_196 = arith.addi %scan3A_6, %scan3A_195 : i32
      %get3A_197 = arith.constant 0 : index
      %get3A_198 = arith.constant 0 : index
      %get3A_199 = arith.index_cast %scan3A_196 : i32 to index
      %get3A_200 = memref.load %arg1[%get3A_197, %get3A_198, %get3A_199] : memref<1x1x2048xi32, #tpu.memory_space<smem>>
      %get3A_201 = arith.index_cast %get3A_200 : i32 to index
      %get3A_202 = arith.constant 0 : index
      %get3A_203 = vector.load %arg5[%get3A_201, %get3A_202] : memref<100000x128xf32, #tpu.memory_space<vmem>>, vector<1x128xf32>
      %swap3A_204 = arith.index_cast %scan3A_196 : i32 to index
      %swap3A_205 = arith.constant 0 : index
      %swap3A_206 = vector.load %arg4[%swap3A_204, %swap3A_205] : memref<2048x128xf32, #tpu.memory_space<vmem>>, vector<1x128xf32>
      tpu.vector_store %arg4[%swap3A_204, %swap3A_205], %get3A_203 {strides = array<i32>} : memref<2048x128xf32, #tpu.memory_space<vmem>>, vector<1x128xf32>,
      %scan3A_207 = arith.constant 17 : i32
      %scan3A_208 = arith.addi %scan3A_6, %scan3A_207 : i32
      %get3A_209 = arith.constant 0 : index
      %get3A_210 = arith.constant 0 : index
      %get3A_211 = arith.index_cast %scan3A_208 : i32 to index
      %get3A_212 = memref.load %arg1[%get3A_209, %get3A_210, %get3A_211] : memref<1x1x2048xi32, #tpu.memory_space<smem>>
      %get3A_213 = arith.index_cast %get3A_212 : i32 to index
      %get3A_214 = arith.constant 0 : index
      %get3A_215 = vector.load %arg5[%get3A_213, %get3A_214] : memref<100000x128xf32, #tpu.memory_space<vmem>>, vector<1x128xf32>
      %swap3A_216 = arith.index_cast %scan3A_208 : i32 to index
      %swap3A_217 = arith.constant 0 : index
      %swap3A_218 = vector.load %arg4[%swap3A_216, %swap3A_217] : memref<2048x128xf32, #tpu.memory_space<vmem>>, vector<1x128xf32>
      tpu.vector_store %arg4[%swap3A_216, %swap3A_217], %get3A_215 {strides = array<i32>} : memref<2048x128xf32, #tpu.memory_space<vmem>>, vector<1x128xf32>,
      %scan3A_219 = arith.constant 18 : i32
      %scan3A_220 = arith.addi %scan3A_6, %scan3A_219 : i32
      %get3A_221 = arith.constant 0 : index
      %get3A_222 = arith.constant 0 : index
      %get3A_223 = arith.index_cast %scan3A_220 : i32 to index
      %get3A_224 = memref.load %arg1[%get3A_221, %get3A_222, %get3A_223] : memref<1x1x2048xi32, #tpu.memory_space<smem>>
      %get3A_225 = arith.index_cast %get3A_224 : i32 to index
      %get3A_226 = arith.constant 0 : index
      %get3A_227 = vector.load %arg5[%get3A_225, %get3A_226] : memref<100000x128xf32, #tpu.memory_space<vmem>>, vector<1x128xf32>
      %swap3A_228 = arith.index_cast %scan3A_220 : i32 to index
      %swap3A_229 = arith.constant 0 : index
      %swap3A_230 = vector.load %arg4[%swap3A_228, %swap3A_229] : memref<2048x128xf32, #tpu.memory_space<vmem>>, vector<1x128xf32>
      tpu.vector_store %arg4[%swap3A_228, %swap3A_229], %get3A_227 {strides = array<i32>} : memref<2048x128xf32, #tpu.memory_space<vmem>>, vector<1x128xf32>,
      %scan3A_231 = arith.constant 19 : i32
      %scan3A_232 = arith.addi %scan3A_6, %scan3A_231 : i32
      %get3A_233 = arith.constant 0 : index
      %get3A_234 = arith.constant 0 : index
      %get3A_235 = arith.index_cast %scan3A_232 : i32 to index
      %get3A_236 = memref.load %arg1[%get3A_233, %get3A_234, %get3A_235] : memref<1x1x2048xi32, #tpu.memory_space<smem>>
      %get3A_237 = arith.index_cast %get3A_236 : i32 to index
      %get3A_238 = arith.constant 0 : index
      %get3A_239 = vector.load %arg5[%get3A_237, %get3A_238] : memref<100000x128xf32, #tpu.memory_space<vmem>>, vector<1x128xf32>
      %swap3A_240 = arith.index_cast %scan3A_232 : i32 to index
      %swap3A_241 = arith.constant 0 : index
      %swap3A_242 = vector.load %arg4[%swap3A_240, %swap3A_241] : memref<2048x128xf32, #tpu.memory_space<vmem>>, vector<1x128xf32>
      tpu.vector_store %arg4[%swap3A_240, %swap3A_241], %get3A_239 {strides = array<i32>} : memref<2048x128xf32, #tpu.memory_space<vmem>>, vector<1x128xf32>,
      %scan3A_243 = arith.constant 20 : i32
      %scan3A_244 = arith.addi %scan3A_6, %scan3A_243 : i32
      %get3A_245 = arith.constant 0 : index
      %get3A_246 = arith.constant 0 : index
      %get3A_247 = arith.index_cast %scan3A_244 : i32 to index
      %get3A_248 = memref.load %arg1[%get3A_245, %get3A_246, %get3A_247] : memref<1x1x2048xi32, #tpu.memory_space<smem>>
      %get3A_249 = arith.index_cast %get3A_248 : i32 to index
      %get3A_250 = arith.constant 0 : index
      %get3A_251 = vector.load %arg5[%get3A_249, %get3A_250] : memref<100000x128xf32, #tpu.memory_space<vmem>>, vector<1x128xf32>
      %swap3A_252 = arith.index_cast %scan3A_244 : i32 to index
      %swap3A_253 = arith.constant 0 : index
      %swap3A_254 = vector.load %arg4[%swap3A_252, %swap3A_253] : memref<2048x128xf32, #tpu.memory_space<vmem>>, vector<1x128xf32>
      tpu.vector_store %arg4[%swap3A_252, %swap3A_253], %get3A_251 {strides = array<i32>} : memref<2048x128xf32, #tpu.memory_space<vmem>>, vector<1x128xf32>,
      %scan3A_255 = arith.constant 21 : i32
      %scan3A_256 = arith.addi %scan3A_6, %scan3A_255 : i32
      %get3A_257 = arith.constant 0 : index
      %get3A_258 = arith.constant 0 : index
      %get3A_259 = arith.index_cast %scan3A_256 : i32 to index
      %get3A_260 = memref.load %arg1[%get3A_257, %get3A_258, %get3A_259] : memref<1x1x2048xi32, #tpu.memory_space<smem>>
      %get3A_261 = arith.index_cast %get3A_260 : i32 to index
      %get3A_262 = arith.constant 0 : index
      %get3A_263 = vector.load %arg5[%get3A_261, %get3A_262] : memref<100000x128xf32, #tpu.memory_space<vmem>>, vector<1x128xf32>
      %swap3A_264 = arith.index_cast %scan3A_256 : i32 to index
      %swap3A_265 = arith.constant 0 : index
      %swap3A_266 = vector.load %arg4[%swap3A_264, %swap3A_265] : memref<2048x128xf32, #tpu.memory_space<vmem>>, vector<1x128xf32>
      tpu.vector_store %arg4[%swap3A_264, %swap3A_265], %get3A_263 {strides = array<i32>} : memref<2048x128xf32, #tpu.memory_space<vmem>>, vector<1x128xf32>,
      %scan3A_267 = arith.constant 22 : i32
      %scan3A_268 = arith.addi %scan3A_6, %scan3A_267 : i32
      %get3A_269 = arith.constant 0 : index
      %get3A_270 = arith.constant 0 : index
      %get3A_271 = arith.index_cast %scan3A_268 : i32 to index
      %get3A_272 = memref.load %arg1[%get3A_269, %get3A_270, %get3A_271] : memref<1x1x2048xi32, #tpu.memory_space<smem>>
      %get3A_273 = arith.index_cast %get3A_272 : i32 to index
      %get3A_274 = arith.constant 0 : index
      %get3A_275 = vector.load %arg5[%get3A_273, %get3A_274] : memref<100000x128xf32, #tpu.memory_space<vmem>>, vector<1x128xf32>
      %swap3A_276 = arith.index_cast %scan3A_268 : i32 to index
      %swap3A_277 = arith.constant 0 : index
      %swap3A_278 = vector.load %arg4[%swap3A_276, %swap3A_277] : memref<2048x128xf32, #tpu.memory_space<vmem>>, vector<1x128xf32>
      tpu.vector_store %arg4[%swap3A_276, %swap3A_277], %get3A_275 {strides = array<i32>} : memref<2048x128xf32, #tpu.memory_space<vmem>>, vector<1x128xf32>,
      %scan3A_279 = arith.constant 23 : i32
      %scan3A_280 = arith.addi %scan3A_6, %scan3A_279 : i32
      %get3A_281 = arith.constant 0 : index
      %get3A_282 = arith.constant 0 : index
      %get3A_283 = arith.index_cast %scan3A_280 : i32 to index
      %get3A_284 = memref.load %arg1[%get3A_281, %get3A_282, %get3A_283] : memref<1x1x2048xi32, #tpu.memory_space<smem>>
      %get3A_285 = arith.index_cast %get3A_284 : i32 to index
      %get3A_286 = arith.constant 0 : index
      %get3A_287 = vector.load %arg5[%get3A_285, %get3A_286] : memref<100000x128xf32, #tpu.memory_space<vmem>>, vector<1x128xf32>
      %swap3A_288 = arith.index_cast %scan3A_280 : i32 to index
      %swap3A_289 = arith.constant 0 : index
      %swap3A_290 = vector.load %arg4[%swap3A_288, %swap3A_289] : memref<2048x128xf32, #tpu.memory_space<vmem>>, vector<1x128xf32>
      tpu.vector_store %arg4[%swap3A_288, %swap3A_289], %get3A_287 {strides = array<i32>} : memref<2048x128xf32, #tpu.memory_space<vmem>>, vector<1x128xf32>,
      %scan3A_291 = arith.constant 24 : i32
      %scan3A_292 = arith.addi %scan3A_6, %scan3A_291 : i32
      %get3A_293 = arith.constant 0 : index
      %get3A_294 = arith.constant 0 : index
      %get3A_295 = arith.index_cast %scan3A_292 : i32 to index
      %get3A_296 = memref.load %arg1[%get3A_293, %get3A_294, %get3A_295] : memref<1x1x2048xi32, #tpu.memory_space<smem>>
      %get3A_297 = arith.index_cast %get3A_296 : i32 to index
      %get3A_298 = arith.constant 0 : index
      %get3A_299 = vector.load %arg5[%get3A_297, %get3A_298] : memref<100000x128xf32, #tpu.memory_space<vmem>>, vector<1x128xf32>
      %swap3A_300 = arith.index_cast %scan3A_292 : i32 to index
      %swap3A_301 = arith.constant 0 : index
      %swap3A_302 = vector.load %arg4[%swap3A_300, %swap3A_301] : memref<2048x128xf32, #tpu.memory_space<vmem>>, vector<1x128xf32>
      tpu.vector_store %arg4[%swap3A_300, %swap3A_301], %get3A_299 {strides = array<i32>} : memref<2048x128xf32, #tpu.memory_space<vmem>>, vector<1x128xf32>,
      %scan3A_303 = arith.constant 25 : i32
      %scan3A_304 = arith.addi %scan3A_6, %scan3A_303 : i32
      %get3A_305 = arith.constant 0 : index
      %get3A_306 = arith.constant 0 : index
      %get3A_307 = arith.index_cast %scan3A_304 : i32 to index
      %get3A_308 = memref.load %arg1[%get3A_305, %get3A_306, %get3A_307] : memref<1x1x2048xi32, #tpu.memory_space<smem>>
      %get3A_309 = arith.index_cast %get3A_308 : i32 to index
      %get3A_310 = arith.constant 0 : index
      %get3A_311 = vector.load %arg5[%get3A_309, %get3A_310] : memref<100000x128xf32, #tpu.memory_space<vmem>>, vector<1x128xf32>
      %swap3A_312 = arith.index_cast %scan3A_304 : i32 to index
      %swap3A_313 = arith.constant 0 : index
      %swap3A_314 = vector.load %arg4[%swap3A_312, %swap3A_313] : memref<2048x128xf32, #tpu.memory_space<vmem>>, vector<1x128xf32>
      tpu.vector_store %arg4[%swap3A_312, %swap3A_313], %get3A_311 {strides = array<i32>} : memref<2048x128xf32, #tpu.memory_space<vmem>>, vector<1x128xf32>,
      %scan3A_315 = arith.constant 26 : i32
      %scan3A_316 = arith.addi %scan3A_6, %scan3A_315 : i32
      %get3A_317 = arith.constant 0 : index
      %get3A_318 = arith.constant 0 : index
      %get3A_319 = arith.index_cast %scan3A_316 : i32 to index
      %get3A_320 = memref.load %arg1[%get3A_317, %get3A_318, %get3A_319] : memref<1x1x2048xi32, #tpu.memory_space<smem>>
      %get3A_321 = arith.index_cast %get3A_320 : i32 to index
      %get3A_322 = arith.constant 0 : index
      %get3A_323 = vector.load %arg5[%get3A_321, %get3A_322] : memref<100000x128xf32, #tpu.memory_space<vmem>>, vector<1x128xf32>
      %swap3A_324 = arith.index_cast %scan3A_316 : i32 to index
      %swap3A_325 = arith.constant 0 : index
      %swap3A_326 = vector.load %arg4[%swap3A_324, %swap3A_325] : memref<2048x128xf32, #tpu.memory_space<vmem>>, vector<1x128xf32>
      tpu.vector_store %arg4[%swap3A_324, %swap3A_325], %get3A_323 {strides = array<i32>} : memref<2048x128xf32, #tpu.memory_space<vmem>>, vector<1x128xf32>,
      %scan3A_327 = arith.constant 27 : i32
      %scan3A_328 = arith.addi %scan3A_6, %scan3A_327 : i32
      %get3A_329 = arith.constant 0 : index
      %get3A_330 = arith.constant 0 : index
      %get3A_331 = arith.index_cast %scan3A_328 : i32 to index
      %get3A_332 = memref.load %arg1[%get3A_329, %get3A_330, %get3A_331] : memref<1x1x2048xi32, #tpu.memory_space<smem>>
      %get3A_333 = arith.index_cast %get3A_332 : i32 to index
      %get3A_334 = arith.constant 0 : index
      %get3A_335 = vector.load %arg5[%get3A_333, %get3A_334] : memref<100000x128xf32, #tpu.memory_space<vmem>>, vector<1x128xf32>
      %swap3A_336 = arith.index_cast %scan3A_328 : i32 to index
      %swap3A_337 = arith.constant 0 : index
      %swap3A_338 = vector.load %arg4[%swap3A_336, %swap3A_337] : memref<2048x128xf32, #tpu.memory_space<vmem>>, vector<1x128xf32>
      tpu.vector_store %arg4[%swap3A_336, %swap3A_337], %get3A_335 {strides = array<i32>} : memref<2048x128xf32, #tpu.memory_space<vmem>>, vector<1x128xf32>,
      %scan3A_339 = arith.constant 28 : i32
      %scan3A_340 = arith.addi %scan3A_6, %scan3A_339 : i32
      %get3A_341 = arith.constant 0 : index
      %get3A_342 = arith.constant 0 : index
      %get3A_343 = arith.index_cast %scan3A_340 : i32 to index
      %get3A_344 = memref.load %arg1[%get3A_341, %get3A_342, %get3A_343] : memref<1x1x2048xi32, #tpu.memory_space<smem>>
      %get3A_345 = arith.index_cast %get3A_344 : i32 to index
      %get3A_346 = arith.constant 0 : index
      %get3A_347 = vector.load %arg5[%get3A_345, %get3A_346] : memref<100000x128xf32, #tpu.memory_space<vmem>>, vector<1x128xf32>
      %swap3A_348 = arith.index_cast %scan3A_340 : i32 to index
      %swap3A_349 = arith.constant 0 : index
      %swap3A_350 = vector.load %arg4[%swap3A_348, %swap3A_349] : memref<2048x128xf32, #tpu.memory_space<vmem>>, vector<1x128xf32>
      tpu.vector_store %arg4[%swap3A_348, %swap3A_349], %get3A_347 {strides = array<i32>} : memref<2048x128xf32, #tpu.memory_space<vmem>>, vector<1x128xf32>,
      %scan3A_351 = arith.constant 29 : i32
      %scan3A_352 = arith.addi %scan3A_6, %scan3A_351 : i32
      %get3A_353 = arith.constant 0 : index
      %get3A_354 = arith.constant 0 : index
      %get3A_355 = arith.index_cast %scan3A_352 : i32 to index
      %get3A_356 = memref.load %arg1[%get3A_353, %get3A_354, %get3A_355] : memref<1x1x2048xi32, #tpu.memory_space<smem>>
      %get3A_357 = arith.index_cast %get3A_356 : i32 to index
      %get3A_358 = arith.constant 0 : index
      %get3A_359 = vector.load %arg5[%get3A_357, %get3A_358] : memref<100000x128xf32, #tpu.memory_space<vmem>>, vector<1x128xf32>
      %swap3A_360 = arith.index_cast %scan3A_352 : i32 to index
      %swap3A_361 = arith.constant 0 : index
      %swap3A_362 = vector.load %arg4[%swap3A_360, %swap3A_361] : memref<2048x128xf32, #tpu.memory_space<vmem>>, vector<1x128xf32>
      tpu.vector_store %arg4[%swap3A_360, %swap3A_361], %get3A_359 {strides = array<i32>} : memref<2048x128xf32, #tpu.memory_space<vmem>>, vector<1x128xf32>,
      %scan3A_363 = arith.constant 30 : i32
      %scan3A_364 = arith.addi %scan3A_6, %scan3A_363 : i32
      %get3A_365 = arith.constant 0 : index
      %get3A_366 = arith.constant 0 : index
      %get3A_367 = arith.index_cast %scan3A_364 : i32 to index
      %get3A_368 = memref.load %arg1[%get3A_365, %get3A_366, %get3A_367] : memref<1x1x2048xi32, #tpu.memory_space<smem>>
      %get3A_369 = arith.index_cast %get3A_368 : i32 to index
      %get3A_370 = arith.constant 0 : index
      %get3A_371 = vector.load %arg5[%get3A_369, %get3A_370] : memref<100000x128xf32, #tpu.memory_space<vmem>>, vector<1x128xf32>
      %swap3A_372 = arith.index_cast %scan3A_364 : i32 to index
      %swap3A_373 = arith.constant 0 : index
      %swap3A_374 = vector.load %arg4[%swap3A_372, %swap3A_373] : memref<2048x128xf32, #tpu.memory_space<vmem>>, vector<1x128xf32>
      tpu.vector_store %arg4[%swap3A_372, %swap3A_373], %get3A_371 {strides = array<i32>} : memref<2048x128xf32, #tpu.memory_space<vmem>>, vector<1x128xf32>,
      %scan3A_375 = arith.constant 31 : i32
      %scan3A_376 = arith.addi %scan3A_6, %scan3A_375 : i32
      %get3A_377 = arith.constant 0 : index
      %get3A_378 = arith.constant 0 : index
      %get3A_379 = arith.index_cast %scan3A_376 : i32 to index
      %get3A_380 = memref.load %arg1[%get3A_377, %get3A_378, %get3A_379] : memref<1x1x2048xi32, #tpu.memory_space<smem>>
      %get3A_381 = arith.index_cast %get3A_380 : i32 to index
      %get3A_382 = arith.constant 0 : index
      %get3A_383 = vector.load %arg5[%get3A_381, %get3A_382] : memref<100000x128xf32, #tpu.memory_space<vmem>>, vector<1x128xf32>
      %swap3A_384 = arith.index_cast %scan3A_376 : i32 to index
      %swap3A_385 = arith.constant 0 : index
      %swap3A_386 = vector.load %arg4[%swap3A_384, %swap3A_385] : memref<2048x128xf32, #tpu.memory_space<vmem>>, vector<1x128xf32>
      tpu.vector_store %arg4[%swap3A_384, %swap3A_385], %get3A_383 {strides = array<i32>} : memref<2048x128xf32, #tpu.memory_space<vmem>>, vector<1x128xf32>,
    }
    %scan3A_5 = arith.constant 2048 : i32
    return
  }
  func.func @transform_0(%arg0: i32) -> (i32, i32, i32) {
    %c0_i32 = arith.constant 0 : i32
    %c0_i32_0 = arith.constant 0 : i32
    %c0_i32_1 = arith.constant 0 : i32
    return %arg0, %c0_i32, %c0_i32_0 : i32, i32, i32
  }
  func.func @transform_2(%arg0: i32) -> (i32, i32) {
    %c0_i32 = arith.constant 0 : i32
    %c0_i32_0 = arith.constant 0 : i32
    %c0_i32_1 = arith.constant 0 : i32
    return %c0_i32, %c0_i32_0 : i32, i32
  }
  func.func @transform_3(%arg0: i32) -> (i32, i32) {
    %add3A = arith.constant 88 : i32
    %add3A_0 = arith.addi %add3A, %arg0 : i32
    %c0_i32 = arith.constant 0 : i32
    %c0_i32_1 = arith.constant 0 : i32
    return %add3A_0, %c0_i32 : i32, i32
  }
}

</mosaic_0001>

<sc_bundles>
// kernel: kernel.4.cloned.1.call-start
scs
__scs_entry_jumppad:
0x0: {  	(pc) =	sbr.rel $0x88, $3  }
0x1: {  	(tag) =	ssettag $0x0;
	lr =	simm.s32 $0x1  }
0x2: {  	[smem:$0x3F9E] =	sst lr;
	_ =	strace $0xD0000000  }
0x3: {  	_ = 	snop  }
0x4: {  	_ = 	snop  }
0x5: {  	_ = 	snop  }
0x6: {  	_ = 	snop  }
0x7: {  	_ = 	snop  }
__scs_overlays_trampoline_lowered:
0x8: {  	[smem:$0x3FAD] =	sst s0  }
0x9: {  	[smem:$0x3FAE] =	sst s1  }
0xa: {  	[smem:$0x3FAF] =	sst s2  }
0xb: {  	[smem:$0x3FB0] =	sst s3  }
0xc: {  	[smem:$0x3FB1] =	sst s4  }
0xd: {  	[smem:$0x3FB2] =	sst s5  }
0xe: {  	[smem:$0x3FB3] =	sst s6  }
0xf: {  	[smem:$0x3FB4] =	sst s7  }
0x10: {  	[smem:$0x3FB5] =	sst s8  }
0x11: {  	[smem:$0x3FB6] =	sst s9;
	s0 =	simm.s32 @!p0 $0x0  }
0x12: {  	s1 =	sld [smem:$0x3F9C];
	s0 =	simm.s32 @p0 $0x1  }
0x13: {  	[smem:$0x3FB7] =	sst s0;
	s0 =	simm.s32 @!p1 $0x0  }
0x14: {  	s2 =	sld [smem:$0x3F9B];
	s0 =	simm.s32 @p1 $0x1  }
0x15: {  	[smem:$0x3FB8] =	sst s0;
	s0 =	simm.s32 @!p2 $0x0  }
0x16: {  	s3 =	sld [smem:$0x3FDB];
	s0 =	simm.s32 @p2 $0x1  }
0x17: {  	s4 =	simm.s32 $0x1BF5;
	[smem:$0x3FBA] =	sst s0  }
0x18: {  	s0 =	sld [smem:$0x3F9D];
	_ =	swait.ge [sflag:s4], $0x0  }
0x19: {  	s7 =	sld [smem:$0x3F9E]  }
0x1a: {  	s8 =	sadd.s32 $0xFFFFE003, lr  }
0x1b: {  	s9 =	sadd.s32 $0xFFFFFEF7, lr;
	s5 =	simm.s32 $0xFFFFFFFF;
	p2 =	slt.u32 s8, $0xFFFFF086  }
0x1c: {  	p1 =	slt.u32 s9, $0xF7A;
	s5 =	simm.s32 @!p2 $0x0  }
0x1d: {  	s5 =	simm.s32 @p1 $0x1;
	p0 =	seq.s32 s7, s2  }
0x1e: {  	s7 =	smul.u32 @!p0 $0xF7A, s2;
	p2 =	seq.s32 @!p0 s5, $0x0  }
0x1f: {  	s9 =	smul.u32 $0xF7A, s1;
	s8 =	simm.s32 @!p0 $0x1BF5;
	p2 =	por !p2, p0  }
0x20: {  	[sflag:s8] =	ssyncset.s32 @!p0 $0xFFFFF086;
	s6 =	sadd.s32 @!p0 s3, s7;
	s7 =	simm.s32 @!p0 $0x108  }
0x21: {  	s3 =	sadd.s32 s3, s9;
	s6 =	sadd.s32 @!p0 $0x88, s6;
	s7 =	simm.s32 @p2 $0x1082  }
0x22: {  	[simem:s7], [sflag:s8] =	dma.local @!p0 [hbm:s6], $0xF7A  }
0x23: {  	s9 =	sor.u32 $0xD0000000, s2;
	s6 =	simm.s32 $0x108;
	_ =	swait.ge @!p0 [sflag:s8], $0x0  }
0x24: {  	s3 =	sadd.s32 $0x88, s3;
	s6 =	simm.s32 @!p1 $0x1082;
	[sflag:s4] =	ssyncset.s32 $0xFFFFF086  }
0x25: {  	[simem:s6], [sflag:s4] =	dma.local [hbm:s3], $0xF7A  }
0x26: {  	[smem:$0x3F9E] =	sst s1;
	(tag) =	ssettag s2;
	_ =	strace s9  }
0x27: {  	s1 =	sld [smem:$0x3FAE]  }
0x28: {  	s2 =	sld [smem:$0x3FAF]  }
0x29: {  	s4 =	sld [smem:$0x3FB1]  }
0x2a: {  	p0 =	seq.s32 s5, $0x0;
	s5 =	sld [smem:$0x3FB2]  }
0x2b: {  	s6 =	sld [smem:$0x3FB3]  }
0x2c: {  	s7 =	sld [smem:$0x3FB4]  }
0x2d: {  	s3 =	simm.s32 $0x108;
	s8 =	sld [smem:$0x3FB5]  }
0x2e: {  	s3 =	simm.s32 @!p0 $0x1082;
	s9 =	sld [smem:$0x3FB6]  }
0x2f: {  	lr =	sadd.s32 s0, s3;
	s0 =	sld [smem:$0x3FAD]  }
0x30: {  	s3 =	sld [smem:$0x3FB0]  }
0x31: {  	[smem:$0x3FB9] =	sst s10  }
0x32: {  	s10 =	sld [smem:$0x3FB7];
	_ =	sdelay $0x3  }
0x33: {  	p0 =	seq.s32 s10, $0x1;
	s10 =	sld [smem:$0x3FB9];
	_ =	sdelay $0x3  }
0x34: {  	[smem:$0x3FB9] =	sst s10  }
0x35: {  	s10 =	sld [smem:$0x3FB8];
	_ =	sdelay $0x3  }
0x36: {  	p1 =	seq.s32 s10, $0x1;
	s10 =	sld [smem:$0x3FB9];
	_ =	sdelay $0x3  }
0x37: {  	[smem:$0x3FB9] =	sst s10  }
0x38: {  	s10 =	sld [smem:$0x3FBA]  }
0x39: {  	_ = 	snop;
	(pc) =	sbr.ind lr, $3  }
0x3a: {  	_ = 	snop  }
0x3b: {  	_ = 	snop  }
0x3c: {  	p2 =	seq.s32 s10, $0x1;
	s10 =	sld [smem:$0x3FB9]  }
0x3d: {  	_ =	shalt  }
0x3e: {  	_ =	shalt  }
0x3f: {  	_ =	shalt  }
0x40: {  	_ =	shalt  }
0x41: {  	_ =	shalt  }
0x42: {  	_ =	shalt  }
0x43: {  	_ =	shalt  }
0x44: {  	_ =	shalt  }
0x45: {  	_ =	shalt  }
0x46: {  	_ =	shalt  }
0x47: {  	_ =	shalt  }
0x48: {  	_ =	shalt  }
0x49: {  	_ =	shalt  }
0x4a: {  	_ =	shalt  }
0x4b: {  	_ =	shalt  }
0x4c: {  	_ =	shalt  }
0x4d: {  	_ =	shalt  }
0x4e: {  	_ =	shalt  }
0x4f: {  	_ =	shalt  }
0x50: {  	_ =	shalt  }
0x51: {  	_ =	shalt  }
0x52: {  	_ =	shalt  }
0x53: {  	_ =	shalt  }
0x54: {  	_ =	shalt  }
0x55: {  	_ =	shalt  }
0x56: {  	_ =	shalt  }
0x57: {  	_ =	shalt  }
0x58: {  	_ =	shalt  }
0x59: {  	_ =	shalt  }
0x5a: {  	_ =	shalt  }
0x5b: {  	_ =	shalt  }
0x5c: {  	_ =	shalt  }
0x5d: {  	_ =	shalt  }
0x5e: {  	_ =	shalt  }
0x5f: {  	_ =	shalt  }
0x60: {  	_ =	shalt  }
0x61: {  	_ =	shalt  }
0x62: {  	_ =	shalt  }
0x63: {  	_ =	shalt  }
0x64: {  	_ =	shalt  }
0x65: {  	_ =	shalt  }
0x66: {  	_ =	shalt  }
0x67: {  	_ =	shalt  }
0x68: {  	_ =	shalt  }
0x69: {  	_ =	shalt  }
0x6a: {  	_ =	shalt  }
0x6b: {  	_ =	shalt  }
0x6c: {  	_ =	shalt  }
0x6d: {  	_ =	shalt  }
0x6e: {  	_ =	shalt  }
0x6f: {  	_ =	shalt  }
0x70: {  	_ =	shalt  }
0x71: {  	_ =	shalt  }
0x72: {  	_ =	shalt  }
0x73: {  	_ =	shalt  }
0x74: {  	_ =	shalt  }
0x75: {  	_ =	shalt  }
0x76: {  	_ =	shalt  }
0x77: {  	_ =	shalt  }
0x78: {  	_ =	shalt  }
0x79: {  	_ =	shalt  }
0x7a: {  	_ =	shalt  }
0x7b: {  	_ =	shalt  }
0x7c: {  	_ =	shalt  }
0x7d: {  	_ =	shalt  }
0x7e: {  	_ =	shalt  }
0x7f: {  	_ =	shalt  }
0x80: {  	_ =	shalt  }
0x81: {  	_ =	shalt  }
0x82: {  	_ =	shalt  }
0x83: {  	_ =	shalt  }
0x84: {  	_ =	shalt  }
0x85: {  	_ =	shalt  }
0x86: {  	_ =	shalt  }
0x87: {  	_ =	shalt  }
.Lfunc_end0:
.L_simem_size_0:
called_computation_lowered:
.L_overlay_start_0:
0x88: {  	s2 =	sld [smem:$0x3FD9]  }
0x89: {  	s3 =	sld [smem:$0x3FFE];
	_ =	sdelay $0x1  }
0x8a: {  	s1 =	srdreg.scid  }
0x8b: {  	s0 =	sand.u32 $0x1, s1  }
0x8c: {  	s17 =	sshll.u32 s0, $0xA;
	s2 =	sadd.s32 s3, s2  }
0x8d: {  	s2 =	sadd.s32 s2, s17  }
0x8e: {  	[smem:$0x3FC5] =	sst s2  }
0x8f: {  	_ = 	snop  }
0x90: {  	s2 =	sld [smem:$0x3FC9]  }
0x91: {  	s18 =	sld [smem:$0x3FC8];
	(tm) =	ssettm $0x1  }
0x92: {  	s4 =	sld [smem:$0x3FFB];
	_ =	sdelay $0x3  }
0x93: {  	_ =	strace s4  }
0x94: {  	s4 =	sld [smem:$0x3FFC];
	_ =	sdelay $0x3  }
0x95: {  	_ =	strace s4  }
0x96: {  	s4 =	sld [smem:$0x3FFD];
	_ =	sdelay $0x3  }
0x97: {  	_ =	strace s4  }
0x98: {  	_ =	strace $0x8FFFFFFF  }
0x99: {  	s19 =	sld [smem:$0x3FDB];
	_ =	sdelay $0x1  }
0x9a: {  	s5 =	simm.s32 $_scs_section_size  }
0x9b: {  	s6 =	simm.s32 $_size__tile_overlayer_lowered;
	s7 =	simm.s32 $_tile_overlayer_lowered  }
0x9c: {  	s22 =	simm.s32 $0x1BFF;
	s21 =	sshll.u32 s7, $0x1;
	s4 =	sadd.s32 s5, s19  }
0x9d: {  	s8 =	simm.s32 $0x0;
	s20 =	sshll.u32 s6, $0x1;
	s6 =	sadd.s32 s21, s4  }
0x9e: {  	[timem:s8], [sflag:s22] =	dma.local [hbm:s6], s20  }
0x9f: {  	_ =	swait.ge [sflag:s22], s20  }
0xa0: {  	s5 =	ssub.s32 $0x0, s20;
	[sflag:s22] =	ssyncset.done $0x0  }
0xa1: {  	[sflag:s22] =	ssyncadd.s32 s5;
	_ =	sdelay $0x1  }
0xa2: {  	s23 =	simm.s32 $0x1B8B  }
0xa3: {  	_ =	swait.ge [sflag:s23], $0x1  }
0xa4: {  	[sflag:s23] =	ssyncset.done $0x0  }
0xa5: {  	s25 =	simm.s32 $0x1B8E;
	s24 =	sld [smem:$0x3FFE];
	[sflag:s23] =	ssyncadd.s32 $0xFFFFFFFF  }
0xa6: {  	s26 =	simm.s32 $execute0_lowered;
	[smem:$0x3FD2] =	sst s25  }
0xa7: {  	s6 =	sshll.u32 s26, $0x1;
	_ =	strace $0x80000046;
	[dreg:$0x1] =	wrdreg $0xFFFFFFFF  }
0xa8: {  	s28 =	simm.s32 $_size_execute0_lowered;
	s4 =	sadd.s32 s4, s6;
	[dreg:$0x0] =	wrdreg $0x0  }
0xa9: {  	s6 =	sshll.u32 s28, $0x1;
	[dreg:$0x2] =	wrdreg s4  }
0xaa: {  	[dreg:$0x3] =	wrdreg s6  }
0xab: {  	[dreg:$0x4] =	wrdreg $0xC0  }
0xac: {  	_ =	task [dreg:s8], $0x5FFFF  }
0xad: {  	[dreg:$0x1] =	wrdreg $0xFFFFFFFF  }
0xae: {  	[dreg:$0x0] =	wrdreg $0x60  }
0xaf: {  	[dreg:$0x2] =	wrdreg s2  }
0xb0: {  	[dreg:$0x3] =	wrdreg s18  }
0xb1: {  	[dreg:$0x4] =	wrdreg s24  }
0xb2: {  	[dreg:$0x5] =	wrdreg $0x9  }
0xb3: {  	_ =	task.clear_ibuf [dreg:s8], $0x6FFFF;
	_ =	strace $0x90000046  }
0xb4: {  	s29 =	simm.s32 $0x9;
	_ =	strace $0x80000048  }
0xb5: {  	_ =	swait.ge [sflag:s29], $0x1  }
0xb6: {  	[sflag:s29] =	ssyncadd.s32 $0xFFFFFFFF  }
0xb7: {  	_ =	strace $0x90000048  }
0xb8: {  	_ =	sfence  }
0xb9: {  	s30 =	sld [smem:$0x0];
	_ =	sdelay $0x2  }
0xba: {  	s31 =	sshll.u32 s1, $0xD;
	s1 =	sshrl.u32 s1, $0x2  }
0xbb: {  	s3 =	sand.u32 $0x4000, s31;
	s1 =	sadd.s32 s1, s30  }
0xbc: {  	s0 =	sor.u32 s3, s0;
	s1 =	sshll.u32 s1, $0x11  }
0xbd: {  	s0 =	sor.u32 s1, s0  }
0xbe: {  	s0 =	sadd.s32 $0x8F2B, s0  }
0xbf: {  	[sflag:s0] =	ssyncadd.remote.s32 $0x1  }
0xc0: {  	_ =	sfence.sel $0xFFFF  }
0xc1: {  	[dreg:$0x0] =	wrdreg $0xFFFFFFFF;
	(pc) =	sbr.abs _section_cstart, $3  }
0xc2: {  	[dreg:$0x1] =	wrdreg $0xFFFFFFFF  }
0xc3: {  	_ =	task.clear_ibuf [dreg:s8], $0x2FFFF;
	_ =	strace $0x9FFFFFFF  }
0xc4: {  	(tm) =	ssettm $0x7FFFFFFF  }
0xc5: {  	_ =	shalt  }
tec
execute0_lowered:
.L_overlay_start_1:
0x0: {  	(tag) =	ssettag $0x1  }
0x1: {  	s1 =	rddreg [dreg:$0x0]  }
0x2: {  	s0 =	srdreg.scid;
	s3 =	rddreg [dreg:$0x1]  }
0x3: {  	s12 =	stileid.u32;
	s5 =	rddreg [dreg:$0x2];
	s4 =	simm.s32 $0x0  }
0x4: {  	s15 =	simm.s32 $0x5;
	s16 =	simm.s32 $0x80;
	s11 =	smul.u32 $0x160000, s12  }
0x5: {  	s17 =	simm.s32 $0x11600;
	s18 =	simm.s32 $0x1600;
	s22 =	smul.u32 $0x2C000, s12  }
0x6: {  	s19 =	simm.s32 $0x11680;
	s0 =	sand.u32 $0x1, s0;
	s14 =	smul.u32 $0x2C00, s12  }
0x7: {  	s28 =	simm.s32 $0x3;
	s29 =	simm.s32 $0x4;
	s20 =	smul.u32 $0xB0000, s0  }
0x8: {  	s30 =	simm.s32 $0x11800;
	s2 =	sshll.u32 s12, $0x1;
	s13 =	smul.u32 $0x16000, s0  }
0x9: {  	s2 =	sor.u32 s0, s2;
	s8 =	ssub.s32 $0x2, s0;
	s0 =	smul.u32 $0x1600, s0  }
0xa: {  	s31 =	simm.s32 $0x11900;
	[smem:$0x7FF] =	sst s4;
	s6 =	smul.u32 $0x1600, s2  }
0xb: {  	_ =	strace $0x80000047;
	s7 =	smul.u32 $0x16000, s2;
	s10 =	sshrl.u32 s8, $0x1  }
0xc: {  	s9 =	smul.u32 $0xB0000, s2;
	s2 =	sor.u32 $0x2C000, s2;
	s8 =	ssub.s32 s8, s10  }
0xd: {  	s24 =	sadd.s32 s20, s11;
	s14 =	sadd.s32 s0, s14;
	s20 =	simm.s32 $0x5600  }
0xe: {  	v0 =	vmov s2;
	s2 =	simm.s32 $0x6;
	s0 =	simm.s32 $0x11880;
	s6 =	sshrl.u32 s6, $0x3  }
0xf: {  	s21 =	sshrl.u32 s9, $0x3;
	s25 =	smax.u32 s8, $0x1;
	s12 =	sadd.s32 $0x10000, s24  }
0x10: {  	s24 =	simm.s32 $0x11780;
	s6 =	sadd.s32 s6, s5;
	s5 =	sadd.s32 $0x5C00, s5  }
0x11: {  	[dreg:$0x9] =	wrdreg s25;
	s25 =	simm.s32 $0xD600;
	s6 =	sadd.s32 $0x400, s6  }
0x12: {  	s7 =	sadd.s32 s5, s7;
	s26 =	sadd.s32 s22, s5;
	s22 =	simm.s32 $0x11700  }
.Ltmp0:
0x13: {  	[dreg:$0x4] =	wrdreg s6;
	s6 =	sadd.s32 s5, s21;
	(pc) =	sbr.rel .LBB2_1-.Ltmp0, $4  }
0x14: {  	[dreg:$0x5] =	wrdreg s7;
	s7 =	sadd.s32 $0x1000, s7;
	s13 =	sadd.s32 s13, s26  }
0x15: {  	s21 =	simm.s32 $0x1;
	[dreg:$0x6] =	wrdreg s7;
	s23 =	sadd.s32 $0x14000, s6  }
0x16: {  	s26 =	simm.s32 $0x2;
	s6 =	sadd.s32 $0x15000, s6;
	[dreg:$0x7] =	wrdreg s23  }
0x17: {  	v1 =	vimm.f32 $0.0e+00;
	v2 =	vlaneseq.u32;
	[dreg:$0x8] =	wrdreg s6;
	s23 =	simm.s32 $0x9600;
	s6 =	simm.s32 $0x0  }
.LBB2_7:
0x18: {  	s6 =	sadd.s32 $0x1, s6;
	s7 =	rddreg [dreg:$0x9]  }
0x19: {  	p0 =	sne.s32 s6, s7  }
.Ltmp1:
0x1a: {  	_ = 	snop;
	(pc) =	sbr.rel @!p0 .LBB2_8-.Ltmp1, $1  }
0x1b: {  	_ =	sdelay $0x3  }
.LBB2_1:
0x1c: {  	s7 =	rddreg [dreg:$0x4]  }
0x1d: {  	[tilespmem:s4], [sflag:$0x5] =	stream.linear.gather [hbm4b:s7+s4], $0x1600, $0x38;
	[tilespmem:$0x15900] =	vst v63  }
0x1e: {  	_ =	swait.ge [sflag:s15], $0x1600  }
0x1f: {  	[sflag:s15] =	ssyncset.done $0x0  }
0x20: {  	[sflag:s15] =	ssyncadd.s32 $0xFFFFEA00  }
0x21: {  	v3 =	vld [tilespmem:$0x0]  }
0x22: {  	v4 =	vld [tilespmem:$0x10]  }
0x23: {  	v5 =	vld [tilespmem:$0x20]  }
0x24: {  	v6 =	vld [tilespmem:$0x30]  }
0x25: {  	v7 =	vld [tilespmem:$0x40]  }
0x26: {  	[tilespmem:$0x11600] =	vst v3;
	v3 =	vld [tilespmem:$0x50]  }
0x27: {  	v32 =	vld [tilespmem:$0x60];
	[tilespmem:$0x11610] =	vst v4  }
0x28: {  	v33 =	vld [tilespmem:$0x70];
	[tilespmem:$0x11620] =	vst v5  }
0x29: {  	v34 =	vld [tilespmem:$0x80];
	[tilespmem:$0x11630] =	vst v6  }
0x2a: {  	v35 =	vld [tilespmem:$0x90];
	[tilespmem:$0x11640] =	vst v7  }
0x2b: {  	[tilespmem:$0x11650] =	vst v3;
	v3 =	vld [tilespmem:$0xA0]  }
0x2c: {  	v36 =	vld [tilespmem:$0xB0];
	[tilespmem:$0x11660] =	vst v32  }
0x2d: {  	v37 =	vld [tilespmem:$0xC0];
	[tilespmem:$0x11670] =	vst v33  }
0x2e: {  	v38 =	vld [tilespmem:$0xD0];
	[tilespmem:$0x11680] =	vst v34  }
0x2f: {  	v39 =	vld [tilespmem:$0xE0];
	[tilespmem:$0x11690] =	vst v35  }
0x30: {  	[tilespmem:$0x116A0] =	vst v3;
	v3 =	vld [tilespmem:$0xF0]  }
0x31: {  	[tilespmem:$0x116B0] =	vst v36  }
0x32: {  	[tilespmem:$0x116C0] =	vst v37  }
0x33: {  	[tilespmem:$0x116D0] =	vst v38  }
0x34: {  	[tilespmem:$0x116E0] =	vst v39  }
0x35: {  	[tilespmem:$0x116F0] =	vst v3  }
0x36: {  	[tilespmem:s18], [sflag:$0x1] =	stream.indirect.gather [hbm4b:s1+s16], $0x80, s17, s16, $0xb8;
	[tilespmem:$0x15900] =	vst v63  }
0x37: {  	_ = 	snop  }
0x38: {  	[tilespmem:s20], [sflag:$0x1] =	stream.indirect.gather [hbm4b:s1+s16], $0x80, s19, s16, $0xb8;
	[tilespmem:$0x15900] =	vst v63  }
0x39: {  	_ =	swait.ge [sflag:s21], $0x4000  }
0x3a: {  	[sflag:s21] =	ssyncset.done $0x0  }
0x3b: {  	[sflag:s21] =	ssyncadd.s32 $0xFFFFC000  }
0x3c: {  	_ =	swait.ge [sflag:s21], $0x4000  }
0x3d: {  	[sflag:s21] =	ssyncset.done $0x0  }
0x3e: {  	s9 =	rddreg [dreg:$0x5];
	[sflag:s21] =	ssyncadd.s32 $0xFFFFC000  }
0x3f: {  	[hbm4b:s9+s4] =	stream.linear.scatter [tilespmem:s18], [sflag:$0x3], $0x8000, $0x38;
	[tilespmem:$0x15900] =	vst v63  }
0x40: {  	v3 =	vld [tilespmem:$0x100]  }
0x41: {  	v40 =	vld [tilespmem:$0x110]  }
0x42: {  	v41 =	vld [tilespmem:$0x120]  }
0x43: {  	v42 =	vld [tilespmem:$0x130]  }
0x44: {  	v43 =	vld [tilespmem:$0x140]  }
0x45: {  	[tilespmem:$0x11700] =	vst v3;
	v3 =	vld [tilespmem:$0x150]  }
0x46: {  	v44 =	vld [tilespmem:$0x160];
	[tilespmem:$0x11710] =	vst v40  }
0x47: {  	v45 =	vld [tilespmem:$0x170];
	[tilespmem:$0x11720] =	vst v41  }
0x48: {  	v46 =	vld [tilespmem:$0x180];
	[tilespmem:$0x11730] =	vst v42  }
0x49: {  	v47 =	vld [tilespmem:$0x190];
	[tilespmem:$0x11740] =	vst v43  }
0x4a: {  	[tilespmem:$0x11750] =	vst v3;
	v3 =	vld [tilespmem:$0x1A0]  }
0x4b: {  	v48 =	vld [tilespmem:$0x1B0];
	[tilespmem:$0x11760] =	vst v44  }
0x4c: {  	v49 =	vld [tilespmem:$0x1C0];
	[tilespmem:$0x11770] =	vst v45  }
0x4d: {  	v50 =	vld [tilespmem:$0x1D0];
	[tilespmem:$0x11780] =	vst v46  }
0x4e: {  	v51 =	vld [tilespmem:$0x1E0];
	[tilespmem:$0x11790] =	vst v47  }
0x4f: {  	[tilespmem:$0x117A0] =	vst v3;
	v3 =	vld [tilespmem:$0x1F0]  }
0x50: {  	[tilespmem:$0x117B0] =	vst v48  }
0x51: {  	[tilespmem:$0x117C0] =	vst v49  }
0x52: {  	[tilespmem:$0x117D0] =	vst v50  }
0x53: {  	[tilespmem:$0x117E0] =	vst v51  }
0x54: {  	[tilespmem:$0x117F0] =	vst v3  }
0x55: {  	[tilespmem:s23], [sflag:$0x2] =	stream.indirect.gather [hbm4b:s1+s16], $0x80, s22, s16, $0xb8;
	[tilespmem:$0x15900] =	vst v63  }
0x56: {  	_ = 	snop  }
0x57: {  	[tilespmem:s25], [sflag:$0x2] =	stream.indirect.gather [hbm4b:s1+s16], $0x80, s24, s16, $0xb8;
	[tilespmem:$0x15900] =	vst v63  }
0x58: {  	_ =	swait.ge [sflag:s26], $0x4000  }
0x59: {  	[sflag:s26] =	ssyncset.done $0x0  }
0x5a: {  	[sflag:s26] =	ssyncadd.s32 $0xFFFFC000  }
0x5b: {  	_ =	swait.ge [sflag:s26], $0x4000  }
0x5c: {  	[sflag:s26] =	ssyncset.done $0x0  }
0x5d: {  	s10 =	rddreg [dreg:$0x6];
	[sflag:s26] =	ssyncadd.s32 $0xFFFFC000  }
0x5e: {  	[hbm4b:s10+s4] =	stream.linear.scatter [tilespmem:s23], [sflag:$0x4], $0x8000, $0x38;
	[tilespmem:$0x15900] =	vst v63  }
0x5f: {  	_ =	swait.ge [sflag:s28], $0x8000  }
0x60: {  	[sflag:s28] =	ssyncset.done $0x0  }
0x61: {  	[sflag:s28] =	ssyncadd.s32 $0xFFFF8000  }
0x62: {  	v3 =	vld [tilespmem:$0x200]  }
0x63: {  	v52 =	vld [tilespmem:$0x210]  }
0x64: {  	v53 =	vld [tilespmem:$0x220]  }
0x65: {  	v54 =	vld [tilespmem:$0x230]  }
0x66: {  	v55 =	vld [tilespmem:$0x240]  }
0x67: {  	[tilespmem:$0x11600] =	vst v3;
	v3 =	vld [tilespmem:$0x250]  }
0x68: {  	v56 =	vld [tilespmem:$0x260];
	[tilespmem:$0x11610] =	vst v52  }
0x69: {  	v57 =	vld [tilespmem:$0x270];
	[tilespmem:$0x11620] =	vst v53  }
0x6a: {  	v58 =	vld [tilespmem:$0x280];
	[tilespmem:$0x11630] =	vst v54  }
0x6b: {  	v59 =	vld [tilespmem:$0x290];
	[tilespmem:$0x11640] =	vst v55  }
0x6c: {  	[tilespmem:$0x11650] =	vst v3;
	v3 =	vld [tilespmem:$0x2A0]  }
0x6d: {  	v60 =	vld [tilespmem:$0x2B0];
	[tilespmem:$0x11660] =	vst v56  }
0x6e: {  	v61 =	vld [tilespmem:$0x2C0];
	[tilespmem:$0x11670] =	vst v57  }
0x6f: {  	v62 =	vld [tilespmem:$0x2D0];
	[tilespmem:$0x11680] =	vst v58  }
0x70: {  	v63 =	vld [tilespmem:$0x2E0];
	[tilespmem:$0x11690] =	vst v59  }
0x71: {  	[tilespmem:$0x116A0] =	vst v3;
	v3 =	vld [tilespmem:$0x2F0]  }
0x72: {  	[tilespmem:$0x116B0] =	vst v60  }
0x73: {  	[tilespmem:$0x116C0] =	vst v61  }
0x74: {  	[tilespmem:$0x116D0] =	vst v62  }
0x75: {  	[tilespmem:$0x116E0] =	vst v63  }
0x76: {  	[tilespmem:$0x116F0] =	vst v3  }
0x77: {  	[tilespmem:s18], [sflag:$0x1] =	stream.indirect.gather [hbm4b:s1+s16], $0x80, s17, s16, $0xb8;
	[tilespmem:$0x15900] =	vst v63  }
0x78: {  	_ = 	snop  }
0x79: {  	[tilespmem:s20], [sflag:$0x1] =	stream.indirect.gather [hbm4b:s1+s16], $0x80, s19, s16, $0xb8;
	[tilespmem:$0x15900] =	vst v63  }
0x7a: {  	_ =	swait.ge [sflag:s21], $0x4000  }
0x7b: {  	[sflag:s21] =	ssyncset.done $0x0  }
0x7c: {  	[sflag:s21] =	ssyncadd.s32 $0xFFFFC000  }
0x7d: {  	_ =	swait.ge [sflag:s21], $0x4000  }
0x7e: {  	s8 =	sshrl.u32 s12, $0x3;
	[sflag:s21] =	ssyncset.done $0x0  }
0x7f: {  	s8 =	sadd.s32 s5, s8;
	[sflag:s21] =	ssyncadd.s32 $0xFFFFC000  }
0x80: {  	[hbm4b:s8+s4] =	stream.linear.scatter [tilespmem:s18], [sflag:$0x3], $0x8000, $0x38;
	[tilespmem:$0x15900] =	vst v63  }
0x81: {  	_ =	swait.ge [sflag:s29], $0x8000  }
0x82: {  	[sflag:s29] =	ssyncset.done $0x0  }
0x83: {  	s11 =	simm.s32 $0x4F0;
	[sflag:s29] =	ssyncadd.s32 $0xFFFF8000  }
0x84: {  	v3 =	vld [tilespmem:s11+$0xFFFFFE10];
	_ =	sdelay $0x4  }
0x85: {  	[tilespmem:$0x11700] =	vst v3  }
0x86: {  	v3 =	vld [tilespmem:s11+$0xFFFFFE20];
	_ =	sdelay $0x4  }
0x87: {  	[tilespmem:$0x11710] =	vst v3  }
0x88: {  	v3 =	vld [tilespmem:s11+$0xFFFFFE30];
	_ =	sdelay $0x4  }
0x89: {  	[tilespmem:$0x11720] =	vst v3  }
0x8a: {  	v3 =	vld [tilespmem:s11+$0xFFFFFE40];
	_ =	sdelay $0x4  }
0x8b: {  	[tilespmem:$0x11730] =	vst v3  }
0x8c: {  	v3 =	vld [tilespmem:s11+$0xFFFFFE50];
	_ =	sdelay $0x4  }
0x8d: {  	[tilespmem:$0x11740] =	vst v3  }
0x8e: {  	v3 =	vld [tilespmem:s11+$0xFFFFFE60];
	_ =	sdelay $0x4  }
0x8f: {  	[tilespmem:$0x11750] =	vst v3  }
0x90: {  	v3 =	vld [tilespmem:s11+$0xFFFFFE70];
	_ =	sdelay $0x4  }
0x91: {  	[tilespmem:$0x11760] =	vst v3  }
0x92: {  	v3 =	vld [tilespmem:s11+$0xFFFFFE80];
	_ =	sdelay $0x4  }
0x93: {  	[tilespmem:$0x11770] =	vst v3  }
0x94: {  	v3 =	vld [tilespmem:s11+$0xFFFFFE90];
	_ =	sdelay $0x4  }
0x95: {  	[tilespmem:$0x11780] =	vst v3  }
0x96: {  	v3 =	vld [tilespmem:s11+$0xFFFFFEA0];
	_ =	sdelay $0x4  }
0x97: {  	[tilespmem:$0x11790] =	vst v3  }
0x98: {  	v3 =	vld [tilespmem:s11+$0xFFFFFEB0];
	_ =	sdelay $0x4  }
0x99: {  	[tilespmem:$0x117A0] =	vst v3  }
0x9a: {  	v3 =	vld [tilespmem:s11+$0xFFFFFEC0];
	_ =	sdelay $0x4  }
0x9b: {  	[tilespmem:$0x117B0] =	vst v3  }
0x9c: {  	v3 =	vld [tilespmem:s11+$0xFFFFFED0];
	_ =	sdelay $0x4  }
0x9d: {  	[tilespmem:$0x117C0] =	vst v3  }
0x9e: {  	v3 =	vld [tilespmem:s11+$0xFFFFFEE0];
	_ =	sdelay $0x4  }
0x9f: {  	[tilespmem:$0x117D0] =	vst v3  }
0xa0: {  	v3 =	vld [tilespmem:s11+$0xFFFFFEF0];
	_ =	sdelay $0x4  }
0xa1: {  	[tilespmem:$0x117E0] =	vst v3  }
0xa2: {  	v3 =	vld [tilespmem:s11+$0xFFFFFF00];
	_ =	sdelay $0x4  }
0xa3: {  	[tilespmem:$0x117F0] =	vst v3  }
0xa4: {  	[tilespmem:s23], [sflag:$0x2] =	stream.indirect.gather [hbm4b:s1+s16], $0x80, s22, s16, $0xb8;
	[tilespmem:$0x15900] =	vst v63  }
0xa5: {  	_ = 	snop  }
0xa6: {  	[tilespmem:s25], [sflag:$0x2] =	stream.indirect.gather [hbm4b:s1+s16], $0x80, s24, s16, $0xb8;
	[tilespmem:$0x15900] =	vst v63  }
0xa7: {  	_ =	swait.ge [sflag:s26], $0x4000  }
0xa8: {  	[sflag:s26] =	ssyncset.done $0x0  }
0xa9: {  	[sflag:s26] =	ssyncadd.s32 $0xFFFFC000  }
0xaa: {  	_ =	swait.ge [sflag:s26], $0x4000  }
0xab: {  	[sflag:s26] =	ssyncset.done $0x0  }
0xac: {  	s9 =	sadd.s32 $0x3000, s13;
	[sflag:s26] =	ssyncadd.s32 $0xFFFFC000  }
0xad: {  	[hbm4b:s9+s4] =	stream.linear.scatter [tilespmem:s23], [sflag:$0x4], $0x8000, $0x38;
	[tilespmem:$0x15900] =	vst v63  }
0xae: {  	_ =	swait.ge [sflag:s28], $0x8000  }
0xaf: {  	[sflag:s28] =	ssyncset.done $0x0  }
0xb0: {  	[sflag:s28] =	ssyncadd.s32 $0xFFFF8000  }
0xb1: {  	v3 =	vld [tilespmem:s11+$0xFFFFFF10];
	_ =	sdelay $0x4  }
0xb2: {  	[tilespmem:$0x11600] =	vst v3  }
0xb3: {  	v3 =	vld [tilespmem:s11+$0xFFFFFF20];
	_ =	sdelay $0x4  }
0xb4: {  	[tilespmem:$0x11610] =	vst v3  }
0xb5: {  	v3 =	vld [tilespmem:s11+$0xFFFFFF30];
	_ =	sdelay $0x4  }
0xb6: {  	[tilespmem:$0x11620] =	vst v3  }
0xb7: {  	v3 =	vld [tilespmem:s11+$0xFFFFFF40];
	_ =	sdelay $0x4  }
0xb8: {  	[tilespmem:$0x11630] =	vst v3  }
0xb9: {  	v3 =	vld [tilespmem:s11+$0xFFFFFF50];
	_ =	sdelay $0x4  }
0xba: {  	[tilespmem:$0x11640] =	vst v3  }
0xbb: {  	v3 =	vld [tilespmem:s11+$0xFFFFFF60];
	_ =	sdelay $0x4  }
0xbc: {  	[tilespmem:$0x11650] =	vst v3  }
0xbd: {  	v3 =	vld [tilespmem:s11+$0xFFFFFF70];
	_ =	sdelay $0x4  }
0xbe: {  	[tilespmem:$0x11660] =	vst v3  }
0xbf: {  	v3 =	vld [tilespmem:s11+$0xFFFFFF80];
	_ =	sdelay $0x4  }
0xc0: {  	[tilespmem:$0x11670] =	vst v3  }
0xc1: {  	v3 =	vld [tilespmem:s11+$0xFFFFFF90];
	_ =	sdelay $0x4  }
0xc2: {  	[tilespmem:$0x11680] =	vst v3  }
0xc3: {  	v3 =	vld [tilespmem:s11+$0xFFFFFFA0];
	_ =	sdelay $0x4  }
0xc4: {  	[tilespmem:$0x11690] =	vst v3  }
0xc5: {  	v3 =	vld [tilespmem:s11+$0xFFFFFFB0];
	_ =	sdelay $0x4  }
0xc6: {  	[tilespmem:$0x116A0] =	vst v3  }
0xc7: {  	v3 =	vld [tilespmem:s11+$0xFFFFFFC0];
	_ =	sdelay $0x4  }
0xc8: {  	[tilespmem:$0x116B0] =	vst v3  }
0xc9: {  	v3 =	vld [tilespmem:s11+$0xFFFFFFD0];
	_ =	sdelay $0x4  }
0xca: {  	[tilespmem:$0x116C0] =	vst v3  }
0xcb: {  	v3 =	vld [tilespmem:s11+$0xFFFFFFE0];
	_ =	sdelay $0x4  }
0xcc: {  	[tilespmem:$0x116D0] =	vst v3  }
0xcd: {  	v3 =	vld [tilespmem:s11+$0xFFFFFFF0];
	_ =	sdelay $0x4  }
0xce: {  	[tilespmem:$0x116E0] =	vst v3  }
0xcf: {  	v3 =	vld [tilespmem:s11+$0x0];
	_ =	sdelay $0x4  }
0xd0: {  	s10 =	simm.s32 $0x6F0;
	s8 =	simm.s32 $0x5000;
	s9 =	sadd.s32 $0x10000, s12;
	[tilespmem:$0x116F0] =	vst v3  }
0xd1: {  	[tilespmem:s18], [sflag:$0x1] =	stream.indirect.gather [hbm4b:s1+s16], $0x80, s17, s16, $0xb8;
	[tilespmem:$0x15900] =	vst v63  }
.LBB2_2:
0xd2: {  	[tilespmem:s20], [sflag:$0x1] =	stream.indirect.gather [hbm4b:s1+s16], $0x80, s19, s16, $0xb8;
	[tilespmem:$0x15900] =	vst v63  }
0xd3: {  	s11 =	smov.u32 s8  }
0xd4: {  	p0 =	sne.s32 s8, $0x13000;
	s8 =	sadd.s32 $0x2000, s8;
	_ =	swait.ge [sflag:s21], $0x4000  }
0xd5: {  	[sflag:s21] =	ssyncset.done $0x0  }
0xd6: {  	[sflag:s21] =	ssyncadd.s32 $0xFFFFC000  }
0xd7: {  	_ =	swait.ge [sflag:s21], $0x4000  }
0xd8: {  	s7 =	sshrl.u32 s9, $0x3;
	[sflag:s21] =	ssyncset.done $0x0  }
0xd9: {  	s7 =	sadd.s32 s5, s7;
	[sflag:s21] =	ssyncadd.s32 $0xFFFFC000  }
0xda: {  	[hbm4b:s7+s4] =	stream.linear.scatter [tilespmem:s18], [sflag:$0x3], $0x8000, $0x38;
	[tilespmem:$0x15900] =	vst v63  }
0xdb: {  	_ =	swait.ge [sflag:s29], $0x8000  }
0xdc: {  	[sflag:s29] =	ssyncset.done $0x0  }
0xdd: {  	[sflag:s29] =	ssyncadd.s32 $0xFFFF8000  }
0xde: {  	v3 =	vld [tilespmem:s10+$0xFFFFFE10];
	_ =	sdelay $0x4  }
0xdf: {  	[tilespmem:$0x11700] =	vst v3  }
0xe0: {  	v3 =	vld [tilespmem:s10+$0xFFFFFE20];
	_ =	sdelay $0x4  }
0xe1: {  	[tilespmem:$0x11710] =	vst v3  }
0xe2: {  	v3 =	vld [tilespmem:s10+$0xFFFFFE30];
	_ =	sdelay $0x4  }
0xe3: {  	[tilespmem:$0x11720] =	vst v3  }
0xe4: {  	v3 =	vld [tilespmem:s10+$0xFFFFFE40];
	_ =	sdelay $0x4  }
0xe5: {  	[tilespmem:$0x11730] =	vst v3  }
0xe6: {  	v3 =	vld [tilespmem:s10+$0xFFFFFE50];
	_ =	sdelay $0x4  }
0xe7: {  	[tilespmem:$0x11740] =	vst v3  }
0xe8: {  	v3 =	vld [tilespmem:s10+$0xFFFFFE60];
	_ =	sdelay $0x4  }
0xe9: {  	[tilespmem:$0x11750] =	vst v3  }
0xea: {  	v3 =	vld [tilespmem:s10+$0xFFFFFE70];
	_ =	sdelay $0x4  }
0xeb: {  	[tilespmem:$0x11760] =	vst v3  }
0xec: {  	v3 =	vld [tilespmem:s10+$0xFFFFFE80];
	_ =	sdelay $0x4  }
0xed: {  	[tilespmem:$0x11770] =	vst v3  }
0xee: {  	v3 =	vld [tilespmem:s10+$0xFFFFFE90];
	_ =	sdelay $0x4  }
0xef: {  	[tilespmem:$0x11780] =	vst v3  }
0xf0: {  	v3 =	vld [tilespmem:s10+$0xFFFFFEA0];
	_ =	sdelay $0x4  }
0xf1: {  	[tilespmem:$0x11790] =	vst v3  }
0xf2: {  	v3 =	vld [tilespmem:s10+$0xFFFFFEB0];
	_ =	sdelay $0x4  }
0xf3: {  	[tilespmem:$0x117A0] =	vst v3  }
0xf4: {  	v3 =	vld [tilespmem:s10+$0xFFFFFEC0];
	_ =	sdelay $0x4  }
0xf5: {  	[tilespmem:$0x117B0] =	vst v3  }
0xf6: {  	v3 =	vld [tilespmem:s10+$0xFFFFFED0];
	_ =	sdelay $0x4  }
0xf7: {  	[tilespmem:$0x117C0] =	vst v3  }
0xf8: {  	v3 =	vld [tilespmem:s10+$0xFFFFFEE0];
	_ =	sdelay $0x4  }
0xf9: {  	[tilespmem:$0x117D0] =	vst v3  }
0xfa: {  	v3 =	vld [tilespmem:s10+$0xFFFFFEF0];
	_ =	sdelay $0x4  }
0xfb: {  	[tilespmem:$0x117E0] =	vst v3  }
0xfc: {  	v3 =	vld [tilespmem:s10+$0xFFFFFF00];
	_ =	sdelay $0x4  }
0xfd: {  	[tilespmem:$0x117F0] =	vst v3  }
0xfe: {  	[tilespmem:s23], [sflag:$0x2] =	stream.indirect.gather [hbm4b:s1+s16], $0x80, s22, s16, $0xb8;
	[tilespmem:$0x15900] =	vst v63  }
0xff: {  	_ = 	snop  }
0x100: {  	[tilespmem:s25], [sflag:$0x2] =	stream.indirect.gather [hbm4b:s1+s16], $0x80, s24, s16, $0xb8;
	[tilespmem:$0x15900] =	vst v63  }
0x101: {  	_ =	swait.ge [sflag:s26], $0x4000  }
0x102: {  	[sflag:s26] =	ssyncset.done $0x0  }
0x103: {  	[sflag:s26] =	ssyncadd.s32 $0xFFFFC000  }
0x104: {  	_ =	swait.ge [sflag:s26], $0x4000  }
0x105: {  	[sflag:s26] =	ssyncset.done $0x0  }
0x106: {  	s7 =	sadd.s32 s11, s13;
	[sflag:s26] =	ssyncadd.s32 $0xFFFFC000  }
0x107: {  	[hbm4b:s7+s4] =	stream.linear.scatter [tilespmem:s23], [sflag:$0x4], $0x8000, $0x38;
	[tilespmem:$0x15900] =	vst v63  }
0x108: {  	_ =	swait.ge [sflag:s28], $0x8000  }
0x109: {  	[sflag:s28] =	ssyncset.done $0x0  }
0x10a: {  	[sflag:s28] =	ssyncadd.s32 $0xFFFF8000  }
0x10b: {  	v3 =	vld [tilespmem:s10+$0xFFFFFF10];
	_ =	sdelay $0x4  }
0x10c: {  	[tilespmem:$0x11600] =	vst v3  }
0x10d: {  	v3 =	vld [tilespmem:s10+$0xFFFFFF20];
	_ =	sdelay $0x4  }
0x10e: {  	[tilespmem:$0x11610] =	vst v3  }
0x10f: {  	v3 =	vld [tilespmem:s10+$0xFFFFFF30];
	_ =	sdelay $0x4  }
0x110: {  	[tilespmem:$0x11620] =	vst v3  }
0x111: {  	v3 =	vld [tilespmem:s10+$0xFFFFFF40];
	_ =	sdelay $0x4  }
0x112: {  	[tilespmem:$0x11630] =	vst v3  }
0x113: {  	v3 =	vld [tilespmem:s10+$0xFFFFFF50];
	_ =	sdelay $0x4  }
0x114: {  	[tilespmem:$0x11640] =	vst v3  }
0x115: {  	v3 =	vld [tilespmem:s10+$0xFFFFFF60];
	_ =	sdelay $0x4  }
0x116: {  	[tilespmem:$0x11650] =	vst v3  }
0x117: {  	v3 =	vld [tilespmem:s10+$0xFFFFFF70];
	_ =	sdelay $0x4  }
0x118: {  	[tilespmem:$0x11660] =	vst v3  }
0x119: {  	v3 =	vld [tilespmem:s10+$0xFFFFFF80];
	_ =	sdelay $0x4  }
0x11a: {  	[tilespmem:$0x11670] =	vst v3  }
0x11b: {  	v3 =	vld [tilespmem:s10+$0xFFFFFF90];
	_ =	sdelay $0x4  }
0x11c: {  	[tilespmem:$0x11680] =	vst v3  }
0x11d: {  	v3 =	vld [tilespmem:s10+$0xFFFFFFA0];
	_ =	sdelay $0x4  }
0x11e: {  	[tilespmem:$0x11690] =	vst v3  }
0x11f: {  	v3 =	vld [tilespmem:s10+$0xFFFFFFB0];
	_ =	sdelay $0x4  }
0x120: {  	[tilespmem:$0x116A0] =	vst v3  }
0x121: {  	v3 =	vld [tilespmem:s10+$0xFFFFFFC0];
	_ =	sdelay $0x4  }
0x122: {  	[tilespmem:$0x116B0] =	vst v3  }
0x123: {  	v3 =	vld [tilespmem:s10+$0xFFFFFFD0];
	_ =	sdelay $0x4  }
0x124: {  	[tilespmem:$0x116C0] =	vst v3  }
0x125: {  	v3 =	vld [tilespmem:s10+$0xFFFFFFE0];
	_ =	sdelay $0x4  }
0x126: {  	[tilespmem:$0x116D0] =	vst v3  }
0x127: {  	v3 =	vld [tilespmem:s10+$0xFFFFFFF0];
	_ =	sdelay $0x4  }
0x128: {  	[tilespmem:$0x116E0] =	vst v3  }
0x129: {  	v3 =	vld [tilespmem:s10+$0x0];
	_ =	sdelay $0x2  }
.Ltmp2:
0x12a: {  	(pc) =	sbr.rel @p0 .LBB2_2-.Ltmp2, $4  }
0x12b: {  	_ = 	snop  }
0x12c: {  	[tilespmem:$0x116F0] =	vst v3  }
0x12d: {  	[tilespmem:s18], [sflag:$0x1] =	stream.indirect.gather [hbm4b:s1+s16], $0x80, s17, s16, $0xb8;
	[tilespmem:$0x15900] =	vst v63  }
0x12e: {  	s9 =	sadd.s32 $0x10000, s9;
	s10 =	sadd.s32 $0x200, s10  }
0x12f: {  	[tilespmem:s20], [sflag:$0x1] =	stream.indirect.gather [hbm4b:s1+s16], $0x80, s19, s16, $0xb8;
	[tilespmem:$0x15900] =	vst v63  }
0x130: {  	_ =	swait.ge [sflag:s21], $0x4000  }
0x131: {  	[sflag:s21] =	ssyncset.done $0x0  }
0x132: {  	[sflag:s21] =	ssyncadd.s32 $0xFFFFC000  }
0x133: {  	_ =	swait.ge [sflag:s21], $0x4000  }
0x134: {  	[sflag:s21] =	ssyncset.done $0x0  }
0x135: {  	s8 =	simm.s32 $0x0;
	s7 =	rddreg [dreg:$0x7];
	[sflag:s21] =	ssyncadd.s32 $0xFFFFC000  }
0x136: {  	[hbm4b:s7+s8] =	stream.linear.scatter [tilespmem:s18], [sflag:$0x3], $0x8000, $0x38;
	[tilespmem:$0x15900] =	vst v63  }
0x137: {  	_ =	swait.ge [sflag:s29], $0x8000  }
0x138: {  	[sflag:s29] =	ssyncset.done $0x0  }
0x139: {  	[sflag:s29] =	ssyncadd.s32 $0xFFFF8000  }
0x13a: {  	v3 =	vld [tilespmem:$0x1500]  }
0x13b: {  	v4 =	vld [tilespmem:$0x1510]  }
0x13c: {  	v5 =	vld [tilespmem:$0x1520]  }
0x13d: {  	v6 =	vld [tilespmem:$0x1530]  }
0x13e: {  	v7 =	vld [tilespmem:$0x1540]  }
0x13f: {  	[tilespmem:$0x11700] =	vst v3;
	v3 =	vld [tilespmem:$0x1550]  }
0x140: {  	v56 =	vld [tilespmem:$0x1560];
	[tilespmem:$0x11710] =	vst v4  }
0x141: {  	v57 =	vld [tilespmem:$0x1570];
	[tilespmem:$0x11720] =	vst v5  }
0x142: {  	v58 =	vld [tilespmem:$0x1580];
	[tilespmem:$0x11730] =	vst v6  }
0x143: {  	v59 =	vld [tilespmem:$0x1590];
	[tilespmem:$0x11740] =	vst v7  }
0x144: {  	[tilespmem:$0x11750] =	vst v3;
	v3 =	vld [tilespmem:$0x15A0]  }
0x145: {  	v60 =	vld [tilespmem:$0x15B0];
	[tilespmem:$0x11760] =	vst v56  }
0x146: {  	v61 =	vld [tilespmem:$0x15C0];
	[tilespmem:$0x11770] =	vst v57  }
0x147: {  	v62 =	vld [tilespmem:$0x15D0];
	[tilespmem:$0x11780] =	vst v58  }
0x148: {  	v63 =	vld [tilespmem:$0x15E0];
	[tilespmem:$0x11790] =	vst v59  }
0x149: {  	[tilespmem:$0x117A0] =	vst v3;
	v3 =	vld [tilespmem:$0x15F0]  }
0x14a: {  	[tilespmem:$0x117B0] =	vst v60  }
0x14b: {  	[tilespmem:$0x117C0] =	vst v61  }
0x14c: {  	[tilespmem:$0x117D0] =	vst v62  }
0x14d: {  	[tilespmem:$0x117E0] =	vst v63  }
0x14e: {  	[tilespmem:$0x117F0] =	vst v3  }
0x14f: {  	[tilespmem:s23], [sflag:$0x2] =	stream.indirect.gather [hbm4b:s1+s16], $0x80, s22, s16, $0xb8;
	[tilespmem:$0x15900] =	vst v63  }
0x150: {  	_ = 	snop  }
0x151: {  	[tilespmem:s25], [sflag:$0x2] =	stream.indirect.gather [hbm4b:s1+s16], $0x80, s24, s16, $0xb8;
	[tilespmem:$0x15900] =	vst v63  }
0x152: {  	_ =	swait.ge [sflag:s26], $0x4000  }
0x153: {  	[sflag:s26] =	ssyncset.done $0x0  }
0x154: {  	[sflag:s26] =	ssyncadd.s32 $0xFFFFC000  }
0x155: {  	_ =	swait.ge [sflag:s26], $0x4000  }
0x156: {  	[sflag:s26] =	ssyncset.done $0x0  }
0x157: {  	s11 =	rddreg [dreg:$0x8];
	[sflag:s26] =	ssyncadd.s32 $0xFFFFC000  }
0x158: {  	[hbm4b:s11+s8] =	stream.linear.scatter [tilespmem:s23], [sflag:$0x4], $0x8000, $0x38;
	[tilespmem:$0x15900] =	vst v63  }
0x159: {  	_ =	swait.ge [sflag:s28], $0x8000  }
.Ltmp3:
0x15a: {  	[sflag:s28] =	ssyncset.done $0x0;
	(pc) =	sbr.rel .LBB2_4-.Ltmp3, $4  }
0x15b: {  	[sflag:s28] =	ssyncadd.s32 $0xFFFF8000  }
0x15c: {  	_ =	swait.ge [sflag:s29], $0x8000  }
0x15d: {  	[sflag:s29] =	ssyncset.done $0x0  }
0x15e: {  	s9 =	simm.s32 $0x40;
	[sflag:s29] =	ssyncadd.s32 $0xFFFF8000  }
.LBB2_6:
0x15f: {  	s8 =	sadd.s32 $0x80, s8  }
0x160: {  	p0 =	sne.s32 s8, $0x1600  }
.Ltmp4:
0x161: {  	_ = 	snop;
	(pc) =	sbr.rel @!p0 .LBB2_7-.Ltmp4, $2  }
0x162: {  	_ =	sdelay $0x2  }
0x163: {  	s9 =	sadd.s32 $0x80, s9  }
.LBB2_4:
0x164: {  	v3 =	vld [tilespmem:s9+$0xFFFFFFD0]  }
0x165: {  	v4 =	vld [tilespmem:s9+$0xFFFFFFE0]  }
0x166: {  	v5 =	vld [tilespmem:s9+$0xFFFFFFF0]  }
0x167: {  	v6 =	vld [tilespmem:s9+$0x0]  }
0x168: {  	v7 =	vld [tilespmem:s9+$0x10]  }
0x169: {  	v8 =	vld [tilespmem:s9+$0x20]  }
0x16a: {  	vm0 =	vlt.s32 v3, $0x32;
	vm1 =	vlt.s32 v4, $0x32;
	v4 =	vld [tilespmem:s9+$0x30]  }
0x16b: {  	v3 =	vld [tilespmem:s9+$0xFFFFFFC0];
	vm0 =	vmor vm0, vm1;
	vm1 =	vlt.s32 v5, $0x32  }
0x16c: {  	vm2 =	vlt.s32 v6, $0x32;
	vm0 =	vmor vm0, vm1  }
0x16d: {  	vm1 =	vlt.s32 v7, $0x32;
	vm0 =	vmor vm0, vm2  }
0x16e: {  	vm2 =	vlt.s32 v8, $0x32;
	vm0 =	vmor vm0, vm1  }
0x16f: {  	vm1 =	vmor vm0, vm2;
	vm2 =	vlt.s32 v4, $0x32  }
0x170: {  	vm0 =	vlt.s32 v3, $0x32;
	vm1 =	vmor vm1, vm2  }
0x171: {  	vm1 =	vmor vm0, vm1  }
0x172: {  	v4 =	vsel vm1, $0x3F800000, v1  }
0x173: {  	(xrf0) =	vmax.scan.msk.f32 $0xffff, v4;
	_ =	sdelay $0x5  }
0x174: {  	v4, _, _ =	vpop (xrf0)  }
0x175: {  	(v2sf) =	vpush v4, $0xF;
	_ =	sdelay $0xe  }
0x176: {  	s7 =	spop (v2sf)  }
0x177: {  	p0 =	sgt.f32 s7, $0.0e+00  }
.Ltmp5:
0x178: {  	_ = 	snop;
	(pc) =	sbr.rel @!p0 .LBB2_6-.Ltmp5, $1  }
0x179: {  	_ =	sdelay $0x3  }
0x17a: {  	v3 =	vsub.s32 $0x31, v3;
	s10 =	sadd.s32 s8, s14  }
0x17b: {  	v3 =	vnsel vm0, $0x0, v3;
	v4 =	vor.u32 s10, v2  }
0x17c: {  	[tilespmem:$0x11800] =	vst v3;
	v3 =	vsel vm0, v4, v0  }
0x17d: {  	[tilespmem:$0x11880] =	vst v3  }
0x17e: {  	v3 =	vld [tilespmem:s9+$0xFFFFFFD0];
	_ =	sdelay $0x4  }
0x17f: {  	s7 =	sadd.s32 $0x10, s10;
	vm9 =	vlt.s32 v3, $0x32;
	v3 =	vsub.s32 $0x31, v3  }
0x180: {  	v57 =	vor.u32 s7, v2;
	v3 =	vnsel vm9, $0x0, v3  }
0x181: {  	[tilespmem:$0x11810] =	vst v3;
	v3 =	vsel vm9, v57, v0  }
0x182: {  	[tilespmem:$0x11890] =	vst v3  }
0x183: {  	v3 =	vld [tilespmem:s9+$0xFFFFFFE0];
	_ =	sdelay $0x4  }
0x184: {  	s11 =	sadd.s32 $0x20, s10;
	vm10 =	vlt.s32 v3, $0x32;
	v3 =	vsub.s32 $0x31, v3  }
0x185: {  	v58 =	vor.u32 s11, v2;
	v3 =	vnsel vm10, $0x0, v3  }
0x186: {  	[tilespmem:$0x11820] =	vst v3;
	v3 =	vsel vm10, v58, v0  }
0x187: {  	[tilespmem:$0x118A0] =	vst v3  }
0x188: {  	v3 =	vld [tilespmem:s9+$0xFFFFFFF0];
	_ =	sdelay $0x4  }
0x189: {  	s11 =	sadd.s32 $0x30, s10;
	vm11 =	vlt.s32 v3, $0x32;
	v3 =	vsub.s32 $0x31, v3  }
0x18a: {  	v59 =	vor.u32 s11, v2;
	v3 =	vnsel vm11, $0x0, v3  }
0x18b: {  	[tilespmem:$0x11830] =	vst v3;
	v3 =	vsel vm11, v59, v0  }
0x18c: {  	[tilespmem:$0x118B0] =	vst v3  }
0x18d: {  	v3 =	vld [tilespmem:s9+$0x0];
	_ =	sdelay $0x4  }
0x18e: {  	s11 =	sadd.s32 $0x40, s10;
	vm12 =	vlt.s32 v3, $0x32;
	v3 =	vsub.s32 $0x31, v3  }
0x18f: {  	v60 =	vor.u32 s11, v2;
	v3 =	vnsel vm12, $0x0, v3  }
0x190: {  	[tilespmem:$0x11840] =	vst v3;
	v3 =	vsel vm12, v60, v0  }
0x191: {  	[tilespmem:$0x118C0] =	vst v3  }
0x192: {  	v3 =	vld [tilespmem:s9+$0x10];
	_ =	sdelay $0x4  }
0x193: {  	s11 =	sadd.s32 $0x50, s10;
	vm13 =	vlt.s32 v3, $0x32;
	v3 =	vsub.s32 $0x31, v3  }
0x194: {  	v61 =	vor.u32 s11, v2;
	v3 =	vnsel vm13, $0x0, v3  }
0x195: {  	[tilespmem:$0x11850] =	vst v3;
	v3 =	vsel vm13, v61, v0  }
0x196: {  	[tilespmem:$0x118D0] =	vst v3  }
0x197: {  	v3 =	vld [tilespmem:s9+$0x20];
	_ =	sdelay $0x4  }
0x198: {  	s11 =	sadd.s32 $0x60, s10;
	vm14 =	vlt.s32 v3, $0x32;
	v3 =	vsub.s32 $0x31, v3  }
0x199: {  	v62 =	vor.u32 s11, v2;
	v3 =	vnsel vm14, $0x0, v3  }
0x19a: {  	[tilespmem:$0x11860] =	vst v3;
	v3 =	vsel vm14, v62, v0  }
0x19b: {  	[tilespmem:$0x118E0] =	vst v3  }
0x19c: {  	v3 =	vld [tilespmem:s9+$0x30];
	_ =	sdelay $0x4  }
0x19d: {  	s11 =	sadd.s32 $0x70, s10;
	vm15 =	vlt.s32 v3, $0x32;
	v3 =	vsub.s32 $0x31, v3  }
0x19e: {  	v63 =	vor.u32 s11, v2;
	v3 =	vnsel vm15, $0x0, v3  }
0x19f: {  	[tilespmem:$0x11870] =	vst v3;
	v3 =	vsel vm15, v63, v0  }
0x1a0: {  	[tilespmem:$0x118F0] =	vst v3  }
0x1a1: {  	[tilespmem:s31], [sflag:$0x6] =	stream.indirect.gather [hbm4b:s3+s16], $0x80, s30, s16, $0xb8;
	[tilespmem:$0x15900] =	vst v63  }
0x1a2: {  	_ =	swait.ge [sflag:s2], $0x4000  }
0x1a3: {  	[sflag:s2] =	ssyncset.done $0x0  }
.Ltmp6:
0x1a4: {  	[sflag:s2] =	ssyncadd.s32 $0xFFFFC000;
	(pc) =	sbr.rel .LBB2_6-.Ltmp6, $4  }
0x1a5: {  	[hbm4b:s5+s16] =	stream.indirect.scatter [tilespmem:s31], [sflag:$0x5], $0x80, s0, s16, $0xb8;
	[tilespmem:$0x15900] =	vst v63  }
0x1a6: {  	_ =	swait.ge [sflag:s15], $0x4000  }
0x1a7: {  	[sflag:s15] =	ssyncset.done $0x0  }
0x1a8: {  	[sflag:s15] =	ssyncadd.s32 $0xFFFFC000  }
.LBB2_8:
0x1a9: {  	_ =	sfence.sel $0x180000  }
0x1aa: {  	[bflag:$0x0] =	sbarrier.arrive $0xFFFF  }
0x1ab: {  	_ =	strace $0x90000047  }
0x1ac: {  	s0 =	stileid.u32;
	[bflag:$0x2] =	sbarrier.arrive $0xFFFF  }
0x1ad: {  	p0 =	sne.s32 s0, $0x0;
	s0 =	rddreg [dreg:$0x3]  }
0x1ae: {  	s0 =	sadd.s32 @!p0 $0x100000, s0  }
0x1af: {  	[sflag:s0] =	ssyncadd.tile.s32 @!p0 $0x1;
	_ =	shalt  }
.Lfunc_end2:
_tile_overlayer_lowered:
.L_overlay_start_2:
0x1b0: {  	(tag) =	ssettag $0x2  }
0x1b1: {  	s0 =	rddreg [dreg:$0x0];
	s2 =	stileid.u32  }
0x1b2: {  	s1 =	rddreg [dreg:$0x1];
	p0 =	sne.s32 s2, $0x0  }
0x1b3: {  	s3 =	rddreg [dreg:$0x2];
	[bflag:$0x3] =	sbarrier.arrive $0xFFFF;
	s2 =	simm.s32 @!p0 $0x1C05  }
0x1b4: {  	[timem:s3], [sflag:s2] =	dma.local @!p0 [hbm:s0], s1  }
0x1b5: {  	s0 =	simm.s32 @!p0 $0x5  }
0x1b6: {  	_ =	swait.ge @!p0 [sflag:s0], s1  }
0x1b7: {  	s1 =	ssub.s32 @!p0 $0x0, s1;
	[sflag:s0] =	ssyncset.done @!p0 $0x0  }
0x1b8: {  	[sflag:s0] =	ssyncadd.s32 @!p0 s1  }
0x1b9: {  	[bflag:$0x3] =	sbarrier.arrive $0xFFFF  }
0x1ba: {  	_ =	shalt  }

</sc_bundles>
